<compile_context>
chip_gen: v7x
topology: tpu7x:2x2x1
jax: 0.10.2.dev20260603
libtpu: 0.0.44.dev20260713+nightly
codegen_flags: <defaults>
</compile_context>

<pallas_src>
import functools

import jax
import jax.numpy as jnp
from jax import lax
from jax.experimental import pallas as pl
from jax.experimental.pallas import tpu as pltpu
from jax.experimental.pallas import tpu_sc as plsc

N_NODES = 10000
N_EDGES = 320000
D_IN = 128
D_HID = 3
D_OUT = 4

_NC, _NS, _L = 2, 16, 16
_NW = _NC * _NS
_NP = 10240
_SLC = _NP // _NS
_EPH = N_EDGES // _NS
_HALF = _NP // _NC
_CH = 4000
_NCH = _EPH // _CH


@functools.cache
def _sc_kernel():
    mesh = plsc.VectorSubcoreMesh(
        core_axis_name="c", subcore_axis_name="s",
        num_cores=_NC, num_subcores=_NS)
    params = pltpu.CompilerParams(
        needs_layout_passes=False, use_tc_tiling_on_sc=False)

    @functools.partial(
        pl.kernel,
        mesh=mesh,
        out_type=[
            jax.ShapeDtypeStruct((_NC * 128, 128), jnp.float32),
            jax.ShapeDtypeStruct((_NC * _NP,), jnp.float32),
        ],
        compiler_params=params,
        scratch_types=[
            pltpu.VMEM((_CH,), jnp.int32),
            pltpu.VMEM((_CH,), jnp.int32),
            pltpu.VMEM((_NP // _L, _L), jnp.float32),
            pltpu.VMEM((_NP // _L,), jnp.int32),
            pltpu.VMEM((128,), jnp.int32),
            pltpu.VMEM((D_HID * _SLC,), jnp.float32),
            pltpu.VMEM((_SLC // _L, _L), jnp.float32),
            pltpu.VMEM((_SLC,), jnp.float32),
            pltpu.VMEM((D_HID * _SLC,), jnp.float32),
            pltpu.VMEM((D_HID * _NP,), jnp.float32),
            pltpu.VMEM((128, 128), jnp.float32),
            pltpu.VMEM_SHARED((_NP // _L, _L), jnp.float32),
            pltpu.VMEM_SHARED((D_HID * _NP,), jnp.float32),
            pltpu.VMEM_SHARED((128, 128), jnp.float32),
            pltpu.SemaphoreType.DMA,
            pltpu.SemaphoreType.DMA,
        ],
    )
    def sc_mega(xw_hbm, epk_hbm, acc_hbm, deg_hbm,
                epk0_v, epk1_v, deg_v, idx_v, idxa_v, xw_v, red_v, dslc_v,
                ysl_v, y_v, acc_v, sh_deg, sh_y, sh_acc, sem0, sem1):
        sc = lax.axis_index("c")
        t = lax.axis_index("s")

        bufs = (epk0_v, epk1_v)
        sems = (sem0, sem1)

        def edge_chunks(process):
            copies = [None] * _NCH
            copies[0] = pltpu.async_copy(
                epk_hbm.at[pl.ds(t * _EPH, _CH)], bufs[0], sems[0])
            for c in range(_NCH):
                if c + 1 < _NCH:
                    copies[c + 1] = pltpu.async_copy(
                        epk_hbm.at[pl.ds(t * _EPH + (c + 1) * _CH, _CH)],
                        bufs[(c + 1) % 2], sems[(c + 1) % 2])
                copies[c].wait()
                process(bufs[c % 2])

        for ch in range(D_HID):
            pltpu.sync_copy(
                xw_hbm.at[pl.ds(ch * _NP + t * _SLC, _SLC)],
                xw_v.at[pl.ds(ch * _SLC, _SLC)])

        zeros = jnp.zeros((_L,), jnp.float32)
        iota = lax.iota(jnp.int32, _L)

        @plsc.parallel_loop(0, _SLC // _L, unroll=4)
        def zred(i):
            red_v[i, :] = zeros
            idx_v[pl.ds(i * _L, _L)] = iota + i * _L

        @plsc.parallel_loop(0, 128 // _L, unroll=4)
        def mkidxa(i):
            idxa_v[pl.ds(i * _L, _L)] = iota + i * _L

        pltpu.sync_copy(red_v, sh_deg.at[pl.ds(t * (_SLC // _L), _SLC // _L)])

        @plsc.parallel_loop(0, _NP // _L, unroll=8)
        def zdeg(i):
            deg_v[i, :] = zeros

        ones = jnp.ones((_L,), jnp.float32)
        lanemask = jnp.full((_L,), _L - 1, jnp.int32)

        def hist_chunk(buf):
            @plsc.parallel_loop(0, _CH // _L, unroll=8)
            def hist(g):
                d16 = lax.shift_right_logical(buf[pl.ds(g * _L, _L)], 14)
                plsc.addupdate_scatter(
                    deg_v,
                    [lax.shift_right_logical(d16, 4), d16 & lanemask],
                    ones)

        edge_chunks(hist_chunk)

        plsc.subcore_barrier()

        pltpu.sync_copy(deg_v, sh_deg.at[idx_v], add=True)

        plsc.subcore_barrier()

        pltpu.sync_copy(sh_deg.at[pl.ds(t * (_SLC // _L), _SLC // _L)], red_v)

        half = jnp.full((_L,), 0.5, jnp.float32)
        three_half = jnp.full((_L,), 1.5, jnp.float32)
        magic = jnp.full((_L,), 0x5F3759DF, jnp.int32)

        @plsc.parallel_loop(0, _SLC // _L, unroll=2)
        def newton(g):
            sl = pl.ds(g * _L, _L)
            d16 = red_v[g, :] + 1.0
            dslc_v[sl] = d16
            i32 = magic - lax.shift_right_arithmetic(
                plsc.bitcast(d16, jnp.int32), 1)
            g0 = plsc.bitcast(i32, jnp.float32)
            hx = d16 * half
            for _ in range(3):
                g0 = g0 * (three_half - hx * g0 * g0)
            for ch in range(D_HID):
                csl = pl.ds(ch * _SLC + g * _L, _L)
                ysl_v[csl] = xw_v[csl] * g0

        pltpu.sync_copy(dslc_v, deg_hbm.at[pl.ds(sc * _NP + t * _SLC, _SLC)])
        for ch in range(D_HID):
            pltpu.sync_copy(
                ysl_v.at[pl.ds(ch * _SLC, _SLC)],
                sh_y.at[pl.ds(ch * _NP + t * _SLC, _SLC)])

        plsc.subcore_barrier()

        pltpu.sync_copy(sh_y, y_v)

        @plsc.parallel_loop(0, 128, unroll=2)
        def zacc(i):
            for c in range(8):
                acc_v[i, pl.ds(c * _L, _L)] = zeros

        srcmask = jnp.full((_L,), (1 << 14) - 1, jnp.int32)
        colmask = jnp.full((_L,), 127, jnp.int32)
        lo = sc * _HALF

        def edge_chunk(buf):
            @plsc.parallel_loop(0, _CH // _L, unroll=8)
            def edge(g):
                e16 = buf[pl.ds(g * _L, _L)]
                s16 = e16 & srcmask
                d16 = lax.shift_right_logical(e16, 14) - lo
                m = (d16 >= 0) & (d16 < _HALF)
                dm = jnp.where(m, d16, 0)
                for ch in range(D_HID):
                    v = plsc.load_gather(y_v, [s16 + jnp.int32(ch * _NP)])
                    full = dm + jnp.int32(ch * _HALF)
                    plsc.addupdate_scatter(
                        acc_v,
                        [lax.shift_right_logical(full, 7), full & colmask],
                        v, mask=m)

        edge_chunks(edge_chunk)

        pltpu.sync_copy(acc_v.at[pl.ds(120, 8)], sh_acc.at[pl.ds(t * 8, 8)])
        plsc.subcore_barrier()
        pltpu.sync_copy(acc_v, sh_acc.at[idxa_v], add=True)
        plsc.subcore_barrier()
        pltpu.sync_copy(sh_acc.at[pl.ds(t * 8, 8)], acc_v.at[pl.ds(120, 8)])
        pltpu.sync_copy(acc_v.at[pl.ds(120, 8)],
                        acc_hbm.at[pl.ds(sc * 128 + t * 8, 8)])

    return sc_mega



def _pre_body(x_ref, w_ref, y_ref):
    xw_t = lax.dot_general(
        w_ref[...], x_ref[...], (((0,), (1,)), ((), ())),
        preferred_element_type=jnp.float32)
    y_ref[:, :N_NODES] = xw_t
    y_ref[:, N_NODES:] = jnp.zeros((D_HID, _NP - N_NODES), jnp.float32)


def _fin_body(accp_ref, deg_ref, xw_ref, b_ref, w2_ref, b2_ref, h_ref, z_ref):
    acc = jnp.concatenate([accp_ref[0], accp_ref[1]], axis=1)
    dinv = lax.rsqrt(deg_ref[0:1, :])
    y = xw_ref[...] * dinv
    h = jnp.maximum(dinv * (acc + y) + b_ref[...], 0.0)
    h_ref[...] = h
    z_ref[...] = lax.dot_general(
        w2_ref[...], h, (((0,), (0,)), ((), ())),
        preferred_element_type=jnp.float32) + b2_ref[...]


_pre_call = pl.pallas_call(
    _pre_body,
    out_shape=jax.ShapeDtypeStruct((D_HID, _NP), jnp.float32),
)

_fin_call = pl.pallas_call(
    _fin_body,
    out_shape=[
        jax.ShapeDtypeStruct((D_HID, _NP), jnp.float32),
        jax.ShapeDtypeStruct((D_OUT, _NP), jnp.float32),
    ],
)


def kernel(x, edges, W, b, W2, b2):
    src = edges[0].astype(jnp.int32)
    dst = edges[1].astype(jnp.int32)
    packed = src | (dst << jnp.int32(14))

    xw_t = _pre_call(x, W)
    sc_mega = _sc_kernel()
    accp, deg = sc_mega(xw_t.reshape(D_HID * _NP), packed)
    acc3 = accp.reshape(_NC, 128 * 128)[:, :D_HID * _HALF]
    h_t, z_t = _fin_call(
        acc3.reshape(_NC, D_HID, _HALF), deg.reshape(_NC, _NP), xw_t,
        b.reshape(D_HID, 1), W2, b2.reshape(D_OUT, 1))
    return h_t[:, :N_NODES].T, z_t[:, :N_NODES].T

# --- scband reference (transcript-rebuilt; emitter-appended) ---
"""Pipeline reference for scband-gcn-2757369004577 (READ-ONLY COPY).

The authoritative reference and input builder live on the scoring server;
editing this copy changes nothing except your own understanding.
"""

import jax, jax.numpy as jnp
import numpy as np

N_NODES = 10000
N_EDGES = 320000
D_IN = 128
D_HID = 3
D_OUT = 4

def setup_inputs(seed: int = 0) -> dict:
    key = jax.random.key(seed)
    k1, k2, k3, k4, k5, k6 = jax.random.split(key, 6)
    x = jax.random.normal(k1, (N_NODES, D_IN), dtype=jnp.float32)
    edges = jax.random.randint(k2, (2, N_EDGES), 0, N_NODES, dtype=jnp.int64)
    # GCNConv(128, 3) params: weight [in, out], bias [out]
    W = jax.random.normal(k3, (D_IN, D_HID), dtype=jnp.float32) * (1.0 / np.sqrt(D_IN))
    b = jnp.zeros((D_HID,), dtype=jnp.float32)
    # Linear(3, 4)
    W2 = jax.random.normal(k4, (D_HID, D_OUT), dtype=jnp.float32) * (1.0 / np.sqrt(D_HID))
    b2 = jax.random.uniform(k5, (D_OUT,), dtype=jnp.float32, minval=-1.0/np.sqrt(D_HID), maxval=1.0/np.sqrt(D_HID))
    return {"x": x, "edges": edges, "W": W, "b": b, "W2": W2, "b2": b2}

def reference(x, edges, W, b, W2, b2):
    N = x.shape[0]
    # GCNConv: add self-loops, symmetric degree normalization
    loop = jnp.arange(N, dtype=edges.dtype)
    src = jnp.concatenate([edges[0], loop])
    dst = jnp.concatenate([edges[1], loop])
    deg = jnp.zeros((N,), dtype=jnp.float32).at[dst].add(1.0)
    dinv = jnp.where(deg > 0, jax.lax.rsqrt(deg), 0.0)
    norm = dinv[src] * dinv[dst]
    xw = x @ W  # [N, 3]
    msg = jnp.take(xw, src, axis=0) * norm[:, None]
    agg = jnp.zeros((N, xw.shape[1]), dtype=jnp.float32).at[dst].add(msg)
    h_pre = agg + b
    h = jax.nn.relu(h_pre)
    z = h @ W2 + b2
    return (h, z)

if __name__ == "__main__":
    import jax
    _d = setup_inputs()
    print(jax.jit(kernel)(*tuple(_d.values())))

</pallas_src>

<mosaic_0001>
#map = affine_map<(d0, d1) -> (0)>
#map1 = affine_map<(d0, d1) -> (0, 0)>
module attributes {stable_mosaic.version = 14 : i64} {
  func.func @sc_mega(%arg0: i32, %arg1: i32, %arg2: memref<30720xf32, #tpu.memory_space<hbm>>, %arg3: memref<320000xi32, #tpu.memory_space<hbm>>, %arg4: memref<256x128xf32, #tpu.memory_space<hbm>>, %arg5: memref<20480xf32, #tpu.memory_space<hbm>>, %arg6: memref<4000xi32, #tpu.memory_space<vmem>>, %arg7: memref<4000xi32, #tpu.memory_space<vmem>>, %arg8: memref<640x16xf32, #tpu.memory_space<vmem>>, %arg9: memref<640xi32, #tpu.memory_space<vmem>>, %arg10: memref<128xi32, #tpu.memory_space<vmem>>, %arg11: memref<1920xf32, #tpu.memory_space<vmem>>, %arg12: memref<40x16xf32, #tpu.memory_space<vmem>>, %arg13: memref<640xf32, #tpu.memory_space<vmem>>, %arg14: memref<1920xf32, #tpu.memory_space<vmem>>, %arg15: memref<30720xf32, #tpu.memory_space<vmem>>, %arg16: memref<128x128xf32, #tpu.memory_space<vmem>>, %arg17: memref<640x16xf32, #tpu.memory_space<vmem_shared>>, %arg18: memref<30720xf32, #tpu.memory_space<vmem_shared>>, %arg19: memref<128x128xf32, #tpu.memory_space<vmem_shared>>, %arg20: memref<!tpu.dma_semaphore, #tpu.memory_space<semaphore_mem>>, %arg21: memref<!tpu.dma_semaphore, #tpu.memory_space<semaphore_mem>>) attributes {dimension_semantics = [#tpu.dimension_semantics<core_parallel>, #tpu.dimension_semantics<subcore_parallel>], iteration_bounds = array<i64: 2, 16>, scalar_prefetch = 0 : i64, scratch_operands = 16 : i64, tpu.core_type = #tpu.core_type<sc_vector_subcore>, window_params = [{transform_indices = #map}, {transform_indices = #map}, {transform_indices = #map1}, {transform_indices = #map}]} {
    %mul3A = arith.constant 640 : i32
    %mul3A_0 = arith.muli %arg1, %mul3A : i32
    %add3A = arith.constant 0 : i32
    %add3A_1 = arith.addi %add3A, %mul3A_0 : i32
    "tpu.region"() ({
      %run_scoped3A = tpu.sem_alloc : memref<!tpu.dma_semaphore, #tpu.memory_space<semaphore_mem>>
      %dma_start3A_179 = arith.constant 0 : i32
      %dma_start3A_180 = tpu.memref_slice %arg11[%dma_start3A_179] : memref<1920xf32, #tpu.memory_space<vmem>> -> memref<640xf32, #tpu.memory_space<vmem>>
      %dma_start3A_181 = tpu.memref_slice %arg2[%add3A_1] : memref<30720xf32, #tpu.memory_space<hbm>> -> memref<640xf32, #tpu.memory_space<hbm>>
      %dma_start3A_182 = arith.constant 0 : i32
      %dma_start3A_183 = tpu.memref_slice %arg11[%dma_start3A_182] : memref<1920xf32, #tpu.memory_space<vmem>> -> memref<640xf32, #tpu.memory_space<vmem>>
      %dma_start3A_184 = tpu.memref_slice %arg2[%add3A_1] : memref<30720xf32, #tpu.memory_space<hbm>> -> memref<640xf32, #tpu.memory_space<hbm>>
      tpu.enqueue_dma source(%dma_start3A_184 : memref<640xf32, #tpu.memory_space<hbm>>) target(%dma_start3A_183 : memref<640xf32, #tpu.memory_space<vmem>>) target_semaphore(%run_scoped3A : memref<!tpu.dma_semaphore, #tpu.memory_space<semaphore_mem>>)
      %dma_wait3A_185 = arith.constant 0 : i32
      %dma_wait3A_186 = tpu.memref_slice %arg11[%dma_wait3A_185] : memref<1920xf32, #tpu.memory_space<vmem>> -> memref<640xf32, #tpu.memory_space<vmem>>
      %dma_wait3A_187 = tpu.memref_slice %arg2[%add3A_1] : memref<30720xf32, #tpu.memory_space<hbm>> -> memref<640xf32, #tpu.memory_space<hbm>>
      %dma_wait3A_188 = arith.constant 0 : i32
      %dma_wait3A_189 = tpu.memref_slice %arg11[%dma_wait3A_188] : memref<1920xf32, #tpu.memory_space<vmem>> -> memref<640xf32, #tpu.memory_space<vmem>>
      %dma_wait3A_190 = tpu.memref_slice %arg2[%add3A_1] : memref<30720xf32, #tpu.memory_space<hbm>> -> memref<640xf32, #tpu.memory_space<hbm>>
      tpu.wait_dma2 semaphore(%run_scoped3A : memref<!tpu.dma_semaphore, #tpu.memory_space<semaphore_mem>>) src(%dma_wait3A_190 : memref<640xf32, #tpu.memory_space<hbm>>) dst(%dma_wait3A_189 : memref<640xf32, #tpu.memory_space<vmem>>)
      tpu.yield
    }) : () -> ()
    %mul3A_2 = arith.constant 640 : i32
    %mul3A_3 = arith.muli %arg1, %mul3A_2 : i32
    %add3A_4 = arith.constant 10240 : i32
    %add3A_5 = arith.addi %add3A_4, %mul3A_3 : i32
    "tpu.region"() ({
      %run_scoped3A = tpu.sem_alloc : memref<!tpu.dma_semaphore, #tpu.memory_space<semaphore_mem>>
      %dma_start3A_179 = arith.constant 640 : i32
      %dma_start3A_180 = tpu.memref_slice %arg11[%dma_start3A_179] : memref<1920xf32, #tpu.memory_space<vmem>> -> memref<640xf32, #tpu.memory_space<vmem>>
      %dma_start3A_181 = tpu.memref_slice %arg2[%add3A_5] : memref<30720xf32, #tpu.memory_space<hbm>> -> memref<640xf32, #tpu.memory_space<hbm>>
      %dma_start3A_182 = arith.constant 640 : i32
      %dma_start3A_183 = tpu.memref_slice %arg11[%dma_start3A_182] : memref<1920xf32, #tpu.memory_space<vmem>> -> memref<640xf32, #tpu.memory_space<vmem>>
      %dma_start3A_184 = tpu.memref_slice %arg2[%add3A_5] : memref<30720xf32, #tpu.memory_space<hbm>> -> memref<640xf32, #tpu.memory_space<hbm>>
      tpu.enqueue_dma source(%dma_start3A_184 : memref<640xf32, #tpu.memory_space<hbm>>) target(%dma_start3A_183 : memref<640xf32, #tpu.memory_space<vmem>>) target_semaphore(%run_scoped3A : memref<!tpu.dma_semaphore, #tpu.memory_space<semaphore_mem>>)
      %dma_wait3A_185 = arith.constant 640 : i32
      %dma_wait3A_186 = tpu.memref_slice %arg11[%dma_wait3A_185] : memref<1920xf32, #tpu.memory_space<vmem>> -> memref<640xf32, #tpu.memory_space<vmem>>
      %dma_wait3A_187 = tpu.memref_slice %arg2[%add3A_5] : memref<30720xf32, #tpu.memory_space<hbm>> -> memref<640xf32, #tpu.memory_space<hbm>>
      %dma_wait3A_188 = arith.constant 640 : i32
      %dma_wait3A_189 = tpu.memref_slice %arg11[%dma_wait3A_188] : memref<1920xf32, #tpu.memory_space<vmem>> -> memref<640xf32, #tpu.memory_space<vmem>>
      %dma_wait3A_190 = tpu.memref_slice %arg2[%add3A_5] : memref<30720xf32, #tpu.memory_space<hbm>> -> memref<640xf32, #tpu.memory_space<hbm>>
      tpu.wait_dma2 semaphore(%run_scoped3A : memref<!tpu.dma_semaphore, #tpu.memory_space<semaphore_mem>>) src(%dma_wait3A_190 : memref<640xf32, #tpu.memory_space<hbm>>) dst(%dma_wait3A_189 : memref<640xf32, #tpu.memory_space<vmem>>)
      tpu.yield
    }) : () -> ()
    %mul3A_6 = arith.constant 640 : i32
    %mul3A_7 = arith.muli %arg1, %mul3A_6 : i32
    %add3A_8 = arith.constant 20480 : i32
    %add3A_9 = arith.addi %add3A_8, %mul3A_7 : i32
    "tpu.region"() ({
      %run_scoped3A = tpu.sem_alloc : memref<!tpu.dma_semaphore, #tpu.memory_space<semaphore_mem>>
      %dma_start3A_179 = arith.constant 1280 : i32
      %dma_start3A_180 = tpu.memref_slice %arg11[%dma_start3A_179] : memref<1920xf32, #tpu.memory_space<vmem>> -> memref<640xf32, #tpu.memory_space<vmem>>
      %dma_start3A_181 = tpu.memref_slice %arg2[%add3A_9] : memref<30720xf32, #tpu.memory_space<hbm>> -> memref<640xf32, #tpu.memory_space<hbm>>
      %dma_start3A_182 = arith.constant 1280 : i32
      %dma_start3A_183 = tpu.memref_slice %arg11[%dma_start3A_182] : memref<1920xf32, #tpu.memory_space<vmem>> -> memref<640xf32, #tpu.memory_space<vmem>>
      %dma_start3A_184 = tpu.memref_slice %arg2[%add3A_9] : memref<30720xf32, #tpu.memory_space<hbm>> -> memref<640xf32, #tpu.memory_space<hbm>>
      tpu.enqueue_dma source(%dma_start3A_184 : memref<640xf32, #tpu.memory_space<hbm>>) target(%dma_start3A_183 : memref<640xf32, #tpu.memory_space<vmem>>) target_semaphore(%run_scoped3A : memref<!tpu.dma_semaphore, #tpu.memory_space<semaphore_mem>>)
      %dma_wait3A_185 = arith.constant 1280 : i32
      %dma_wait3A_186 = tpu.memref_slice %arg11[%dma_wait3A_185] : memref<1920xf32, #tpu.memory_space<vmem>> -> memref<640xf32, #tpu.memory_space<vmem>>
      %dma_wait3A_187 = tpu.memref_slice %arg2[%add3A_9] : memref<30720xf32, #tpu.memory_space<hbm>> -> memref<640xf32, #tpu.memory_space<hbm>>
      %dma_wait3A_188 = arith.constant 1280 : i32
      %dma_wait3A_189 = tpu.memref_slice %arg11[%dma_wait3A_188] : memref<1920xf32, #tpu.memory_space<vmem>> -> memref<640xf32, #tpu.memory_space<vmem>>
      %dma_wait3A_190 = tpu.memref_slice %arg2[%add3A_9] : memref<30720xf32, #tpu.memory_space<hbm>> -> memref<640xf32, #tpu.memory_space<hbm>>
      tpu.wait_dma2 semaphore(%run_scoped3A : memref<!tpu.dma_semaphore, #tpu.memory_space<semaphore_mem>>) src(%dma_wait3A_190 : memref<640xf32, #tpu.memory_space<hbm>>) dst(%dma_wait3A_189 : memref<640xf32, #tpu.memory_space<vmem>>)
      tpu.yield
    }) : () -> ()
    %broadcast_in_dim3A = arith.constant 0.000000e+00 : f32
    %broadcast_in_dim3A_10 = vector.broadcast %broadcast_in_dim3A : f32 to vector<16xf32>
    %iota3A = tpu.iota {dimensions = array<i32: 0>} : vector<16xi32>
    %parallel_loop3A = arith.constant 0 : i32
    %parallel_loop3A_11 = arith.constant 40 : i32
    %parallel_loop3A_12 = arith.constant 1 : i32
    scf.for %parallel_loop3A_179 = %parallel_loop3A to %parallel_loop3A_11 step %parallel_loop3A_12  : i32 {
      %parallel_loop3A_180 = arith.index_cast %parallel_loop3A_179 : i32 to index
      %parallel_loop3A_181 = arith.constant 0 : index
      %parallel_loop3A_182 = tpu.vector_load %arg12[%parallel_loop3A_180, %parallel_loop3A_181] {strides = array<i32>} : memref<40x16xf32, #tpu.memory_space<vmem>>, vector<16xf32>,
      tpu.vector_store %arg12[%parallel_loop3A_180, %parallel_loop3A_181], %broadcast_in_dim3A_10 {strides = array<i32>} : memref<40x16xf32, #tpu.memory_space<vmem>>, vector<16xf32>,
      %parallel_loop3A_183 = arith.constant 16 : i32
      %parallel_loop3A_184 = arith.muli %parallel_loop3A_179, %parallel_loop3A_183 : i32
      %parallel_loop3A_185 = vector.broadcast %parallel_loop3A_184 : i32 to vector<16xi32>
      %parallel_loop3A_186 = arith.addi %iota3A, %parallel_loop3A_185 : vector<16xi32>
      %parallel_loop3A_187 = arith.constant 16 : i32
      %parallel_loop3A_188 = arith.muli %parallel_loop3A_179, %parallel_loop3A_187 : i32
      %parallel_loop3A_189 = arith.index_cast %parallel_loop3A_188 : i32 to index
      %parallel_loop3A_190 = tpu.vector_load %arg9[%parallel_loop3A_189] {strides = array<i32>} : memref<640xi32, #tpu.memory_space<vmem>>, vector<16xi32>,
      tpu.vector_store %arg9[%parallel_loop3A_189], %parallel_loop3A_186 {strides = array<i32>} : memref<640xi32, #tpu.memory_space<vmem>>, vector<16xi32>,
    } {sc.loop_unroll_factor = 4 : i64, sc.parallel_access}
    %parallel_loop3A_13 = arith.constant 0 : i32
    %parallel_loop3A_14 = arith.constant 8 : i32
    %parallel_loop3A_15 = arith.constant 1 : i32
    scf.for %parallel_loop3A_179 = %parallel_loop3A_13 to %parallel_loop3A_14 step %parallel_loop3A_15  : i32 {
      %parallel_loop3A_180 = arith.constant 16 : i32
      %parallel_loop3A_181 = arith.muli %parallel_loop3A_179, %parallel_loop3A_180 : i32
      %parallel_loop3A_182 = vector.broadcast %parallel_loop3A_181 : i32 to vector<16xi32>
      %parallel_loop3A_183 = arith.addi %iota3A, %parallel_loop3A_182 : vector<16xi32>
      %parallel_loop3A_184 = arith.constant 16 : i32
      %parallel_loop3A_185 = arith.muli %parallel_loop3A_179, %parallel_loop3A_184 : i32
      %parallel_loop3A_186 = arith.index_cast %parallel_loop3A_185 : i32 to index
      %parallel_loop3A_187 = tpu.vector_load %arg10[%parallel_loop3A_186] {strides = array<i32>} : memref<128xi32, #tpu.memory_space<vmem>>, vector<16xi32>,
      tpu.vector_store %arg10[%parallel_loop3A_186], %parallel_loop3A_183 {strides = array<i32>} : memref<128xi32, #tpu.memory_space<vmem>>, vector<16xi32>,
    } {sc.loop_unroll_factor = 4 : i64, sc.parallel_access}
    %mul3A_16 = arith.constant 40 : i32
    %mul3A_17 = arith.muli %arg1, %mul3A_16 : i32
    "tpu.region"() ({
      %run_scoped3A = tpu.sem_alloc : memref<!tpu.dma_semaphore, #tpu.memory_space<semaphore_mem>>
      %dma_start3A_179 = arith.constant 0 : i32
      %dma_start3A_180 = tpu.memref_slice %arg17[%mul3A_17, %dma_start3A_179] : memref<640x16xf32, #tpu.memory_space<vmem_shared>> -> memref<40x16xf32, #tpu.memory_space<vmem_shared>>
      %dma_start3A_181 = arith.constant 0 : i32
      %dma_start3A_182 = tpu.memref_slice %arg17[%mul3A_17, %dma_start3A_181] : memref<640x16xf32, #tpu.memory_space<vmem_shared>> -> memref<40x16xf32, #tpu.memory_space<vmem_shared>>
      tpu.enqueue_dma source(%arg12 : memref<40x16xf32, #tpu.memory_space<vmem>>) target(%dma_start3A_182 : memref<40x16xf32, #tpu.memory_space<vmem_shared>>) target_semaphore(%run_scoped3A : memref<!tpu.dma_semaphore, #tpu.memory_space<semaphore_mem>>)
      %dma_wait3A_183 = arith.constant 0 : i32
      %dma_wait3A_184 = tpu.memref_slice %arg17[%mul3A_17, %dma_wait3A_183] : memref<640x16xf32, #tpu.memory_space<vmem_shared>> -> memref<40x16xf32, #tpu.memory_space<vmem_shared>>
      %dma_wait3A_185 = arith.constant 0 : i32
      %dma_wait3A_186 = tpu.memref_slice %arg17[%mul3A_17, %dma_wait3A_185] : memref<640x16xf32, #tpu.memory_space<vmem_shared>> -> memref<40x16xf32, #tpu.memory_space<vmem_shared>>
      tpu.wait_dma2 semaphore(%run_scoped3A : memref<!tpu.dma_semaphore, #tpu.memory_space<semaphore_mem>>) src(%arg12 : memref<40x16xf32, #tpu.memory_space<vmem>>) dst(%dma_wait3A_186 : memref<40x16xf32, #tpu.memory_space<vmem_shared>>)
      tpu.yield
    }) : () -> ()
    %parallel_loop3A_18 = arith.constant 0 : i32
    %parallel_loop3A_19 = arith.constant 640 : i32
    %parallel_loop3A_20 = arith.constant 1 : i32
    scf.for %parallel_loop3A_179 = %parallel_loop3A_18 to %parallel_loop3A_19 step %parallel_loop3A_20  : i32 {
      %parallel_loop3A_180 = arith.index_cast %parallel_loop3A_179 : i32 to index
      %parallel_loop3A_181 = arith.constant 0 : index
      %parallel_loop3A_182 = tpu.vector_load %arg8[%parallel_loop3A_180, %parallel_loop3A_181] {strides = array<i32>} : memref<640x16xf32, #tpu.memory_space<vmem>>, vector<16xf32>,
      tpu.vector_store %arg8[%parallel_loop3A_180, %parallel_loop3A_181], %broadcast_in_dim3A_10 {strides = array<i32>} : memref<640x16xf32, #tpu.memory_space<vmem>>, vector<16xf32>,
    } {sc.loop_unroll_factor = 8 : i64, sc.parallel_access}
    %broadcast_in_dim3A_21 = arith.constant 1.000000e+00 : f32
    %broadcast_in_dim3A_22 = vector.broadcast %broadcast_in_dim3A_21 : f32 to vector<16xf32>
    %broadcast_in_dim3A_23 = arith.constant 15 : i32
    %broadcast_in_dim3A_24 = vector.broadcast %broadcast_in_dim3A_23 : i32 to vector<16xi32>
    %mul3A_25 = arith.constant 20000 : i32
    %mul3A_26 = arith.muli %arg1, %mul3A_25 : i32
    %dma_start3A = tpu.memref_slice %arg3[%mul3A_26] : memref<320000xi32, #tpu.memory_space<hbm>> -> memref<4000xi32, #tpu.memory_space<hbm>>
    %dma_start3A_27 = tpu.memref_slice %arg3[%mul3A_26] : memref<320000xi32, #tpu.memory_space<hbm>> -> memref<4000xi32, #tpu.memory_space<hbm>>
    tpu.enqueue_dma source(%dma_start3A_27 : memref<4000xi32, #tpu.memory_space<hbm>>) target(%arg6 : memref<4000xi32, #tpu.memory_space<vmem>>) target_semaphore(%arg20 : memref<!tpu.dma_semaphore, #tpu.memory_space<semaphore_mem>>)
    %mul3A_28 = arith.constant 20000 : i32
    %mul3A_29 = arith.muli %arg1, %mul3A_28 : i32
    %add3A_30 = arith.constant 4000 : i32
    %add3A_31 = arith.addi %mul3A_29, %add3A_30 : i32
    %dma_start3A_32 = tpu.memref_slice %arg3[%add3A_31] : memref<320000xi32, #tpu.memory_space<hbm>> -> memref<4000xi32, #tpu.memory_space<hbm>>
    %dma_start3A_33 = tpu.memref_slice %arg3[%add3A_31] : memref<320000xi32, #tpu.memory_space<hbm>> -> memref<4000xi32, #tpu.memory_space<hbm>>
    tpu.enqueue_dma source(%dma_start3A_33 : memref<4000xi32, #tpu.memory_space<hbm>>) target(%arg7 : memref<4000xi32, #tpu.memory_space<vmem>>) target_semaphore(%arg21 : memref<!tpu.dma_semaphore, #tpu.memory_space<semaphore_mem>>)
    %dma_wait3A = tpu.memref_slice %arg3[%mul3A_26] : memref<320000xi32, #tpu.memory_space<hbm>> -> memref<4000xi32, #tpu.memory_space<hbm>>
    %dma_wait3A_34 = tpu.memref_slice %arg3[%mul3A_26] : memref<320000xi32, #tpu.memory_space<hbm>> -> memref<4000xi32, #tpu.memory_space<hbm>>
    tpu.wait_dma2 semaphore(%arg20 : memref<!tpu.dma_semaphore, #tpu.memory_space<semaphore_mem>>) src(%dma_wait3A_34 : memref<4000xi32, #tpu.memory_space<hbm>>) dst(%arg6 : memref<4000xi32, #tpu.memory_space<vmem>>)
    %parallel_loop3A_35 = arith.constant 0 : i32
    %parallel_loop3A_36 = arith.constant 250 : i32
    %parallel_loop3A_37 = arith.constant 1 : i32
    scf.for %parallel_loop3A_179 = %parallel_loop3A_35 to %parallel_loop3A_36 step %parallel_loop3A_37  : i32 {
      %parallel_loop3A_180 = arith.constant 16 : i32
      %parallel_loop3A_181 = arith.muli %parallel_loop3A_179, %parallel_loop3A_180 : i32
      %parallel_loop3A_182 = arith.index_cast %parallel_loop3A_181 : i32 to index
      %parallel_loop3A_183 = tpu.vector_load %arg6[%parallel_loop3A_182] {strides = array<i32>} : memref<4000xi32, #tpu.memory_space<vmem>>, vector<16xi32>,
      %parallel_loop3A_184 = arith.constant 14 : i32
      %parallel_loop3A_185 = vector.broadcast %parallel_loop3A_184 : i32 to vector<16xi32>
      %parallel_loop3A_186 = arith.shrui %parallel_loop3A_183, %parallel_loop3A_185 : vector<16xi32>
      %parallel_loop3A_187 = arith.constant 4 : i32
      %parallel_loop3A_188 = vector.broadcast %parallel_loop3A_187 : i32 to vector<16xi32>
      %parallel_loop3A_189 = arith.shrui %parallel_loop3A_186, %parallel_loop3A_188 : vector<16xi32>
      %parallel_loop3A_190 = arith.andi %parallel_loop3A_186, %broadcast_in_dim3A_24 : vector<16xi32>
      tpu.vector_store_idx %arg8[%parallel_loop3A_189, %parallel_loop3A_190], %broadcast_in_dim3A_22 {add = true} : memref<640x16xf32, #tpu.memory_space<vmem>>[vector<16xi32>, vector<16xi32>], vector<16xf32>,
    } {sc.loop_unroll_factor = 8 : i64, sc.parallel_access}
    %mul3A_38 = arith.constant 20000 : i32
    %mul3A_39 = arith.muli %arg1, %mul3A_38 : i32
    %add3A_40 = arith.constant 8000 : i32
    %add3A_41 = arith.addi %mul3A_39, %add3A_40 : i32
    %dma_start3A_42 = tpu.memref_slice %arg3[%add3A_41] : memref<320000xi32, #tpu.memory_space<hbm>> -> memref<4000xi32, #tpu.memory_space<hbm>>
    %dma_start3A_43 = tpu.memref_slice %arg3[%add3A_41] : memref<320000xi32, #tpu.memory_space<hbm>> -> memref<4000xi32, #tpu.memory_space<hbm>>
    tpu.enqueue_dma source(%dma_start3A_43 : memref<4000xi32, #tpu.memory_space<hbm>>) target(%arg6 : memref<4000xi32, #tpu.memory_space<vmem>>) target_semaphore(%arg20 : memref<!tpu.dma_semaphore, #tpu.memory_space<semaphore_mem>>)
    %dma_wait3A_44 = tpu.memref_slice %arg3[%add3A_31] : memref<320000xi32, #tpu.memory_space<hbm>> -> memref<4000xi32, #tpu.memory_space<hbm>>
    %dma_wait3A_45 = tpu.memref_slice %arg3[%add3A_31] : memref<320000xi32, #tpu.memory_space<hbm>> -> memref<4000xi32, #tpu.memory_space<hbm>>
    tpu.wait_dma2 semaphore(%arg21 : memref<!tpu.dma_semaphore, #tpu.memory_space<semaphore_mem>>) src(%dma_wait3A_45 : memref<4000xi32, #tpu.memory_space<hbm>>) dst(%arg7 : memref<4000xi32, #tpu.memory_space<vmem>>)
    %parallel_loop3A_46 = arith.constant 0 : i32
    %parallel_loop3A_47 = arith.constant 250 : i32
    %parallel_loop3A_48 = arith.constant 1 : i32
    scf.for %parallel_loop3A_179 = %parallel_loop3A_46 to %parallel_loop3A_47 step %parallel_loop3A_48  : i32 {
      %parallel_loop3A_180 = arith.constant 16 : i32
      %parallel_loop3A_181 = arith.muli %parallel_loop3A_179, %parallel_loop3A_180 : i32
      %parallel_loop3A_182 = arith.index_cast %parallel_loop3A_181 : i32 to index
      %parallel_loop3A_183 = tpu.vector_load %arg7[%parallel_loop3A_182] {strides = array<i32>} : memref<4000xi32, #tpu.memory_space<vmem>>, vector<16xi32>,
      %parallel_loop3A_184 = arith.constant 14 : i32
      %parallel_loop3A_185 = vector.broadcast %parallel_loop3A_184 : i32 to vector<16xi32>
      %parallel_loop3A_186 = arith.shrui %parallel_loop3A_183, %parallel_loop3A_185 : vector<16xi32>
      %parallel_loop3A_187 = arith.constant 4 : i32
      %parallel_loop3A_188 = vector.broadcast %parallel_loop3A_187 : i32 to vector<16xi32>
      %parallel_loop3A_189 = arith.shrui %parallel_loop3A_186, %parallel_loop3A_188 : vector<16xi32>
      %parallel_loop3A_190 = arith.andi %parallel_loop3A_186, %broadcast_in_dim3A_24 : vector<16xi32>
      tpu.vector_store_idx %arg8[%parallel_loop3A_189, %parallel_loop3A_190], %broadcast_in_dim3A_22 {add = true} : memref<640x16xf32, #tpu.memory_space<vmem>>[vector<16xi32>, vector<16xi32>], vector<16xf32>,
    } {sc.loop_unroll_factor = 8 : i64, sc.parallel_access}
    %mul3A_49 = arith.constant 20000 : i32
    %mul3A_50 = arith.muli %arg1, %mul3A_49 : i32
    %add3A_51 = arith.constant 12000 : i32
    %add3A_52 = arith.addi %mul3A_50, %add3A_51 : i32
    %dma_start3A_53 = tpu.memref_slice %arg3[%add3A_52] : memref<320000xi32, #tpu.memory_space<hbm>> -> memref<4000xi32, #tpu.memory_space<hbm>>
    %dma_start3A_54 = tpu.memref_slice %arg3[%add3A_52] : memref<320000xi32, #tpu.memory_space<hbm>> -> memref<4000xi32, #tpu.memory_space<hbm>>
    tpu.enqueue_dma source(%dma_start3A_54 : memref<4000xi32, #tpu.memory_space<hbm>>) target(%arg7 : memref<4000xi32, #tpu.memory_space<vmem>>) target_semaphore(%arg21 : memref<!tpu.dma_semaphore, #tpu.memory_space<semaphore_mem>>)
    %dma_wait3A_55 = tpu.memref_slice %arg3[%add3A_41] : memref<320000xi32, #tpu.memory_space<hbm>> -> memref<4000xi32, #tpu.memory_space<hbm>>
    %dma_wait3A_56 = tpu.memref_slice %arg3[%add3A_41] : memref<320000xi32, #tpu.memory_space<hbm>> -> memref<4000xi32, #tpu.memory_space<hbm>>
    tpu.wait_dma2 semaphore(%arg20 : memref<!tpu.dma_semaphore, #tpu.memory_space<semaphore_mem>>) src(%dma_wait3A_56 : memref<4000xi32, #tpu.memory_space<hbm>>) dst(%arg6 : memref<4000xi32, #tpu.memory_space<vmem>>)
    %parallel_loop3A_57 = arith.constant 0 : i32
    %parallel_loop3A_58 = arith.constant 250 : i32
    %parallel_loop3A_59 = arith.constant 1 : i32
    scf.for %parallel_loop3A_179 = %parallel_loop3A_57 to %parallel_loop3A_58 step %parallel_loop3A_59  : i32 {
      %parallel_loop3A_180 = arith.constant 16 : i32
      %parallel_loop3A_181 = arith.muli %parallel_loop3A_179, %parallel_loop3A_180 : i32
      %parallel_loop3A_182 = arith.index_cast %parallel_loop3A_181 : i32 to index
      %parallel_loop3A_183 = tpu.vector_load %arg6[%parallel_loop3A_182] {strides = array<i32>} : memref<4000xi32, #tpu.memory_space<vmem>>, vector<16xi32>,
      %parallel_loop3A_184 = arith.constant 14 : i32
      %parallel_loop3A_185 = vector.broadcast %parallel_loop3A_184 : i32 to vector<16xi32>
      %parallel_loop3A_186 = arith.shrui %parallel_loop3A_183, %parallel_loop3A_185 : vector<16xi32>
      %parallel_loop3A_187 = arith.constant 4 : i32
      %parallel_loop3A_188 = vector.broadcast %parallel_loop3A_187 : i32 to vector<16xi32>
      %parallel_loop3A_189 = arith.shrui %parallel_loop3A_186, %parallel_loop3A_188 : vector<16xi32>
      %parallel_loop3A_190 = arith.andi %parallel_loop3A_186, %broadcast_in_dim3A_24 : vector<16xi32>
      tpu.vector_store_idx %arg8[%parallel_loop3A_189, %parallel_loop3A_190], %broadcast_in_dim3A_22 {add = true} : memref<640x16xf32, #tpu.memory_space<vmem>>[vector<16xi32>, vector<16xi32>], vector<16xf32>,
    } {sc.loop_unroll_factor = 8 : i64, sc.parallel_access}
    %mul3A_60 = arith.constant 20000 : i32
    %mul3A_61 = arith.muli %arg1, %mul3A_60 : i32
    %add3A_62 = arith.constant 16000 : i32
    %add3A_63 = arith.addi %mul3A_61, %add3A_62 : i32
    %dma_start3A_64 = tpu.memref_slice %arg3[%add3A_63] : memref<320000xi32, #tpu.memory_space<hbm>> -> memref<4000xi32, #tpu.memory_space<hbm>>
    %dma_start3A_65 = tpu.memref_slice %arg3[%add3A_63] : memref<320000xi32, #tpu.memory_space<hbm>> -> memref<4000xi32, #tpu.memory_space<hbm>>
    tpu.enqueue_dma source(%dma_start3A_65 : memref<4000xi32, #tpu.memory_space<hbm>>) target(%arg6 : memref<4000xi32, #tpu.memory_space<vmem>>) target_semaphore(%arg20 : memref<!tpu.dma_semaphore, #tpu.memory_space<semaphore_mem>>)
    %dma_wait3A_66 = tpu.memref_slice %arg3[%add3A_52] : memref<320000xi32, #tpu.memory_space<hbm>> -> memref<4000xi32, #tpu.memory_space<hbm>>
    %dma_wait3A_67 = tpu.memref_slice %arg3[%add3A_52] : memref<320000xi32, #tpu.memory_space<hbm>> -> memref<4000xi32, #tpu.memory_space<hbm>>
    tpu.wait_dma2 semaphore(%arg21 : memref<!tpu.dma_semaphore, #tpu.memory_space<semaphore_mem>>) src(%dma_wait3A_67 : memref<4000xi32, #tpu.memory_space<hbm>>) dst(%arg7 : memref<4000xi32, #tpu.memory_space<vmem>>)
    %parallel_loop3A_68 = arith.constant 0 : i32
    %parallel_loop3A_69 = arith.constant 250 : i32
    %parallel_loop3A_70 = arith.constant 1 : i32
    scf.for %parallel_loop3A_179 = %parallel_loop3A_68 to %parallel_loop3A_69 step %parallel_loop3A_70  : i32 {
      %parallel_loop3A_180 = arith.constant 16 : i32
      %parallel_loop3A_181 = arith.muli %parallel_loop3A_179, %parallel_loop3A_180 : i32
      %parallel_loop3A_182 = arith.index_cast %parallel_loop3A_181 : i32 to index
      %parallel_loop3A_183 = tpu.vector_load %arg7[%parallel_loop3A_182] {strides = array<i32>} : memref<4000xi32, #tpu.memory_space<vmem>>, vector<16xi32>,
      %parallel_loop3A_184 = arith.constant 14 : i32
      %parallel_loop3A_185 = vector.broadcast %parallel_loop3A_184 : i32 to vector<16xi32>
      %parallel_loop3A_186 = arith.shrui %parallel_loop3A_183, %parallel_loop3A_185 : vector<16xi32>
      %parallel_loop3A_187 = arith.constant 4 : i32
      %parallel_loop3A_188 = vector.broadcast %parallel_loop3A_187 : i32 to vector<16xi32>
      %parallel_loop3A_189 = arith.shrui %parallel_loop3A_186, %parallel_loop3A_188 : vector<16xi32>
      %parallel_loop3A_190 = arith.andi %parallel_loop3A_186, %broadcast_in_dim3A_24 : vector<16xi32>
      tpu.vector_store_idx %arg8[%parallel_loop3A_189, %parallel_loop3A_190], %broadcast_in_dim3A_22 {add = true} : memref<640x16xf32, #tpu.memory_space<vmem>>[vector<16xi32>, vector<16xi32>], vector<16xf32>,
    } {sc.loop_unroll_factor = 8 : i64, sc.parallel_access}
    %dma_wait3A_71 = tpu.memref_slice %arg3[%add3A_63] : memref<320000xi32, #tpu.memory_space<hbm>> -> memref<4000xi32, #tpu.memory_space<hbm>>
    %dma_wait3A_72 = tpu.memref_slice %arg3[%add3A_63] : memref<320000xi32, #tpu.memory_space<hbm>> -> memref<4000xi32, #tpu.memory_space<hbm>>
    tpu.wait_dma2 semaphore(%arg20 : memref<!tpu.dma_semaphore, #tpu.memory_space<semaphore_mem>>) src(%dma_wait3A_72 : memref<4000xi32, #tpu.memory_space<hbm>>) dst(%arg6 : memref<4000xi32, #tpu.memory_space<vmem>>)
    %parallel_loop3A_73 = arith.constant 0 : i32
    %parallel_loop3A_74 = arith.constant 250 : i32
    %parallel_loop3A_75 = arith.constant 1 : i32
    scf.for %parallel_loop3A_179 = %parallel_loop3A_73 to %parallel_loop3A_74 step %parallel_loop3A_75  : i32 {
      %parallel_loop3A_180 = arith.constant 16 : i32
      %parallel_loop3A_181 = arith.muli %parallel_loop3A_179, %parallel_loop3A_180 : i32
      %parallel_loop3A_182 = arith.index_cast %parallel_loop3A_181 : i32 to index
      %parallel_loop3A_183 = tpu.vector_load %arg6[%parallel_loop3A_182] {strides = array<i32>} : memref<4000xi32, #tpu.memory_space<vmem>>, vector<16xi32>,
      %parallel_loop3A_184 = arith.constant 14 : i32
      %parallel_loop3A_185 = vector.broadcast %parallel_loop3A_184 : i32 to vector<16xi32>
      %parallel_loop3A_186 = arith.shrui %parallel_loop3A_183, %parallel_loop3A_185 : vector<16xi32>
      %parallel_loop3A_187 = arith.constant 4 : i32
      %parallel_loop3A_188 = vector.broadcast %parallel_loop3A_187 : i32 to vector<16xi32>
      %parallel_loop3A_189 = arith.shrui %parallel_loop3A_186, %parallel_loop3A_188 : vector<16xi32>
      %parallel_loop3A_190 = arith.andi %parallel_loop3A_186, %broadcast_in_dim3A_24 : vector<16xi32>
      tpu.vector_store_idx %arg8[%parallel_loop3A_189, %parallel_loop3A_190], %broadcast_in_dim3A_22 {add = true} : memref<640x16xf32, #tpu.memory_space<vmem>>[vector<16xi32>, vector<16xi32>], vector<16xf32>,
    } {sc.loop_unroll_factor = 8 : i64, sc.parallel_access}
    %barrier3A = arith.constant 0 : index
    tpu.barrier barrier_id(%barrier3A)
    "tpu.region"() ({
      %run_scoped3A = tpu.sem_alloc : memref<!tpu.dma_semaphore, #tpu.memory_space<semaphore_mem>>
      %dma_start3A_179 = arith.constant 0 : i32
      %dma_start3A_180 = arith.constant 0 : i32
      %dma_start3A_181 = tpu.memref_slice %arg17[%dma_start3A_179, %dma_start3A_180] : memref<640x16xf32, #tpu.memory_space<vmem_shared>> -> memref<640x16xf32, #tpu.memory_space<vmem_shared>>
      tpu.enqueue_indirect_dma source(%arg8 : memref<640x16xf32, #tpu.memory_space<vmem>>) target(%dma_start3A_181 : memref<640x16xf32, #tpu.memory_space<vmem_shared>>) offsets(%arg9 : memref<640xi32, #tpu.memory_space<vmem>>) semaphore(%run_scoped3A : memref<!tpu.dma_semaphore, #tpu.memory_space<semaphore_mem>>) {add = true}
      %dma_wait3A_182 = arith.constant 0 : i32
      %dma_wait3A_183 = arith.constant 0 : i32
      %dma_wait3A_184 = tpu.memref_slice %arg17[%dma_wait3A_182, %dma_wait3A_183] : memref<640x16xf32, #tpu.memory_space<vmem_shared>> -> memref<640x16xf32, #tpu.memory_space<vmem_shared>>
      tpu.wait_indirect_dma semaphore(%run_scoped3A : memref<!tpu.dma_semaphore, #tpu.memory_space<semaphore_mem>>) src(%arg8 : memref<640x16xf32, #tpu.memory_space<vmem>>) dst(%dma_wait3A_184 : memref<640x16xf32, #tpu.memory_space<vmem_shared>>)
      tpu.yield
    }) : () -> ()
    %barrier3A_76 = arith.constant 0 : index
    tpu.barrier barrier_id(%barrier3A_76)
    %mul3A_77 = arith.constant 40 : i32
    %mul3A_78 = arith.muli %arg1, %mul3A_77 : i32
    "tpu.region"() ({
      %run_scoped3A = tpu.sem_alloc : memref<!tpu.dma_semaphore, #tpu.memory_space<semaphore_mem>>
      %dma_start3A_179 = arith.constant 0 : i32
      %dma_start3A_180 = tpu.memref_slice %arg17[%mul3A_78, %dma_start3A_179] : memref<640x16xf32, #tpu.memory_space<vmem_shared>> -> memref<40x16xf32, #tpu.memory_space<vmem_shared>>
      %dma_start3A_181 = arith.constant 0 : i32
      %dma_start3A_182 = tpu.memref_slice %arg17[%mul3A_78, %dma_start3A_181] : memref<640x16xf32, #tpu.memory_space<vmem_shared>> -> memref<40x16xf32, #tpu.memory_space<vmem_shared>>
      tpu.enqueue_dma source(%dma_start3A_182 : memref<40x16xf32, #tpu.memory_space<vmem_shared>>) target(%arg12 : memref<40x16xf32, #tpu.memory_space<vmem>>) target_semaphore(%run_scoped3A : memref<!tpu.dma_semaphore, #tpu.memory_space<semaphore_mem>>)
      %dma_wait3A_183 = arith.constant 0 : i32
      %dma_wait3A_184 = tpu.memref_slice %arg17[%mul3A_78, %dma_wait3A_183] : memref<640x16xf32, #tpu.memory_space<vmem_shared>> -> memref<40x16xf32, #tpu.memory_space<vmem_shared>>
      %dma_wait3A_185 = arith.constant 0 : i32
      %dma_wait3A_186 = tpu.memref_slice %arg17[%mul3A_78, %dma_wait3A_185] : memref<640x16xf32, #tpu.memory_space<vmem_shared>> -> memref<40x16xf32, #tpu.memory_space<vmem_shared>>
      tpu.wait_dma2 semaphore(%run_scoped3A : memref<!tpu.dma_semaphore, #tpu.memory_space<semaphore_mem>>) src(%dma_wait3A_186 : memref<40x16xf32, #tpu.memory_space<vmem_shared>>) dst(%arg12 : memref<40x16xf32, #tpu.memory_space<vmem>>)
      tpu.yield
    }) : () -> ()
    %broadcast_in_dim3A_79 = arith.constant 5.000000e-01 : f32
    %broadcast_in_dim3A_80 = vector.broadcast %broadcast_in_dim3A_79 : f32 to vector<16xf32>
    %broadcast_in_dim3A_81 = arith.constant 1.500000e+00 : f32
    %broadcast_in_dim3A_82 = vector.broadcast %broadcast_in_dim3A_81 : f32 to vector<16xf32>
    %broadcast_in_dim3A_83 = arith.constant 1597463007 : i32
    %broadcast_in_dim3A_84 = vector.broadcast %broadcast_in_dim3A_83 : i32 to vector<16xi32>
    %parallel_loop3A_85 = arith.constant 0 : i32
    %parallel_loop3A_86 = arith.constant 40 : i32
    %parallel_loop3A_87 = arith.constant 1 : i32
    scf.for %parallel_loop3A_179 = %parallel_loop3A_85 to %parallel_loop3A_86 step %parallel_loop3A_87  : i32 {
      %parallel_loop3A_180 = arith.constant 16 : i32
      %parallel_loop3A_181 = arith.muli %parallel_loop3A_179, %parallel_loop3A_180 : i32
      %parallel_loop3A_182 = arith.index_cast %parallel_loop3A_179 : i32 to index
      %parallel_loop3A_183 = arith.constant 0 : index
      %parallel_loop3A_184 = tpu.vector_load %arg12[%parallel_loop3A_182, %parallel_loop3A_183] {strides = array<i32>} : memref<40x16xf32, #tpu.memory_space<vmem>>, vector<16xf32>,
      %parallel_loop3A_185 = arith.constant 1.000000e+00 : f32
      %parallel_loop3A_186 = vector.broadcast %parallel_loop3A_185 : f32 to vector<16xf32>
      %parallel_loop3A_187 = arith.addf %parallel_loop3A_184, %parallel_loop3A_186 : vector<16xf32>
      %parallel_loop3A_188 = arith.index_cast %parallel_loop3A_181 : i32 to index
      %parallel_loop3A_189 = tpu.vector_load %arg13[%parallel_loop3A_188] {strides = array<i32>} : memref<640xf32, #tpu.memory_space<vmem>>, vector<16xf32>,
      tpu.vector_store %arg13[%parallel_loop3A_188], %parallel_loop3A_187 {strides = array<i32>} : memref<640xf32, #tpu.memory_space<vmem>>, vector<16xf32>,
      %parallel_loop3A_190 = vector.bitcast %parallel_loop3A_187 : vector<16xf32> to vector<16xi32>
      %parallel_loop3A_191 = arith.constant 1 : i32
      %parallel_loop3A_192 = vector.broadcast %parallel_loop3A_191 : i32 to vector<16xi32>
      %parallel_loop3A_193 = arith.shrsi %parallel_loop3A_190, %parallel_loop3A_192 : vector<16xi32>
      %parallel_loop3A_194 = arith.subi %broadcast_in_dim3A_84, %parallel_loop3A_193 : vector<16xi32>
      %parallel_loop3A_195 = vector.bitcast %parallel_loop3A_194 : vector<16xi32> to vector<16xf32>
      %parallel_loop3A_196 = arith.mulf %parallel_loop3A_187, %broadcast_in_dim3A_80 : vector<16xf32>
      %parallel_loop3A_197 = arith.mulf %parallel_loop3A_196, %parallel_loop3A_195 : vector<16xf32>
      %parallel_loop3A_198 = arith.mulf %parallel_loop3A_197, %parallel_loop3A_195 : vector<16xf32>
      %parallel_loop3A_199 = arith.subf %broadcast_in_dim3A_82, %parallel_loop3A_198 : vector<16xf32>
      %parallel_loop3A_200 = arith.mulf %parallel_loop3A_195, %parallel_loop3A_199 : vector<16xf32>
      %parallel_loop3A_201 = arith.mulf %parallel_loop3A_196, %parallel_loop3A_200 : vector<16xf32>
      %parallel_loop3A_202 = arith.mulf %parallel_loop3A_201, %parallel_loop3A_200 : vector<16xf32>
      %parallel_loop3A_203 = arith.subf %broadcast_in_dim3A_82, %parallel_loop3A_202 : vector<16xf32>
      %parallel_loop3A_204 = arith.mulf %parallel_loop3A_200, %parallel_loop3A_203 : vector<16xf32>
      %parallel_loop3A_205 = arith.mulf %parallel_loop3A_196, %parallel_loop3A_204 : vector<16xf32>
      %parallel_loop3A_206 = arith.mulf %parallel_loop3A_205, %parallel_loop3A_204 : vector<16xf32>
      %parallel_loop3A_207 = arith.subf %broadcast_in_dim3A_82, %parallel_loop3A_206 : vector<16xf32>
      %parallel_loop3A_208 = arith.mulf %parallel_loop3A_204, %parallel_loop3A_207 : vector<16xf32>
      %parallel_loop3A_209 = arith.constant 16 : i32
      %parallel_loop3A_210 = arith.muli %parallel_loop3A_179, %parallel_loop3A_209 : i32
      %parallel_loop3A_211 = arith.constant 0 : i32
      %parallel_loop3A_212 = arith.addi %parallel_loop3A_211, %parallel_loop3A_210 : i32
      %parallel_loop3A_213 = arith.index_cast %parallel_loop3A_212 : i32 to index
      %parallel_loop3A_214 = tpu.vector_load %arg11[%parallel_loop3A_213] {strides = array<i32>} : memref<1920xf32, #tpu.memory_space<vmem>>, vector<16xf32>,
      %parallel_loop3A_215 = arith.mulf %parallel_loop3A_214, %parallel_loop3A_208 : vector<16xf32>
      %parallel_loop3A_216 = arith.index_cast %parallel_loop3A_212 : i32 to index
      %parallel_loop3A_217 = tpu.vector_load %arg14[%parallel_loop3A_216] {strides = array<i32>} : memref<1920xf32, #tpu.memory_space<vmem>>, vector<16xf32>,
      tpu.vector_store %arg14[%parallel_loop3A_216], %parallel_loop3A_215 {strides = array<i32>} : memref<1920xf32, #tpu.memory_space<vmem>>, vector<16xf32>,
      %parallel_loop3A_218 = arith.constant 16 : i32
      %parallel_loop3A_219 = arith.muli %parallel_loop3A_179, %parallel_loop3A_218 : i32
      %parallel_loop3A_220 = arith.constant 640 : i32
      %parallel_loop3A_221 = arith.addi %parallel_loop3A_220, %parallel_loop3A_219 : i32
      %parallel_loop3A_222 = arith.index_cast %parallel_loop3A_221 : i32 to index
      %parallel_loop3A_223 = tpu.vector_load %arg11[%parallel_loop3A_222] {strides = array<i32>} : memref<1920xf32, #tpu.memory_space<vmem>>, vector<16xf32>,
      %parallel_loop3A_224 = arith.mulf %parallel_loop3A_223, %parallel_loop3A_208 : vector<16xf32>
      %parallel_loop3A_225 = arith.index_cast %parallel_loop3A_221 : i32 to index
      %parallel_loop3A_226 = tpu.vector_load %arg14[%parallel_loop3A_225] {strides = array<i32>} : memref<1920xf32, #tpu.memory_space<vmem>>, vector<16xf32>,
      tpu.vector_store %arg14[%parallel_loop3A_225], %parallel_loop3A_224 {strides = array<i32>} : memref<1920xf32, #tpu.memory_space<vmem>>, vector<16xf32>,
      %parallel_loop3A_227 = arith.constant 16 : i32
      %parallel_loop3A_228 = arith.muli %parallel_loop3A_179, %parallel_loop3A_227 : i32
      %parallel_loop3A_229 = arith.constant 1280 : i32
      %parallel_loop3A_230 = arith.addi %parallel_loop3A_229, %parallel_loop3A_228 : i32
      %parallel_loop3A_231 = arith.index_cast %parallel_loop3A_230 : i32 to index
      %parallel_loop3A_232 = tpu.vector_load %arg11[%parallel_loop3A_231] {strides = array<i32>} : memref<1920xf32, #tpu.memory_space<vmem>>, vector<16xf32>,
      %parallel_loop3A_233 = arith.mulf %parallel_loop3A_232, %parallel_loop3A_208 : vector<16xf32>
      %parallel_loop3A_234 = arith.index_cast %parallel_loop3A_230 : i32 to index
      %parallel_loop3A_235 = tpu.vector_load %arg14[%parallel_loop3A_234] {strides = array<i32>} : memref<1920xf32, #tpu.memory_space<vmem>>, vector<16xf32>,
      tpu.vector_store %arg14[%parallel_loop3A_234], %parallel_loop3A_233 {strides = array<i32>} : memref<1920xf32, #tpu.memory_space<vmem>>, vector<16xf32>,
    } {sc.loop_unroll_factor = 2 : i64, sc.parallel_access}
    %mul3A_88 = arith.constant 10240 : i32
    %mul3A_89 = arith.muli %arg0, %mul3A_88 : i32
    %mul3A_90 = arith.constant 640 : i32
    %mul3A_91 = arith.muli %arg1, %mul3A_90 : i32
    %add3A_92 = arith.addi %mul3A_89, %mul3A_91 : i32
    "tpu.region"() ({
      %run_scoped3A = tpu.sem_alloc : memref<!tpu.dma_semaphore, #tpu.memory_space<semaphore_mem>>
      %dma_start3A_179 = tpu.memref_slice %arg5[%add3A_92] : memref<20480xf32, #tpu.memory_space<hbm>> -> memref<640xf32, #tpu.memory_space<hbm>>
      %dma_start3A_180 = tpu.memref_slice %arg5[%add3A_92] : memref<20480xf32, #tpu.memory_space<hbm>> -> memref<640xf32, #tpu.memory_space<hbm>>
      tpu.enqueue_dma source(%arg13 : memref<640xf32, #tpu.memory_space<vmem>>) target(%dma_start3A_180 : memref<640xf32, #tpu.memory_space<hbm>>) target_semaphore(%run_scoped3A : memref<!tpu.dma_semaphore, #tpu.memory_space<semaphore_mem>>)
      %dma_wait3A_181 = tpu.memref_slice %arg5[%add3A_92] : memref<20480xf32, #tpu.memory_space<hbm>> -> memref<640xf32, #tpu.memory_space<hbm>>
      %dma_wait3A_182 = tpu.memref_slice %arg5[%add3A_92] : memref<20480xf32, #tpu.memory_space<hbm>> -> memref<640xf32, #tpu.memory_space<hbm>>
      tpu.wait_dma2 semaphore(%run_scoped3A : memref<!tpu.dma_semaphore, #tpu.memory_space<semaphore_mem>>) src(%arg13 : memref<640xf32, #tpu.memory_space<vmem>>) dst(%dma_wait3A_182 : memref<640xf32, #tpu.memory_space<hbm>>)
      tpu.yield
    }) : () -> ()
    %mul3A_93 = arith.constant 640 : i32
    %mul3A_94 = arith.muli %arg1, %mul3A_93 : i32
    %add3A_95 = arith.constant 0 : i32
    %add3A_96 = arith.addi %add3A_95, %mul3A_94 : i32
    "tpu.region"() ({
      %run_scoped3A = tpu.sem_alloc : memref<!tpu.dma_semaphore, #tpu.memory_space<semaphore_mem>>
      %dma_start3A_179 = arith.constant 0 : i32
      %dma_start3A_180 = tpu.memref_slice %arg14[%dma_start3A_179] : memref<1920xf32, #tpu.memory_space<vmem>> -> memref<640xf32, #tpu.memory_space<vmem>>
      %dma_start3A_181 = tpu.memref_slice %arg18[%add3A_96] : memref<30720xf32, #tpu.memory_space<vmem_shared>> -> memref<640xf32, #tpu.memory_space<vmem_shared>>
      %dma_start3A_182 = tpu.memref_slice %arg18[%add3A_96] : memref<30720xf32, #tpu.memory_space<vmem_shared>> -> memref<640xf32, #tpu.memory_space<vmem_shared>>
      %dma_start3A_183 = arith.constant 0 : i32
      %dma_start3A_184 = tpu.memref_slice %arg14[%dma_start3A_183] : memref<1920xf32, #tpu.memory_space<vmem>> -> memref<640xf32, #tpu.memory_space<vmem>>
      tpu.enqueue_dma source(%dma_start3A_184 : memref<640xf32, #tpu.memory_space<vmem>>) target(%dma_start3A_182 : memref<640xf32, #tpu.memory_space<vmem_shared>>) target_semaphore(%run_scoped3A : memref<!tpu.dma_semaphore, #tpu.memory_space<semaphore_mem>>)
      %dma_wait3A_185 = arith.constant 0 : i32
      %dma_wait3A_186 = tpu.memref_slice %arg14[%dma_wait3A_185] : memref<1920xf32, #tpu.memory_space<vmem>> -> memref<640xf32, #tpu.memory_space<vmem>>
      %dma_wait3A_187 = tpu.memref_slice %arg18[%add3A_96] : memref<30720xf32, #tpu.memory_space<vmem_shared>> -> memref<640xf32, #tpu.memory_space<vmem_shared>>
      %dma_wait3A_188 = tpu.memref_slice %arg18[%add3A_96] : memref<30720xf32, #tpu.memory_space<vmem_shared>> -> memref<640xf32, #tpu.memory_space<vmem_shared>>
      %dma_wait3A_189 = arith.constant 0 : i32
      %dma_wait3A_190 = tpu.memref_slice %arg14[%dma_wait3A_189] : memref<1920xf32, #tpu.memory_space<vmem>> -> memref<640xf32, #tpu.memory_space<vmem>>
      tpu.wait_dma2 semaphore(%run_scoped3A : memref<!tpu.dma_semaphore, #tpu.memory_space<semaphore_mem>>) src(%dma_wait3A_190 : memref<640xf32, #tpu.memory_space<vmem>>) dst(%dma_wait3A_188 : memref<640xf32, #tpu.memory_space<vmem_shared>>)
      tpu.yield
    }) : () -> ()
    %mul3A_97 = arith.constant 640 : i32
    %mul3A_98 = arith.muli %arg1, %mul3A_97 : i32
    %add3A_99 = arith.constant 10240 : i32
    %add3A_100 = arith.addi %add3A_99, %mul3A_98 : i32
    "tpu.region"() ({
      %run_scoped3A = tpu.sem_alloc : memref<!tpu.dma_semaphore, #tpu.memory_space<semaphore_mem>>
      %dma_start3A_179 = arith.constant 640 : i32
      %dma_start3A_180 = tpu.memref_slice %arg14[%dma_start3A_179] : memref<1920xf32, #tpu.memory_space<vmem>> -> memref<640xf32, #tpu.memory_space<vmem>>
      %dma_start3A_181 = tpu.memref_slice %arg18[%add3A_100] : memref<30720xf32, #tpu.memory_space<vmem_shared>> -> memref<640xf32, #tpu.memory_space<vmem_shared>>
      %dma_start3A_182 = tpu.memref_slice %arg18[%add3A_100] : memref<30720xf32, #tpu.memory_space<vmem_shared>> -> memref<640xf32, #tpu.memory_space<vmem_shared>>
      %dma_start3A_183 = arith.constant 640 : i32
      %dma_start3A_184 = tpu.memref_slice %arg14[%dma_start3A_183] : memref<1920xf32, #tpu.memory_space<vmem>> -> memref<640xf32, #tpu.memory_space<vmem>>
      tpu.enqueue_dma source(%dma_start3A_184 : memref<640xf32, #tpu.memory_space<vmem>>) target(%dma_start3A_182 : memref<640xf32, #tpu.memory_space<vmem_shared>>) target_semaphore(%run_scoped3A : memref<!tpu.dma_semaphore, #tpu.memory_space<semaphore_mem>>)
      %dma_wait3A_185 = arith.constant 640 : i32
      %dma_wait3A_186 = tpu.memref_slice %arg14[%dma_wait3A_185] : memref<1920xf32, #tpu.memory_space<vmem>> -> memref<640xf32, #tpu.memory_space<vmem>>
      %dma_wait3A_187 = tpu.memref_slice %arg18[%add3A_100] : memref<30720xf32, #tpu.memory_space<vmem_shared>> -> memref<640xf32, #tpu.memory_space<vmem_shared>>
      %dma_wait3A_188 = tpu.memref_slice %arg18[%add3A_100] : memref<30720xf32, #tpu.memory_space<vmem_shared>> -> memref<640xf32, #tpu.memory_space<vmem_shared>>
      %dma_wait3A_189 = arith.constant 640 : i32
      %dma_wait3A_190 = tpu.memref_slice %arg14[%dma_wait3A_189] : memref<1920xf32, #tpu.memory_space<vmem>> -> memref<640xf32, #tpu.memory_space<vmem>>
      tpu.wait_dma2 semaphore(%run_scoped3A : memref<!tpu.dma_semaphore, #tpu.memory_space<semaphore_mem>>) src(%dma_wait3A_190 : memref<640xf32, #tpu.memory_space<vmem>>) dst(%dma_wait3A_188 : memref<640xf32, #tpu.memory_space<vmem_shared>>)
      tpu.yield
    }) : () -> ()
    %mul3A_101 = arith.constant 640 : i32
    %mul3A_102 = arith.muli %arg1, %mul3A_101 : i32
    %add3A_103 = arith.constant 20480 : i32
    %add3A_104 = arith.addi %add3A_103, %mul3A_102 : i32
    "tpu.region"() ({
      %run_scoped3A = tpu.sem_alloc : memref<!tpu.dma_semaphore, #tpu.memory_space<semaphore_mem>>
      %dma_start3A_179 = arith.constant 1280 : i32
      %dma_start3A_180 = tpu.memref_slice %arg14[%dma_start3A_179] : memref<1920xf32, #tpu.memory_space<vmem>> -> memref<640xf32, #tpu.memory_space<vmem>>
      %dma_start3A_181 = tpu.memref_slice %arg18[%add3A_104] : memref<30720xf32, #tpu.memory_space<vmem_shared>> -> memref<640xf32, #tpu.memory_space<vmem_shared>>
      %dma_start3A_182 = tpu.memref_slice %arg18[%add3A_104] : memref<30720xf32, #tpu.memory_space<vmem_shared>> -> memref<640xf32, #tpu.memory_space<vmem_shared>>
      %dma_start3A_183 = arith.constant 1280 : i32
      %dma_start3A_184 = tpu.memref_slice %arg14[%dma_start3A_183] : memref<1920xf32, #tpu.memory_space<vmem>> -> memref<640xf32, #tpu.memory_space<vmem>>
      tpu.enqueue_dma source(%dma_start3A_184 : memref<640xf32, #tpu.memory_space<vmem>>) target(%dma_start3A_182 : memref<640xf32, #tpu.memory_space<vmem_shared>>) target_semaphore(%run_scoped3A : memref<!tpu.dma_semaphore, #tpu.memory_space<semaphore_mem>>)
      %dma_wait3A_185 = arith.constant 1280 : i32
      %dma_wait3A_186 = tpu.memref_slice %arg14[%dma_wait3A_185] : memref<1920xf32, #tpu.memory_space<vmem>> -> memref<640xf32, #tpu.memory_space<vmem>>
      %dma_wait3A_187 = tpu.memref_slice %arg18[%add3A_104] : memref<30720xf32, #tpu.memory_space<vmem_shared>> -> memref<640xf32, #tpu.memory_space<vmem_shared>>
      %dma_wait3A_188 = tpu.memref_slice %arg18[%add3A_104] : memref<30720xf32, #tpu.memory_space<vmem_shared>> -> memref<640xf32, #tpu.memory_space<vmem_shared>>
      %dma_wait3A_189 = arith.constant 1280 : i32
      %dma_wait3A_190 = tpu.memref_slice %arg14[%dma_wait3A_189] : memref<1920xf32, #tpu.memory_space<vmem>> -> memref<640xf32, #tpu.memory_space<vmem>>
      tpu.wait_dma2 semaphore(%run_scoped3A : memref<!tpu.dma_semaphore, #tpu.memory_space<semaphore_mem>>) src(%dma_wait3A_190 : memref<640xf32, #tpu.memory_space<vmem>>) dst(%dma_wait3A_188 : memref<640xf32, #tpu.memory_space<vmem_shared>>)
      tpu.yield
    }) : () -> ()
    %barrier3A_105 = arith.constant 0 : index
    tpu.barrier barrier_id(%barrier3A_105)
    "tpu.region"() ({
      %run_scoped3A = tpu.sem_alloc : memref<!tpu.dma_semaphore, #tpu.memory_space<semaphore_mem>>
      tpu.enqueue_dma source(%arg18 : memref<30720xf32, #tpu.memory_space<vmem_shared>>) target(%arg15 : memref<30720xf32, #tpu.memory_space<vmem>>) target_semaphore(%run_scoped3A : memref<!tpu.dma_semaphore, #tpu.memory_space<semaphore_mem>>)
      tpu.wait_dma2 semaphore(%run_scoped3A : memref<!tpu.dma_semaphore, #tpu.memory_space<semaphore_mem>>) src(%arg18 : memref<30720xf32, #tpu.memory_space<vmem_shared>>) dst(%arg15 : memref<30720xf32, #tpu.memory_space<vmem>>)
      tpu.yield
    }) : () -> ()
    %parallel_loop3A_106 = arith.constant 0 : i32
    %parallel_loop3A_107 = arith.constant 128 : i32
    %parallel_loop3A_108 = arith.constant 1 : i32
    scf.for %parallel_loop3A_179 = %parallel_loop3A_106 to %parallel_loop3A_107 step %parallel_loop3A_108  : i32 {
      %parallel_loop3A_180 = arith.index_cast %parallel_loop3A_179 : i32 to index
      %parallel_loop3A_181 = arith.constant 0 : index
      %parallel_loop3A_182 = tpu.vector_load %arg16[%parallel_loop3A_180, %parallel_loop3A_181] {strides = array<i32>} : memref<128x128xf32, #tpu.memory_space<vmem>>, vector<16xf32>,
      tpu.vector_store %arg16[%parallel_loop3A_180, %parallel_loop3A_181], %broadcast_in_dim3A_10 {strides = array<i32>} : memref<128x128xf32, #tpu.memory_space<vmem>>, vector<16xf32>,
      %parallel_loop3A_183 = arith.index_cast %parallel_loop3A_179 : i32 to index
      %parallel_loop3A_184 = arith.constant 16 : index
      %parallel_loop3A_185 = tpu.vector_load %arg16[%parallel_loop3A_183, %parallel_loop3A_184] {strides = array<i32>} : memref<128x128xf32, #tpu.memory_space<vmem>>, vector<16xf32>,
      tpu.vector_store %arg16[%parallel_loop3A_183, %parallel_loop3A_184], %broadcast_in_dim3A_10 {strides = array<i32>} : memref<128x128xf32, #tpu.memory_space<vmem>>, vector<16xf32>,
      %parallel_loop3A_186 = arith.index_cast %parallel_loop3A_179 : i32 to index
      %parallel_loop3A_187 = arith.constant 32 : index
      %parallel_loop3A_188 = tpu.vector_load %arg16[%parallel_loop3A_186, %parallel_loop3A_187] {strides = array<i32>} : memref<128x128xf32, #tpu.memory_space<vmem>>, vector<16xf32>,
      tpu.vector_store %arg16[%parallel_loop3A_186, %parallel_loop3A_187], %broadcast_in_dim3A_10 {strides = array<i32>} : memref<128x128xf32, #tpu.memory_space<vmem>>, vector<16xf32>,
      %parallel_loop3A_189 = arith.index_cast %parallel_loop3A_179 : i32 to index
      %parallel_loop3A_190 = arith.constant 48 : index
      %parallel_loop3A_191 = tpu.vector_load %arg16[%parallel_loop3A_189, %parallel_loop3A_190] {strides = array<i32>} : memref<128x128xf32, #tpu.memory_space<vmem>>, vector<16xf32>,
      tpu.vector_store %arg16[%parallel_loop3A_189, %parallel_loop3A_190], %broadcast_in_dim3A_10 {strides = array<i32>} : memref<128x128xf32, #tpu.memory_space<vmem>>, vector<16xf32>,
      %parallel_loop3A_192 = arith.index_cast %parallel_loop3A_179 : i32 to index
      %parallel_loop3A_193 = arith.constant 64 : index
      %parallel_loop3A_194 = tpu.vector_load %arg16[%parallel_loop3A_192, %parallel_loop3A_193] {strides = array<i32>} : memref<128x128xf32, #tpu.memory_space<vmem>>, vector<16xf32>,
      tpu.vector_store %arg16[%parallel_loop3A_192, %parallel_loop3A_193], %broadcast_in_dim3A_10 {strides = array<i32>} : memref<128x128xf32, #tpu.memory_space<vmem>>, vector<16xf32>,
      %parallel_loop3A_195 = arith.index_cast %parallel_loop3A_179 : i32 to index
      %parallel_loop3A_196 = arith.constant 80 : index
      %parallel_loop3A_197 = tpu.vector_load %arg16[%parallel_loop3A_195, %parallel_loop3A_196] {strides = array<i32>} : memref<128x128xf32, #tpu.memory_space<vmem>>, vector<16xf32>,
      tpu.vector_store %arg16[%parallel_loop3A_195, %parallel_loop3A_196], %broadcast_in_dim3A_10 {strides = array<i32>} : memref<128x128xf32, #tpu.memory_space<vmem>>, vector<16xf32>,
      %parallel_loop3A_198 = arith.index_cast %parallel_loop3A_179 : i32 to index
      %parallel_loop3A_199 = arith.constant 96 : index
      %parallel_loop3A_200 = tpu.vector_load %arg16[%parallel_loop3A_198, %parallel_loop3A_199] {strides = array<i32>} : memref<128x128xf32, #tpu.memory_space<vmem>>, vector<16xf32>,
      tpu.vector_store %arg16[%parallel_loop3A_198, %parallel_loop3A_199], %broadcast_in_dim3A_10 {strides = array<i32>} : memref<128x128xf32, #tpu.memory_space<vmem>>, vector<16xf32>,
      %parallel_loop3A_201 = arith.index_cast %parallel_loop3A_179 : i32 to index
      %parallel_loop3A_202 = arith.constant 112 : index
      %parallel_loop3A_203 = tpu.vector_load %arg16[%parallel_loop3A_201, %parallel_loop3A_202] {strides = array<i32>} : memref<128x128xf32, #tpu.memory_space<vmem>>, vector<16xf32>,
      tpu.vector_store %arg16[%parallel_loop3A_201, %parallel_loop3A_202], %broadcast_in_dim3A_10 {strides = array<i32>} : memref<128x128xf32, #tpu.memory_space<vmem>>, vector<16xf32>,
    } {sc.loop_unroll_factor = 2 : i64, sc.parallel_access}
    %broadcast_in_dim3A_109 = arith.constant 16383 : i32
    %broadcast_in_dim3A_110 = vector.broadcast %broadcast_in_dim3A_109 : i32 to vector<16xi32>
    %broadcast_in_dim3A_111 = arith.constant 127 : i32
    %broadcast_in_dim3A_112 = vector.broadcast %broadcast_in_dim3A_111 : i32 to vector<16xi32>
    %mul3A_113 = arith.constant 5120 : i32
    %mul3A_114 = arith.muli %arg0, %mul3A_113 : i32
    %mul3A_115 = arith.constant 20000 : i32
    %mul3A_116 = arith.muli %arg1, %mul3A_115 : i32
    %dma_start3A_117 = tpu.memref_slice %arg3[%mul3A_116] : memref<320000xi32, #tpu.memory_space<hbm>> -> memref<4000xi32, #tpu.memory_space<hbm>>
    %dma_start3A_118 = tpu.memref_slice %arg3[%mul3A_116] : memref<320000xi32, #tpu.memory_space<hbm>> -> memref<4000xi32, #tpu.memory_space<hbm>>
    tpu.enqueue_dma source(%dma_start3A_118 : memref<4000xi32, #tpu.memory_space<hbm>>) target(%arg6 : memref<4000xi32, #tpu.memory_space<vmem>>) target_semaphore(%arg20 : memref<!tpu.dma_semaphore, #tpu.memory_space<semaphore_mem>>)
    %mul3A_119 = arith.constant 20000 : i32
    %mul3A_120 = arith.muli %arg1, %mul3A_119 : i32
    %add3A_121 = arith.constant 4000 : i32
    %add3A_122 = arith.addi %mul3A_120, %add3A_121 : i32
    %dma_start3A_123 = tpu.memref_slice %arg3[%add3A_122] : memref<320000xi32, #tpu.memory_space<hbm>> -> memref<4000xi32, #tpu.memory_space<hbm>>
    %dma_start3A_124 = tpu.memref_slice %arg3[%add3A_122] : memref<320000xi32, #tpu.memory_space<hbm>> -> memref<4000xi32, #tpu.memory_space<hbm>>
    tpu.enqueue_dma source(%dma_start3A_124 : memref<4000xi32, #tpu.memory_space<hbm>>) target(%arg7 : memref<4000xi32, #tpu.memory_space<vmem>>) target_semaphore(%arg21 : memref<!tpu.dma_semaphore, #tpu.memory_space<semaphore_mem>>)
    %dma_wait3A_125 = tpu.memref_slice %arg3[%mul3A_116] : memref<320000xi32, #tpu.memory_space<hbm>> -> memref<4000xi32, #tpu.memory_space<hbm>>
    %dma_wait3A_126 = tpu.memref_slice %arg3[%mul3A_116] : memref<320000xi32, #tpu.memory_space<hbm>> -> memref<4000xi32, #tpu.memory_space<hbm>>
    tpu.wait_dma2 semaphore(%arg20 : memref<!tpu.dma_semaphore, #tpu.memory_space<semaphore_mem>>) src(%dma_wait3A_126 : memref<4000xi32, #tpu.memory_space<hbm>>) dst(%arg6 : memref<4000xi32, #tpu.memory_space<vmem>>)
    %parallel_loop3A_127 = arith.constant 0 : i32
    %parallel_loop3A_128 = arith.constant 250 : i32
    %parallel_loop3A_129 = arith.constant 1 : i32
    scf.for %parallel_loop3A_179 = %parallel_loop3A_127 to %parallel_loop3A_128 step %parallel_loop3A_129  : i32 {
      %parallel_loop3A_180 = arith.constant 16 : i32
      %parallel_loop3A_181 = arith.muli %parallel_loop3A_179, %parallel_loop3A_180 : i32
      %parallel_loop3A_182 = arith.index_cast %parallel_loop3A_181 : i32 to index
      %parallel_loop3A_183 = tpu.vector_load %arg6[%parallel_loop3A_182] {strides = array<i32>} : memref<4000xi32, #tpu.memory_space<vmem>>, vector<16xi32>,
      %parallel_loop3A_184 = arith.andi %parallel_loop3A_183, %broadcast_in_dim3A_110 : vector<16xi32>
      %parallel_loop3A_185 = arith.constant 14 : i32
      %parallel_loop3A_186 = vector.broadcast %parallel_loop3A_185 : i32 to vector<16xi32>
      %parallel_loop3A_187 = arith.shrui %parallel_loop3A_183, %parallel_loop3A_186 : vector<16xi32>
      %parallel_loop3A_188 = vector.broadcast %mul3A_114 : i32 to vector<16xi32>
      %parallel_loop3A_189 = arith.subi %parallel_loop3A_187, %parallel_loop3A_188 : vector<16xi32>
      %parallel_loop3A_190 = arith.constant 0 : i32
      %parallel_loop3A_191 = vector.broadcast %parallel_loop3A_190 : i32 to vector<16xi32>
      %parallel_loop3A_192 = arith.cmpi sge, %parallel_loop3A_189, %parallel_loop3A_191 : vector<16xi32>
      %parallel_loop3A_193 = arith.constant 5120 : i32
      %parallel_loop3A_194 = vector.broadcast %parallel_loop3A_193 : i32 to vector<16xi32>
      %parallel_loop3A_195 = arith.cmpi slt, %parallel_loop3A_189, %parallel_loop3A_194 : vector<16xi32>
      %parallel_loop3A_196 = arith.andi %parallel_loop3A_192, %parallel_loop3A_195 : vector<16xi1>
      %parallel_loop3A_197 = arith.constant 0 : i32
      %parallel_loop3A_198 = vector.broadcast %parallel_loop3A_197 : i32 to vector<16xi32>
      %parallel_loop3A_199 = arith.select %parallel_loop3A_196, %parallel_loop3A_189, %parallel_loop3A_198 : vector<16xi1>, vector<16xi32>
      %parallel_loop3A_200 = arith.constant 0 : i32
      %parallel_loop3A_201 = vector.broadcast %parallel_loop3A_200 : i32 to vector<16xi32>
      %parallel_loop3A_202 = arith.addi %parallel_loop3A_184, %parallel_loop3A_201 : vector<16xi32>
      %parallel_loop3A_203 = tpu.vector_load_idx %arg15[%parallel_loop3A_202] : memref<30720xf32, #tpu.memory_space<vmem>>[vector<16xi32>], vector<16xf32>,
      %parallel_loop3A_204 = arith.constant 0 : i32
      %parallel_loop3A_205 = vector.broadcast %parallel_loop3A_204 : i32 to vector<16xi32>
      %parallel_loop3A_206 = arith.addi %parallel_loop3A_199, %parallel_loop3A_205 : vector<16xi32>
      %parallel_loop3A_207 = arith.constant 7 : i32
      %parallel_loop3A_208 = vector.broadcast %parallel_loop3A_207 : i32 to vector<16xi32>
      %parallel_loop3A_209 = arith.shrui %parallel_loop3A_206, %parallel_loop3A_208 : vector<16xi32>
      %parallel_loop3A_210 = arith.andi %parallel_loop3A_206, %broadcast_in_dim3A_112 : vector<16xi32>
      tpu.vector_store_idx %arg16[%parallel_loop3A_209, %parallel_loop3A_210], %parallel_loop3A_203 masked %parallel_loop3A_196 {add = true} : memref<128x128xf32, #tpu.memory_space<vmem>>[vector<16xi32>, vector<16xi32>], vector<16xf32>, vector<16xi1>
      %parallel_loop3A_211 = arith.constant 10240 : i32
      %parallel_loop3A_212 = vector.broadcast %parallel_loop3A_211 : i32 to vector<16xi32>
      %parallel_loop3A_213 = arith.addi %parallel_loop3A_184, %parallel_loop3A_212 : vector<16xi32>
      %parallel_loop3A_214 = tpu.vector_load_idx %arg15[%parallel_loop3A_213] : memref<30720xf32, #tpu.memory_space<vmem>>[vector<16xi32>], vector<16xf32>,
      %parallel_loop3A_215 = arith.constant 5120 : i32
      %parallel_loop3A_216 = vector.broadcast %parallel_loop3A_215 : i32 to vector<16xi32>
      %parallel_loop3A_217 = arith.addi %parallel_loop3A_199, %parallel_loop3A_216 : vector<16xi32>
      %parallel_loop3A_218 = arith.constant 7 : i32
      %parallel_loop3A_219 = vector.broadcast %parallel_loop3A_218 : i32 to vector<16xi32>
      %parallel_loop3A_220 = arith.shrui %parallel_loop3A_217, %parallel_loop3A_219 : vector<16xi32>
      %parallel_loop3A_221 = arith.andi %parallel_loop3A_217, %broadcast_in_dim3A_112 : vector<16xi32>
      tpu.vector_store_idx %arg16[%parallel_loop3A_220, %parallel_loop3A_221], %parallel_loop3A_214 masked %parallel_loop3A_196 {add = true} : memref<128x128xf32, #tpu.memory_space<vmem>>[vector<16xi32>, vector<16xi32>], vector<16xf32>, vector<16xi1>
      %parallel_loop3A_222 = arith.constant 20480 : i32
      %parallel_loop3A_223 = vector.broadcast %parallel_loop3A_222 : i32 to vector<16xi32>
      %parallel_loop3A_224 = arith.addi %parallel_loop3A_184, %parallel_loop3A_223 : vector<16xi32>
      %parallel_loop3A_225 = tpu.vector_load_idx %arg15[%parallel_loop3A_224] : memref<30720xf32, #tpu.memory_space<vmem>>[vector<16xi32>], vector<16xf32>,
      %parallel_loop3A_226 = arith.constant 10240 : i32
      %parallel_loop3A_227 = vector.broadcast %parallel_loop3A_226 : i32 to vector<16xi32>
      %parallel_loop3A_228 = arith.addi %parallel_loop3A_199, %parallel_loop3A_227 : vector<16xi32>
      %parallel_loop3A_229 = arith.constant 7 : i32
      %parallel_loop3A_230 = vector.broadcast %parallel_loop3A_229 : i32 to vector<16xi32>
      %parallel_loop3A_231 = arith.shrui %parallel_loop3A_228, %parallel_loop3A_230 : vector<16xi32>
      %parallel_loop3A_232 = arith.andi %parallel_loop3A_228, %broadcast_in_dim3A_112 : vector<16xi32>
      tpu.vector_store_idx %arg16[%parallel_loop3A_231, %parallel_loop3A_232], %parallel_loop3A_225 masked %parallel_loop3A_196 {add = true} : memref<128x128xf32, #tpu.memory_space<vmem>>[vector<16xi32>, vector<16xi32>], vector<16xf32>, vector<16xi1>
    } {sc.loop_unroll_factor = 8 : i64, sc.parallel_access}
    %mul3A_130 = arith.constant 20000 : i32
    %mul3A_131 = arith.muli %arg1, %mul3A_130 : i32
    %add3A_132 = arith.constant 8000 : i32
    %add3A_133 = arith.addi %mul3A_131, %add3A_132 : i32
    %dma_start3A_134 = tpu.memref_slice %arg3[%add3A_133] : memref<320000xi32, #tpu.memory_space<hbm>> -> memref<4000xi32, #tpu.memory_space<hbm>>
    %dma_start3A_135 = tpu.memref_slice %arg3[%add3A_133] : memref<320000xi32, #tpu.memory_space<hbm>> -> memref<4000xi32, #tpu.memory_space<hbm>>
    tpu.enqueue_dma source(%dma_start3A_135 : memref<4000xi32, #tpu.memory_space<hbm>>) target(%arg6 : memref<4000xi32, #tpu.memory_space<vmem>>) target_semaphore(%arg20 : memref<!tpu.dma_semaphore, #tpu.memory_space<semaphore_mem>>)
    %dma_wait3A_136 = tpu.memref_slice %arg3[%add3A_122] : memref<320000xi32, #tpu.memory_space<hbm>> -> memref<4000xi32, #tpu.memory_space<hbm>>
    %dma_wait3A_137 = tpu.memref_slice %arg3[%add3A_122] : memref<320000xi32, #tpu.memory_space<hbm>> -> memref<4000xi32, #tpu.memory_space<hbm>>
    tpu.wait_dma2 semaphore(%arg21 : memref<!tpu.dma_semaphore, #tpu.memory_space<semaphore_mem>>) src(%dma_wait3A_137 : memref<4000xi32, #tpu.memory_space<hbm>>) dst(%arg7 : memref<4000xi32, #tpu.memory_space<vmem>>)
    %parallel_loop3A_138 = arith.constant 0 : i32
    %parallel_loop3A_139 = arith.constant 250 : i32
    %parallel_loop3A_140 = arith.constant 1 : i32
    scf.for %parallel_loop3A_179 = %parallel_loop3A_138 to %parallel_loop3A_139 step %parallel_loop3A_140  : i32 {
      %parallel_loop3A_180 = arith.constant 16 : i32
      %parallel_loop3A_181 = arith.muli %parallel_loop3A_179, %parallel_loop3A_180 : i32
      %parallel_loop3A_182 = arith.index_cast %parallel_loop3A_181 : i32 to index
      %parallel_loop3A_183 = tpu.vector_load %arg7[%parallel_loop3A_182] {strides = array<i32>} : memref<4000xi32, #tpu.memory_space<vmem>>, vector<16xi32>,
      %parallel_loop3A_184 = arith.andi %parallel_loop3A_183, %broadcast_in_dim3A_110 : vector<16xi32>
      %parallel_loop3A_185 = arith.constant 14 : i32
      %parallel_loop3A_186 = vector.broadcast %parallel_loop3A_185 : i32 to vector<16xi32>
      %parallel_loop3A_187 = arith.shrui %parallel_loop3A_183, %parallel_loop3A_186 : vector<16xi32>
      %parallel_loop3A_188 = vector.broadcast %mul3A_114 : i32 to vector<16xi32>
      %parallel_loop3A_189 = arith.subi %parallel_loop3A_187, %parallel_loop3A_188 : vector<16xi32>
      %parallel_loop3A_190 = arith.constant 0 : i32
      %parallel_loop3A_191 = vector.broadcast %parallel_loop3A_190 : i32 to vector<16xi32>
      %parallel_loop3A_192 = arith.cmpi sge, %parallel_loop3A_189, %parallel_loop3A_191 : vector<16xi32>
      %parallel_loop3A_193 = arith.constant 5120 : i32
      %parallel_loop3A_194 = vector.broadcast %parallel_loop3A_193 : i32 to vector<16xi32>
      %parallel_loop3A_195 = arith.cmpi slt, %parallel_loop3A_189, %parallel_loop3A_194 : vector<16xi32>
      %parallel_loop3A_196 = arith.andi %parallel_loop3A_192, %parallel_loop3A_195 : vector<16xi1>
      %parallel_loop3A_197 = arith.constant 0 : i32
      %parallel_loop3A_198 = vector.broadcast %parallel_loop3A_197 : i32 to vector<16xi32>
      %parallel_loop3A_199 = arith.select %parallel_loop3A_196, %parallel_loop3A_189, %parallel_loop3A_198 : vector<16xi1>, vector<16xi32>
      %parallel_loop3A_200 = arith.constant 0 : i32
      %parallel_loop3A_201 = vector.broadcast %parallel_loop3A_200 : i32 to vector<16xi32>
      %parallel_loop3A_202 = arith.addi %parallel_loop3A_184, %parallel_loop3A_201 : vector<16xi32>
      %parallel_loop3A_203 = tpu.vector_load_idx %arg15[%parallel_loop3A_202] : memref<30720xf32, #tpu.memory_space<vmem>>[vector<16xi32>], vector<16xf32>,
      %parallel_loop3A_204 = arith.constant 0 : i32
      %parallel_loop3A_205 = vector.broadcast %parallel_loop3A_204 : i32 to vector<16xi32>
      %parallel_loop3A_206 = arith.addi %parallel_loop3A_199, %parallel_loop3A_205 : vector<16xi32>
      %parallel_loop3A_207 = arith.constant 7 : i32
      %parallel_loop3A_208 = vector.broadcast %parallel_loop3A_207 : i32 to vector<16xi32>
      %parallel_loop3A_209 = arith.shrui %parallel_loop3A_206, %parallel_loop3A_208 : vector<16xi32>
      %parallel_loop3A_210 = arith.andi %parallel_loop3A_206, %broadcast_in_dim3A_112 : vector<16xi32>
      tpu.vector_store_idx %arg16[%parallel_loop3A_209, %parallel_loop3A_210], %parallel_loop3A_203 masked %parallel_loop3A_196 {add = true} : memref<128x128xf32, #tpu.memory_space<vmem>>[vector<16xi32>, vector<16xi32>], vector<16xf32>, vector<16xi1>
      %parallel_loop3A_211 = arith.constant 10240 : i32
      %parallel_loop3A_212 = vector.broadcast %parallel_loop3A_211 : i32 to vector<16xi32>
      %parallel_loop3A_213 = arith.addi %parallel_loop3A_184, %parallel_loop3A_212 : vector<16xi32>
      %parallel_loop3A_214 = tpu.vector_load_idx %arg15[%parallel_loop3A_213] : memref<30720xf32, #tpu.memory_space<vmem>>[vector<16xi32>], vector<16xf32>,
      %parallel_loop3A_215 = arith.constant 5120 : i32
      %parallel_loop3A_216 = vector.broadcast %parallel_loop3A_215 : i32 to vector<16xi32>
      %parallel_loop3A_217 = arith.addi %parallel_loop3A_199, %parallel_loop3A_216 : vector<16xi32>
      %parallel_loop3A_218 = arith.constant 7 : i32
      %parallel_loop3A_219 = vector.broadcast %parallel_loop3A_218 : i32 to vector<16xi32>
      %parallel_loop3A_220 = arith.shrui %parallel_loop3A_217, %parallel_loop3A_219 : vector<16xi32>
      %parallel_loop3A_221 = arith.andi %parallel_loop3A_217, %broadcast_in_dim3A_112 : vector<16xi32>
      tpu.vector_store_idx %arg16[%parallel_loop3A_220, %parallel_loop3A_221], %parallel_loop3A_214 masked %parallel_loop3A_196 {add = true} : memref<128x128xf32, #tpu.memory_space<vmem>>[vector<16xi32>, vector<16xi32>], vector<16xf32>, vector<16xi1>
      %parallel_loop3A_222 = arith.constant 20480 : i32
      %parallel_loop3A_223 = vector.broadcast %parallel_loop3A_222 : i32 to vector<16xi32>
      %parallel_loop3A_224 = arith.addi %parallel_loop3A_184, %parallel_loop3A_223 : vector<16xi32>
      %parallel_loop3A_225 = tpu.vector_load_idx %arg15[%parallel_loop3A_224] : memref<30720xf32, #tpu.memory_space<vmem>>[vector<16xi32>], vector<16xf32>,
      %parallel_loop3A_226 = arith.constant 10240 : i32
      %parallel_loop3A_227 = vector.broadcast %parallel_loop3A_226 : i32 to vector<16xi32>
      %parallel_loop3A_228 = arith.addi %parallel_loop3A_199, %parallel_loop3A_227 : vector<16xi32>
      %parallel_loop3A_229 = arith.constant 7 : i32
      %parallel_loop3A_230 = vector.broadcast %parallel_loop3A_229 : i32 to vector<16xi32>
      %parallel_loop3A_231 = arith.shrui %parallel_loop3A_228, %parallel_loop3A_230 : vector<16xi32>
      %parallel_loop3A_232 = arith.andi %parallel_loop3A_228, %broadcast_in_dim3A_112 : vector<16xi32>
      tpu.vector_store_idx %arg16[%parallel_loop3A_231, %parallel_loop3A_232], %parallel_loop3A_225 masked %parallel_loop3A_196 {add = true} : memref<128x128xf32, #tpu.memory_space<vmem>>[vector<16xi32>, vector<16xi32>], vector<16xf32>, vector<16xi1>
    } {sc.loop_unroll_factor = 8 : i64, sc.parallel_access}
    %mul3A_141 = arith.constant 20000 : i32
    %mul3A_142 = arith.muli %arg1, %mul3A_141 : i32
    %add3A_143 = arith.constant 12000 : i32
    %add3A_144 = arith.addi %mul3A_142, %add3A_143 : i32
    %dma_start3A_145 = tpu.memref_slice %arg3[%add3A_144] : memref<320000xi32, #tpu.memory_space<hbm>> -> memref<4000xi32, #tpu.memory_space<hbm>>
    %dma_start3A_146 = tpu.memref_slice %arg3[%add3A_144] : memref<320000xi32, #tpu.memory_space<hbm>> -> memref<4000xi32, #tpu.memory_space<hbm>>
    tpu.enqueue_dma source(%dma_start3A_146 : memref<4000xi32, #tpu.memory_space<hbm>>) target(%arg7 : memref<4000xi32, #tpu.memory_space<vmem>>) target_semaphore(%arg21 : memref<!tpu.dma_semaphore, #tpu.memory_space<semaphore_mem>>)
    %dma_wait3A_147 = tpu.memref_slice %arg3[%add3A_133] : memref<320000xi32, #tpu.memory_space<hbm>> -> memref<4000xi32, #tpu.memory_space<hbm>>
    %dma_wait3A_148 = tpu.memref_slice %arg3[%add3A_133] : memref<320000xi32, #tpu.memory_space<hbm>> -> memref<4000xi32, #tpu.memory_space<hbm>>
    tpu.wait_dma2 semaphore(%arg20 : memref<!tpu.dma_semaphore, #tpu.memory_space<semaphore_mem>>) src(%dma_wait3A_148 : memref<4000xi32, #tpu.memory_space<hbm>>) dst(%arg6 : memref<4000xi32, #tpu.memory_space<vmem>>)
    %parallel_loop3A_149 = arith.constant 0 : i32
    %parallel_loop3A_150 = arith.constant 250 : i32
    %parallel_loop3A_151 = arith.constant 1 : i32
    scf.for %parallel_loop3A_179 = %parallel_loop3A_149 to %parallel_loop3A_150 step %parallel_loop3A_151  : i32 {
      %parallel_loop3A_180 = arith.constant 16 : i32
      %parallel_loop3A_181 = arith.muli %parallel_loop3A_179, %parallel_loop3A_180 : i32
      %parallel_loop3A_182 = arith.index_cast %parallel_loop3A_181 : i32 to index
      %parallel_loop3A_183 = tpu.vector_load %arg6[%parallel_loop3A_182] {strides = array<i32>} : memref<4000xi32, #tpu.memory_space<vmem>>, vector<16xi32>,
      %parallel_loop3A_184 = arith.andi %parallel_loop3A_183, %broadcast_in_dim3A_110 : vector<16xi32>
      %parallel_loop3A_185 = arith.constant 14 : i32
      %parallel_loop3A_186 = vector.broadcast %parallel_loop3A_185 : i32 to vector<16xi32>
      %parallel_loop3A_187 = arith.shrui %parallel_loop3A_183, %parallel_loop3A_186 : vector<16xi32>
      %parallel_loop3A_188 = vector.broadcast %mul3A_114 : i32 to vector<16xi32>
      %parallel_loop3A_189 = arith.subi %parallel_loop3A_187, %parallel_loop3A_188 : vector<16xi32>
      %parallel_loop3A_190 = arith.constant 0 : i32
      %parallel_loop3A_191 = vector.broadcast %parallel_loop3A_190 : i32 to vector<16xi32>
      %parallel_loop3A_192 = arith.cmpi sge, %parallel_loop3A_189, %parallel_loop3A_191 : vector<16xi32>
      %parallel_loop3A_193 = arith.constant 5120 : i32
      %parallel_loop3A_194 = vector.broadcast %parallel_loop3A_193 : i32 to vector<16xi32>
      %parallel_loop3A_195 = arith.cmpi slt, %parallel_loop3A_189, %parallel_loop3A_194 : vector<16xi32>
      %parallel_loop3A_196 = arith.andi %parallel_loop3A_192, %parallel_loop3A_195 : vector<16xi1>
      %parallel_loop3A_197 = arith.constant 0 : i32
      %parallel_loop3A_198 = vector.broadcast %parallel_loop3A_197 : i32 to vector<16xi32>
      %parallel_loop3A_199 = arith.select %parallel_loop3A_196, %parallel_loop3A_189, %parallel_loop3A_198 : vector<16xi1>, vector<16xi32>
      %parallel_loop3A_200 = arith.constant 0 : i32
      %parallel_loop3A_201 = vector.broadcast %parallel_loop3A_200 : i32 to vector<16xi32>
      %parallel_loop3A_202 = arith.addi %parallel_loop3A_184, %parallel_loop3A_201 : vector<16xi32>
      %parallel_loop3A_203 = tpu.vector_load_idx %arg15[%parallel_loop3A_202] : memref<30720xf32, #tpu.memory_space<vmem>>[vector<16xi32>], vector<16xf32>,
      %parallel_loop3A_204 = arith.constant 0 : i32
      %parallel_loop3A_205 = vector.broadcast %parallel_loop3A_204 : i32 to vector<16xi32>
      %parallel_loop3A_206 = arith.addi %parallel_loop3A_199, %parallel_loop3A_205 : vector<16xi32>
      %parallel_loop3A_207 = arith.constant 7 : i32
      %parallel_loop3A_208 = vector.broadcast %parallel_loop3A_207 : i32 to vector<16xi32>
      %parallel_loop3A_209 = arith.shrui %parallel_loop3A_206, %parallel_loop3A_208 : vector<16xi32>
      %parallel_loop3A_210 = arith.andi %parallel_loop3A_206, %broadcast_in_dim3A_112 : vector<16xi32>
      tpu.vector_store_idx %arg16[%parallel_loop3A_209, %parallel_loop3A_210], %parallel_loop3A_203 masked %parallel_loop3A_196 {add = true} : memref<128x128xf32, #tpu.memory_space<vmem>>[vector<16xi32>, vector<16xi32>], vector<16xf32>, vector<16xi1>
      %parallel_loop3A_211 = arith.constant 10240 : i32
      %parallel_loop3A_212 = vector.broadcast %parallel_loop3A_211 : i32 to vector<16xi32>
      %parallel_loop3A_213 = arith.addi %parallel_loop3A_184, %parallel_loop3A_212 : vector<16xi32>
      %parallel_loop3A_214 = tpu.vector_load_idx %arg15[%parallel_loop3A_213] : memref<30720xf32, #tpu.memory_space<vmem>>[vector<16xi32>], vector<16xf32>,
      %parallel_loop3A_215 = arith.constant 5120 : i32
      %parallel_loop3A_216 = vector.broadcast %parallel_loop3A_215 : i32 to vector<16xi32>
      %parallel_loop3A_217 = arith.addi %parallel_loop3A_199, %parallel_loop3A_216 : vector<16xi32>
      %parallel_loop3A_218 = arith.constant 7 : i32
      %parallel_loop3A_219 = vector.broadcast %parallel_loop3A_218 : i32 to vector<16xi32>
      %parallel_loop3A_220 = arith.shrui %parallel_loop3A_217, %parallel_loop3A_219 : vector<16xi32>
      %parallel_loop3A_221 = arith.andi %parallel_loop3A_217, %broadcast_in_dim3A_112 : vector<16xi32>
      tpu.vector_store_idx %arg16[%parallel_loop3A_220, %parallel_loop3A_221], %parallel_loop3A_214 masked %parallel_loop3A_196 {add = true} : memref<128x128xf32, #tpu.memory_space<vmem>>[vector<16xi32>, vector<16xi32>], vector<16xf32>, vector<16xi1>
      %parallel_loop3A_222 = arith.constant 20480 : i32
      %parallel_loop3A_223 = vector.broadcast %parallel_loop3A_222 : i32 to vector<16xi32>
      %parallel_loop3A_224 = arith.addi %parallel_loop3A_184, %parallel_loop3A_223 : vector<16xi32>
      %parallel_loop3A_225 = tpu.vector_load_idx %arg15[%parallel_loop3A_224] : memref<30720xf32, #tpu.memory_space<vmem>>[vector<16xi32>], vector<16xf32>,
      %parallel_loop3A_226 = arith.constant 10240 : i32
      %parallel_loop3A_227 = vector.broadcast %parallel_loop3A_226 : i32 to vector<16xi32>
      %parallel_loop3A_228 = arith.addi %parallel_loop3A_199, %parallel_loop3A_227 : vector<16xi32>
      %parallel_loop3A_229 = arith.constant 7 : i32
      %parallel_loop3A_230 = vector.broadcast %parallel_loop3A_229 : i32 to vector<16xi32>
      %parallel_loop3A_231 = arith.shrui %parallel_loop3A_228, %parallel_loop3A_230 : vector<16xi32>
      %parallel_loop3A_232 = arith.andi %parallel_loop3A_228, %broadcast_in_dim3A_112 : vector<16xi32>
      tpu.vector_store_idx %arg16[%parallel_loop3A_231, %parallel_loop3A_232], %parallel_loop3A_225 masked %parallel_loop3A_196 {add = true} : memref<128x128xf32, #tpu.memory_space<vmem>>[vector<16xi32>, vector<16xi32>], vector<16xf32>, vector<16xi1>
    } {sc.loop_unroll_factor = 8 : i64, sc.parallel_access}
    %mul3A_152 = arith.constant 20000 : i32
    %mul3A_153 = arith.muli %arg1, %mul3A_152 : i32
    %add3A_154 = arith.constant 16000 : i32
    %add3A_155 = arith.addi %mul3A_153, %add3A_154 : i32
    %dma_start3A_156 = tpu.memref_slice %arg3[%add3A_155] : memref<320000xi32, #tpu.memory_space<hbm>> -> memref<4000xi32, #tpu.memory_space<hbm>>
    %dma_start3A_157 = tpu.memref_slice %arg3[%add3A_155] : memref<320000xi32, #tpu.memory_space<hbm>> -> memref<4000xi32, #tpu.memory_space<hbm>>
    tpu.enqueue_dma source(%dma_start3A_157 : memref<4000xi32, #tpu.memory_space<hbm>>) target(%arg6 : memref<4000xi32, #tpu.memory_space<vmem>>) target_semaphore(%arg20 : memref<!tpu.dma_semaphore, #tpu.memory_space<semaphore_mem>>)
    %dma_wait3A_158 = tpu.memref_slice %arg3[%add3A_144] : memref<320000xi32, #tpu.memory_space<hbm>> -> memref<4000xi32, #tpu.memory_space<hbm>>
    %dma_wait3A_159 = tpu.memref_slice %arg3[%add3A_144] : memref<320000xi32, #tpu.memory_space<hbm>> -> memref<4000xi32, #tpu.memory_space<hbm>>
    tpu.wait_dma2 semaphore(%arg21 : memref<!tpu.dma_semaphore, #tpu.memory_space<semaphore_mem>>) src(%dma_wait3A_159 : memref<4000xi32, #tpu.memory_space<hbm>>) dst(%arg7 : memref<4000xi32, #tpu.memory_space<vmem>>)
    %parallel_loop3A_160 = arith.constant 0 : i32
    %parallel_loop3A_161 = arith.constant 250 : i32
    %parallel_loop3A_162 = arith.constant 1 : i32
    scf.for %parallel_loop3A_179 = %parallel_loop3A_160 to %parallel_loop3A_161 step %parallel_loop3A_162  : i32 {
      %parallel_loop3A_180 = arith.constant 16 : i32
      %parallel_loop3A_181 = arith.muli %parallel_loop3A_179, %parallel_loop3A_180 : i32
      %parallel_loop3A_182 = arith.index_cast %parallel_loop3A_181 : i32 to index
      %parallel_loop3A_183 = tpu.vector_load %arg7[%parallel_loop3A_182] {strides = array<i32>} : memref<4000xi32, #tpu.memory_space<vmem>>, vector<16xi32>,
      %parallel_loop3A_184 = arith.andi %parallel_loop3A_183, %broadcast_in_dim3A_110 : vector<16xi32>
      %parallel_loop3A_185 = arith.constant 14 : i32
      %parallel_loop3A_186 = vector.broadcast %parallel_loop3A_185 : i32 to vector<16xi32>
      %parallel_loop3A_187 = arith.shrui %parallel_loop3A_183, %parallel_loop3A_186 : vector<16xi32>
      %parallel_loop3A_188 = vector.broadcast %mul3A_114 : i32 to vector<16xi32>
      %parallel_loop3A_189 = arith.subi %parallel_loop3A_187, %parallel_loop3A_188 : vector<16xi32>
      %parallel_loop3A_190 = arith.constant 0 : i32
      %parallel_loop3A_191 = vector.broadcast %parallel_loop3A_190 : i32 to vector<16xi32>
      %parallel_loop3A_192 = arith.cmpi sge, %parallel_loop3A_189, %parallel_loop3A_191 : vector<16xi32>
      %parallel_loop3A_193 = arith.constant 5120 : i32
      %parallel_loop3A_194 = vector.broadcast %parallel_loop3A_193 : i32 to vector<16xi32>
      %parallel_loop3A_195 = arith.cmpi slt, %parallel_loop3A_189, %parallel_loop3A_194 : vector<16xi32>
      %parallel_loop3A_196 = arith.andi %parallel_loop3A_192, %parallel_loop3A_195 : vector<16xi1>
      %parallel_loop3A_197 = arith.constant 0 : i32
      %parallel_loop3A_198 = vector.broadcast %parallel_loop3A_197 : i32 to vector<16xi32>
      %parallel_loop3A_199 = arith.select %parallel_loop3A_196, %parallel_loop3A_189, %parallel_loop3A_198 : vector<16xi1>, vector<16xi32>
      %parallel_loop3A_200 = arith.constant 0 : i32
      %parallel_loop3A_201 = vector.broadcast %parallel_loop3A_200 : i32 to vector<16xi32>
      %parallel_loop3A_202 = arith.addi %parallel_loop3A_184, %parallel_loop3A_201 : vector<16xi32>
      %parallel_loop3A_203 = tpu.vector_load_idx %arg15[%parallel_loop3A_202] : memref<30720xf32, #tpu.memory_space<vmem>>[vector<16xi32>], vector<16xf32>,
      %parallel_loop3A_204 = arith.constant 0 : i32
      %parallel_loop3A_205 = vector.broadcast %parallel_loop3A_204 : i32 to vector<16xi32>
      %parallel_loop3A_206 = arith.addi %parallel_loop3A_199, %parallel_loop3A_205 : vector<16xi32>
      %parallel_loop3A_207 = arith.constant 7 : i32
      %parallel_loop3A_208 = vector.broadcast %parallel_loop3A_207 : i32 to vector<16xi32>
      %parallel_loop3A_209 = arith.shrui %parallel_loop3A_206, %parallel_loop3A_208 : vector<16xi32>
      %parallel_loop3A_210 = arith.andi %parallel_loop3A_206, %broadcast_in_dim3A_112 : vector<16xi32>
      tpu.vector_store_idx %arg16[%parallel_loop3A_209, %parallel_loop3A_210], %parallel_loop3A_203 masked %parallel_loop3A_196 {add = true} : memref<128x128xf32, #tpu.memory_space<vmem>>[vector<16xi32>, vector<16xi32>], vector<16xf32>, vector<16xi1>
      %parallel_loop3A_211 = arith.constant 10240 : i32
      %parallel_loop3A_212 = vector.broadcast %parallel_loop3A_211 : i32 to vector<16xi32>
      %parallel_loop3A_213 = arith.addi %parallel_loop3A_184, %parallel_loop3A_212 : vector<16xi32>
      %parallel_loop3A_214 = tpu.vector_load_idx %arg15[%parallel_loop3A_213] : memref<30720xf32, #tpu.memory_space<vmem>>[vector<16xi32>], vector<16xf32>,
      %parallel_loop3A_215 = arith.constant 5120 : i32
      %parallel_loop3A_216 = vector.broadcast %parallel_loop3A_215 : i32 to vector<16xi32>
      %parallel_loop3A_217 = arith.addi %parallel_loop3A_199, %parallel_loop3A_216 : vector<16xi32>
      %parallel_loop3A_218 = arith.constant 7 : i32
      %parallel_loop3A_219 = vector.broadcast %parallel_loop3A_218 : i32 to vector<16xi32>
      %parallel_loop3A_220 = arith.shrui %parallel_loop3A_217, %parallel_loop3A_219 : vector<16xi32>
      %parallel_loop3A_221 = arith.andi %parallel_loop3A_217, %broadcast_in_dim3A_112 : vector<16xi32>
      tpu.vector_store_idx %arg16[%parallel_loop3A_220, %parallel_loop3A_221], %parallel_loop3A_214 masked %parallel_loop3A_196 {add = true} : memref<128x128xf32, #tpu.memory_space<vmem>>[vector<16xi32>, vector<16xi32>], vector<16xf32>, vector<16xi1>
      %parallel_loop3A_222 = arith.constant 20480 : i32
      %parallel_loop3A_223 = vector.broadcast %parallel_loop3A_222 : i32 to vector<16xi32>
      %parallel_loop3A_224 = arith.addi %parallel_loop3A_184, %parallel_loop3A_223 : vector<16xi32>
      %parallel_loop3A_225 = tpu.vector_load_idx %arg15[%parallel_loop3A_224] : memref<30720xf32, #tpu.memory_space<vmem>>[vector<16xi32>], vector<16xf32>,
      %parallel_loop3A_226 = arith.constant 10240 : i32
      %parallel_loop3A_227 = vector.broadcast %parallel_loop3A_226 : i32 to vector<16xi32>
      %parallel_loop3A_228 = arith.addi %parallel_loop3A_199, %parallel_loop3A_227 : vector<16xi32>
      %parallel_loop3A_229 = arith.constant 7 : i32
      %parallel_loop3A_230 = vector.broadcast %parallel_loop3A_229 : i32 to vector<16xi32>
      %parallel_loop3A_231 = arith.shrui %parallel_loop3A_228, %parallel_loop3A_230 : vector<16xi32>
      %parallel_loop3A_232 = arith.andi %parallel_loop3A_228, %broadcast_in_dim3A_112 : vector<16xi32>
      tpu.vector_store_idx %arg16[%parallel_loop3A_231, %parallel_loop3A_232], %parallel_loop3A_225 masked %parallel_loop3A_196 {add = true} : memref<128x128xf32, #tpu.memory_space<vmem>>[vector<16xi32>, vector<16xi32>], vector<16xf32>, vector<16xi1>
    } {sc.loop_unroll_factor = 8 : i64, sc.parallel_access}
    %dma_wait3A_163 = tpu.memref_slice %arg3[%add3A_155] : memref<320000xi32, #tpu.memory_space<hbm>> -> memref<4000xi32, #tpu.memory_space<hbm>>
    %dma_wait3A_164 = tpu.memref_slice %arg3[%add3A_155] : memref<320000xi32, #tpu.memory_space<hbm>> -> memref<4000xi32, #tpu.memory_space<hbm>>
    tpu.wait_dma2 semaphore(%arg20 : memref<!tpu.dma_semaphore, #tpu.memory_space<semaphore_mem>>) src(%dma_wait3A_164 : memref<4000xi32, #tpu.memory_space<hbm>>) dst(%arg6 : memref<4000xi32, #tpu.memory_space<vmem>>)
    %parallel_loop3A_165 = arith.constant 0 : i32
    %parallel_loop3A_166 = arith.constant 250 : i32
    %parallel_loop3A_167 = arith.constant 1 : i32
    scf.for %parallel_loop3A_179 = %parallel_loop3A_165 to %parallel_loop3A_166 step %parallel_loop3A_167  : i32 {
      %parallel_loop3A_180 = arith.constant 16 : i32
      %parallel_loop3A_181 = arith.muli %parallel_loop3A_179, %parallel_loop3A_180 : i32
      %parallel_loop3A_182 = arith.index_cast %parallel_loop3A_181 : i32 to index
      %parallel_loop3A_183 = tpu.vector_load %arg6[%parallel_loop3A_182] {strides = array<i32>} : memref<4000xi32, #tpu.memory_space<vmem>>, vector<16xi32>,
      %parallel_loop3A_184 = arith.andi %parallel_loop3A_183, %broadcast_in_dim3A_110 : vector<16xi32>
      %parallel_loop3A_185 = arith.constant 14 : i32
      %parallel_loop3A_186 = vector.broadcast %parallel_loop3A_185 : i32 to vector<16xi32>
      %parallel_loop3A_187 = arith.shrui %parallel_loop3A_183, %parallel_loop3A_186 : vector<16xi32>
      %parallel_loop3A_188 = vector.broadcast %mul3A_114 : i32 to vector<16xi32>
      %parallel_loop3A_189 = arith.subi %parallel_loop3A_187, %parallel_loop3A_188 : vector<16xi32>
      %parallel_loop3A_190 = arith.constant 0 : i32
      %parallel_loop3A_191 = vector.broadcast %parallel_loop3A_190 : i32 to vector<16xi32>
      %parallel_loop3A_192 = arith.cmpi sge, %parallel_loop3A_189, %parallel_loop3A_191 : vector<16xi32>
      %parallel_loop3A_193 = arith.constant 5120 : i32
      %parallel_loop3A_194 = vector.broadcast %parallel_loop3A_193 : i32 to vector<16xi32>
      %parallel_loop3A_195 = arith.cmpi slt, %parallel_loop3A_189, %parallel_loop3A_194 : vector<16xi32>
      %parallel_loop3A_196 = arith.andi %parallel_loop3A_192, %parallel_loop3A_195 : vector<16xi1>
      %parallel_loop3A_197 = arith.constant 0 : i32
      %parallel_loop3A_198 = vector.broadcast %parallel_loop3A_197 : i32 to vector<16xi32>
      %parallel_loop3A_199 = arith.select %parallel_loop3A_196, %parallel_loop3A_189, %parallel_loop3A_198 : vector<16xi1>, vector<16xi32>
      %parallel_loop3A_200 = arith.constant 0 : i32
      %parallel_loop3A_201 = vector.broadcast %parallel_loop3A_200 : i32 to vector<16xi32>
      %parallel_loop3A_202 = arith.addi %parallel_loop3A_184, %parallel_loop3A_201 : vector<16xi32>
      %parallel_loop3A_203 = tpu.vector_load_idx %arg15[%parallel_loop3A_202] : memref<30720xf32, #tpu.memory_space<vmem>>[vector<16xi32>], vector<16xf32>,
      %parallel_loop3A_204 = arith.constant 0 : i32
      %parallel_loop3A_205 = vector.broadcast %parallel_loop3A_204 : i32 to vector<16xi32>
      %parallel_loop3A_206 = arith.addi %parallel_loop3A_199, %parallel_loop3A_205 : vector<16xi32>
      %parallel_loop3A_207 = arith.constant 7 : i32
      %parallel_loop3A_208 = vector.broadcast %parallel_loop3A_207 : i32 to vector<16xi32>
      %parallel_loop3A_209 = arith.shrui %parallel_loop3A_206, %parallel_loop3A_208 : vector<16xi32>
      %parallel_loop3A_210 = arith.andi %parallel_loop3A_206, %broadcast_in_dim3A_112 : vector<16xi32>
      tpu.vector_store_idx %arg16[%parallel_loop3A_209, %parallel_loop3A_210], %parallel_loop3A_203 masked %parallel_loop3A_196 {add = true} : memref<128x128xf32, #tpu.memory_space<vmem>>[vector<16xi32>, vector<16xi32>], vector<16xf32>, vector<16xi1>
      %parallel_loop3A_211 = arith.constant 10240 : i32
      %parallel_loop3A_212 = vector.broadcast %parallel_loop3A_211 : i32 to vector<16xi32>
      %parallel_loop3A_213 = arith.addi %parallel_loop3A_184, %parallel_loop3A_212 : vector<16xi32>
      %parallel_loop3A_214 = tpu.vector_load_idx %arg15[%parallel_loop3A_213] : memref<30720xf32, #tpu.memory_space<vmem>>[vector<16xi32>], vector<16xf32>,
      %parallel_loop3A_215 = arith.constant 5120 : i32
      %parallel_loop3A_216 = vector.broadcast %parallel_loop3A_215 : i32 to vector<16xi32>
      %parallel_loop3A_217 = arith.addi %parallel_loop3A_199, %parallel_loop3A_216 : vector<16xi32>
      %parallel_loop3A_218 = arith.constant 7 : i32
      %parallel_loop3A_219 = vector.broadcast %parallel_loop3A_218 : i32 to vector<16xi32>
      %parallel_loop3A_220 = arith.shrui %parallel_loop3A_217, %parallel_loop3A_219 : vector<16xi32>
      %parallel_loop3A_221 = arith.andi %parallel_loop3A_217, %broadcast_in_dim3A_112 : vector<16xi32>
      tpu.vector_store_idx %arg16[%parallel_loop3A_220, %parallel_loop3A_221], %parallel_loop3A_214 masked %parallel_loop3A_196 {add = true} : memref<128x128xf32, #tpu.memory_space<vmem>>[vector<16xi32>, vector<16xi32>], vector<16xf32>, vector<16xi1>
      %parallel_loop3A_222 = arith.constant 20480 : i32
      %parallel_loop3A_223 = vector.broadcast %parallel_loop3A_222 : i32 to vector<16xi32>
      %parallel_loop3A_224 = arith.addi %parallel_loop3A_184, %parallel_loop3A_223 : vector<16xi32>
      %parallel_loop3A_225 = tpu.vector_load_idx %arg15[%parallel_loop3A_224] : memref<30720xf32, #tpu.memory_space<vmem>>[vector<16xi32>], vector<16xf32>,
      %parallel_loop3A_226 = arith.constant 10240 : i32
      %parallel_loop3A_227 = vector.broadcast %parallel_loop3A_226 : i32 to vector<16xi32>
      %parallel_loop3A_228 = arith.addi %parallel_loop3A_199, %parallel_loop3A_227 : vector<16xi32>
      %parallel_loop3A_229 = arith.constant 7 : i32
      %parallel_loop3A_230 = vector.broadcast %parallel_loop3A_229 : i32 to vector<16xi32>
      %parallel_loop3A_231 = arith.shrui %parallel_loop3A_228, %parallel_loop3A_230 : vector<16xi32>
      %parallel_loop3A_232 = arith.andi %parallel_loop3A_228, %broadcast_in_dim3A_112 : vector<16xi32>
      tpu.vector_store_idx %arg16[%parallel_loop3A_231, %parallel_loop3A_232], %parallel_loop3A_225 masked %parallel_loop3A_196 {add = true} : memref<128x128xf32, #tpu.memory_space<vmem>>[vector<16xi32>, vector<16xi32>], vector<16xf32>, vector<16xi1>
    } {sc.loop_unroll_factor = 8 : i64, sc.parallel_access}
    %mul3A_168 = arith.constant 8 : i32
    %mul3A_169 = arith.muli %arg1, %mul3A_168 : i32
    "tpu.region"() ({
      %run_scoped3A = tpu.sem_alloc : memref<!tpu.dma_semaphore, #tpu.memory_space<semaphore_mem>>
      %dma_start3A_179 = arith.constant 120 : i32
      %dma_start3A_180 = arith.constant 0 : i32
      %dma_start3A_181 = tpu.memref_slice %arg16[%dma_start3A_179, %dma_start3A_180] : memref<128x128xf32, #tpu.memory_space<vmem>> -> memref<8x128xf32, #tpu.memory_space<vmem>>
      %dma_start3A_182 = arith.constant 0 : i32
      %dma_start3A_183 = tpu.memref_slice %arg19[%mul3A_169, %dma_start3A_182] : memref<128x128xf32, #tpu.memory_space<vmem_shared>> -> memref<8x128xf32, #tpu.memory_space<vmem_shared>>
      %dma_start3A_184 = arith.constant 0 : i32
      %dma_start3A_185 = tpu.memref_slice %arg19[%mul3A_169, %dma_start3A_184] : memref<128x128xf32, #tpu.memory_space<vmem_shared>> -> memref<8x128xf32, #tpu.memory_space<vmem_shared>>
      %dma_start3A_186 = arith.constant 120 : i32
      %dma_start3A_187 = arith.constant 0 : i32
      %dma_start3A_188 = tpu.memref_slice %arg16[%dma_start3A_186, %dma_start3A_187] : memref<128x128xf32, #tpu.memory_space<vmem>> -> memref<8x128xf32, #tpu.memory_space<vmem>>
      tpu.enqueue_dma source(%dma_start3A_188 : memref<8x128xf32, #tpu.memory_space<vmem>>) target(%dma_start3A_185 : memref<8x128xf32, #tpu.memory_space<vmem_shared>>) target_semaphore(%run_scoped3A : memref<!tpu.dma_semaphore, #tpu.memory_space<semaphore_mem>>)
      %dma_wait3A_189 = arith.constant 120 : i32
      %dma_wait3A_190 = arith.constant 0 : i32
      %dma_wait3A_191 = tpu.memref_slice %arg16[%dma_wait3A_189, %dma_wait3A_190] : memref<128x128xf32, #tpu.memory_space<vmem>> -> memref<8x128xf32, #tpu.memory_space<vmem>>
      %dma_wait3A_192 = arith.constant 0 : i32
      %dma_wait3A_193 = tpu.memref_slice %arg19[%mul3A_169, %dma_wait3A_192] : memref<128x128xf32, #tpu.memory_space<vmem_shared>> -> memref<8x128xf32, #tpu.memory_space<vmem_shared>>
      %dma_wait3A_194 = arith.constant 0 : i32
      %dma_wait3A_195 = tpu.memref_slice %arg19[%mul3A_169, %dma_wait3A_194] : memref<128x128xf32, #tpu.memory_space<vmem_shared>> -> memref<8x128xf32, #tpu.memory_space<vmem_shared>>
      %dma_wait3A_196 = arith.constant 120 : i32
      %dma_wait3A_197 = arith.constant 0 : i32
      %dma_wait3A_198 = tpu.memref_slice %arg16[%dma_wait3A_196, %dma_wait3A_197] : memref<128x128xf32, #tpu.memory_space<vmem>> -> memref<8x128xf32, #tpu.memory_space<vmem>>
      tpu.wait_dma2 semaphore(%run_scoped3A : memref<!tpu.dma_semaphore, #tpu.memory_space<semaphore_mem>>) src(%dma_wait3A_198 : memref<8x128xf32, #tpu.memory_space<vmem>>) dst(%dma_wait3A_195 : memref<8x128xf32, #tpu.memory_space<vmem_shared>>)
      tpu.yield
    }) : () -> ()
    %barrier3A_170 = arith.constant 0 : index
    tpu.barrier barrier_id(%barrier3A_170)
    "tpu.region"() ({
      %run_scoped3A = tpu.sem_alloc : memref<!tpu.dma_semaphore, #tpu.memory_space<semaphore_mem>>
      %dma_start3A_179 = arith.constant 0 : i32
      %dma_start3A_180 = arith.constant 0 : i32
      %dma_start3A_181 = tpu.memref_slice %arg19[%dma_start3A_179, %dma_start3A_180] : memref<128x128xf32, #tpu.memory_space<vmem_shared>> -> memref<128x128xf32, #tpu.memory_space<vmem_shared>>
      tpu.enqueue_indirect_dma source(%arg16 : memref<128x128xf32, #tpu.memory_space<vmem>>) target(%dma_start3A_181 : memref<128x128xf32, #tpu.memory_space<vmem_shared>>) offsets(%arg10 : memref<128xi32, #tpu.memory_space<vmem>>) semaphore(%run_scoped3A : memref<!tpu.dma_semaphore, #tpu.memory_space<semaphore_mem>>) {add = true}
      %dma_wait3A_182 = arith.constant 0 : i32
      %dma_wait3A_183 = arith.constant 0 : i32
      %dma_wait3A_184 = tpu.memref_slice %arg19[%dma_wait3A_182, %dma_wait3A_183] : memref<128x128xf32, #tpu.memory_space<vmem_shared>> -> memref<128x128xf32, #tpu.memory_space<vmem_shared>>
      tpu.wait_indirect_dma semaphore(%run_scoped3A : memref<!tpu.dma_semaphore, #tpu.memory_space<semaphore_mem>>) src(%arg16 : memref<128x128xf32, #tpu.memory_space<vmem>>) dst(%dma_wait3A_184 : memref<128x128xf32, #tpu.memory_space<vmem_shared>>)
      tpu.yield
    }) : () -> ()
    %barrier3A_171 = arith.constant 0 : index
    tpu.barrier barrier_id(%barrier3A_171)
    %mul3A_172 = arith.constant 8 : i32
    %mul3A_173 = arith.muli %arg1, %mul3A_172 : i32
    "tpu.region"() ({
      %run_scoped3A = tpu.sem_alloc : memref<!tpu.dma_semaphore, #tpu.memory_space<semaphore_mem>>
      %dma_start3A_179 = arith.constant 120 : i32
      %dma_start3A_180 = arith.constant 0 : i32
      %dma_start3A_181 = tpu.memref_slice %arg16[%dma_start3A_179, %dma_start3A_180] : memref<128x128xf32, #tpu.memory_space<vmem>> -> memref<8x128xf32, #tpu.memory_space<vmem>>
      %dma_start3A_182 = arith.constant 0 : i32
      %dma_start3A_183 = tpu.memref_slice %arg19[%mul3A_173, %dma_start3A_182] : memref<128x128xf32, #tpu.memory_space<vmem_shared>> -> memref<8x128xf32, #tpu.memory_space<vmem_shared>>
      %dma_start3A_184 = arith.constant 120 : i32
      %dma_start3A_185 = arith.constant 0 : i32
      %dma_start3A_186 = tpu.memref_slice %arg16[%dma_start3A_184, %dma_start3A_185] : memref<128x128xf32, #tpu.memory_space<vmem>> -> memref<8x128xf32, #tpu.memory_space<vmem>>
      %dma_start3A_187 = arith.constant 0 : i32
      %dma_start3A_188 = tpu.memref_slice %arg19[%mul3A_173, %dma_start3A_187] : memref<128x128xf32, #tpu.memory_space<vmem_shared>> -> memref<8x128xf32, #tpu.memory_space<vmem_shared>>
      tpu.enqueue_dma source(%dma_start3A_188 : memref<8x128xf32, #tpu.memory_space<vmem_shared>>) target(%dma_start3A_186 : memref<8x128xf32, #tpu.memory_space<vmem>>) target_semaphore(%run_scoped3A : memref<!tpu.dma_semaphore, #tpu.memory_space<semaphore_mem>>)
      %dma_wait3A_189 = arith.constant 120 : i32
      %dma_wait3A_190 = arith.constant 0 : i32
      %dma_wait3A_191 = tpu.memref_slice %arg16[%dma_wait3A_189, %dma_wait3A_190] : memref<128x128xf32, #tpu.memory_space<vmem>> -> memref<8x128xf32, #tpu.memory_space<vmem>>
      %dma_wait3A_192 = arith.constant 0 : i32
      %dma_wait3A_193 = tpu.memref_slice %arg19[%mul3A_173, %dma_wait3A_192] : memref<128x128xf32, #tpu.memory_space<vmem_shared>> -> memref<8x128xf32, #tpu.memory_space<vmem_shared>>
      %dma_wait3A_194 = arith.constant 120 : i32
      %dma_wait3A_195 = arith.constant 0 : i32
      %dma_wait3A_196 = tpu.memref_slice %arg16[%dma_wait3A_194, %dma_wait3A_195] : memref<128x128xf32, #tpu.memory_space<vmem>> -> memref<8x128xf32, #tpu.memory_space<vmem>>
      %dma_wait3A_197 = arith.constant 0 : i32
      %dma_wait3A_198 = tpu.memref_slice %arg19[%mul3A_173, %dma_wait3A_197] : memref<128x128xf32, #tpu.memory_space<vmem_shared>> -> memref<8x128xf32, #tpu.memory_space<vmem_shared>>
      tpu.wait_dma2 semaphore(%run_scoped3A : memref<!tpu.dma_semaphore, #tpu.memory_space<semaphore_mem>>) src(%dma_wait3A_198 : memref<8x128xf32, #tpu.memory_space<vmem_shared>>) dst(%dma_wait3A_196 : memref<8x128xf32, #tpu.memory_space<vmem>>)
      tpu.yield
    }) : () -> ()
    %mul3A_174 = arith.constant 128 : i32
    %mul3A_175 = arith.muli %arg0, %mul3A_174 : i32
    %mul3A_176 = arith.constant 8 : i32
    %mul3A_177 = arith.muli %arg1, %mul3A_176 : i32
    %add3A_178 = arith.addi %mul3A_175, %mul3A_177 : i32
    "tpu.region"() ({
      %run_scoped3A = tpu.sem_alloc : memref<!tpu.dma_semaphore, #tpu.memory_space<semaphore_mem>>
      %dma_start3A_179 = arith.constant 120 : i32
      %dma_start3A_180 = arith.constant 0 : i32
      %dma_start3A_181 = tpu.memref_slice %arg16[%dma_start3A_179, %dma_start3A_180] : memref<128x128xf32, #tpu.memory_space<vmem>> -> memref<8x128xf32, #tpu.memory_space<vmem>>
      %dma_start3A_182 = arith.constant 0 : i32
      %dma_start3A_183 = tpu.memref_slice %arg4[%add3A_178, %dma_start3A_182] : memref<256x128xf32, #tpu.memory_space<hbm>> -> memref<8x128xf32, #tpu.memory_space<hbm>>
      %dma_start3A_184 = arith.constant 0 : i32
      %dma_start3A_185 = tpu.memref_slice %arg4[%add3A_178, %dma_start3A_184] : memref<256x128xf32, #tpu.memory_space<hbm>> -> memref<8x128xf32, #tpu.memory_space<hbm>>
      %dma_start3A_186 = arith.constant 120 : i32
      %dma_start3A_187 = arith.constant 0 : i32
      %dma_start3A_188 = tpu.memref_slice %arg16[%dma_start3A_186, %dma_start3A_187] : memref<128x128xf32, #tpu.memory_space<vmem>> -> memref<8x128xf32, #tpu.memory_space<vmem>>
      tpu.enqueue_dma source(%dma_start3A_188 : memref<8x128xf32, #tpu.memory_space<vmem>>) target(%dma_start3A_185 : memref<8x128xf32, #tpu.memory_space<hbm>>) target_semaphore(%run_scoped3A : memref<!tpu.dma_semaphore, #tpu.memory_space<semaphore_mem>>)
      %dma_wait3A_189 = arith.constant 120 : i32
      %dma_wait3A_190 = arith.constant 0 : i32
      %dma_wait3A_191 = tpu.memref_slice %arg16[%dma_wait3A_189, %dma_wait3A_190] : memref<128x128xf32, #tpu.memory_space<vmem>> -> memref<8x128xf32, #tpu.memory_space<vmem>>
      %dma_wait3A_192 = arith.constant 0 : i32
      %dma_wait3A_193 = tpu.memref_slice %arg4[%add3A_178, %dma_wait3A_192] : memref<256x128xf32, #tpu.memory_space<hbm>> -> memref<8x128xf32, #tpu.memory_space<hbm>>
      %dma_wait3A_194 = arith.constant 0 : i32
      %dma_wait3A_195 = tpu.memref_slice %arg4[%add3A_178, %dma_wait3A_194] : memref<256x128xf32, #tpu.memory_space<hbm>> -> memref<8x128xf32, #tpu.memory_space<hbm>>
      %dma_wait3A_196 = arith.constant 120 : i32
      %dma_wait3A_197 = arith.constant 0 : i32
      %dma_wait3A_198 = tpu.memref_slice %arg16[%dma_wait3A_196, %dma_wait3A_197] : memref<128x128xf32, #tpu.memory_space<vmem>> -> memref<8x128xf32, #tpu.memory_space<vmem>>
      tpu.wait_dma2 semaphore(%run_scoped3A : memref<!tpu.dma_semaphore, #tpu.memory_space<semaphore_mem>>) src(%dma_wait3A_198 : memref<8x128xf32, #tpu.memory_space<vmem>>) dst(%dma_wait3A_195 : memref<8x128xf32, #tpu.memory_space<hbm>>)
      tpu.yield
    }) : () -> ()
    return
  }
}

module attributes {stable_mosaic.version = 14 : i64} {
  func.func @_pre_body(%arg0: memref<10000x128xf32, #tpu.memory_space<vmem>>, %arg1: memref<128x3xf32, #tpu.memory_space<vmem>>, %arg2: memref<3x10240xf32, #tpu.memory_space<vmem>>) attributes {dimension_semantics = [], scalar_prefetch = 0 : i64, scratch_operands = 0 : i64, tpu.core_type = #tpu.core_type<tc>} {
    %get3A = arith.constant 0 : index
    %get3A_0 = arith.constant 0 : index
    %get3A_1 = vector.load %arg1[%get3A, %get3A_0] : memref<128x3xf32, #tpu.memory_space<vmem>>, vector<128x3xf32>
    %get3A_2 = arith.constant 0 : index
    %get3A_3 = arith.constant 0 : index
    %get3A_4 = vector.load %arg0[%get3A_2, %get3A_3] : memref<10000x128xf32, #tpu.memory_space<vmem>>, vector<10000x128xf32>
    %dot_general3A = arith.constant dense<0.000000e+00> : vector<3x10000xf32>
    %dot_general3A_5 = tpu.matmul %get3A_1, %get3A_4, %dot_general3A {dimension_numbers = #tpu.dot_dimension_numbers<[0], [1], [1], [0], [0, 1, 1, 0], [], []>, transpose_lhs_hint = false} : vector<128x3xf32>, vector<10000x128xf32>, vector<3x10000xf32> -> vector<3x10000xf32>
    %swap3A = arith.constant 0 : index
    %swap3A_6 = arith.constant 0 : index
    %swap3A_7 = vector.load %arg2[%swap3A, %swap3A_6] : memref<3x10240xf32, #tpu.memory_space<vmem>>, vector<3x10000xf32>
    tpu.vector_store %arg2[%swap3A, %swap3A_6], %dot_general3A_5 {strides = array<i32>} : memref<3x10240xf32, #tpu.memory_space<vmem>>, vector<3x10000xf32>,
    %broadcast_in_dim3A = arith.constant 0.000000e+00 : f32
    %broadcast_in_dim3A_8 = vector.broadcast %broadcast_in_dim3A : f32 to vector<3x240xf32>
    %swap3A_9 = arith.constant 0 : index
    %swap3A_10 = arith.constant 10000 : index
    %swap3A_11 = vector.load %arg2[%swap3A_9, %swap3A_10] : memref<3x10240xf32, #tpu.memory_space<vmem>>, vector<3x240xf32>
    tpu.vector_store %arg2[%swap3A_9, %swap3A_10], %broadcast_in_dim3A_8 {strides = array<i32>} : memref<3x10240xf32, #tpu.memory_space<vmem>>, vector<3x240xf32>,
    return
  }
}

module attributes {stable_mosaic.version = 14 : i64} {
  func.func @_fin_body(%arg0: memref<2x3x5120xf32, #tpu.memory_space<vmem>>, %arg1: memref<2x10240xf32, #tpu.memory_space<vmem>>, %arg2: memref<3x10240xf32, #tpu.memory_space<vmem>>, %arg3: memref<3x1xf32, #tpu.memory_space<vmem>>, %arg4: memref<3x4xf32, #tpu.memory_space<vmem>>, %arg5: memref<4x1xf32, #tpu.memory_space<vmem>>, %arg6: memref<3x10240xf32, #tpu.memory_space<vmem>>, %arg7: memref<4x10240xf32, #tpu.memory_space<vmem>>) attributes {dimension_semantics = [], scalar_prefetch = 0 : i64, scratch_operands = 0 : i64, tpu.core_type = #tpu.core_type<tc>} {
    %get3A = arith.constant 0 : index
    %get3A_0 = arith.constant 0 : index
    %get3A_1 = arith.constant 0 : index
    %get3A_2 = vector.load %arg0[%get3A, %get3A_0, %get3A_1] : memref<2x3x5120xf32, #tpu.memory_space<vmem>>, vector<1x3x5120xf32>
    %get3A_3 = vector.shape_cast %get3A_2 : vector<1x3x5120xf32> to vector<3x5120xf32>
    %get3A_4 = arith.constant 1 : index
    %get3A_5 = arith.constant 0 : index
    %get3A_6 = arith.constant 0 : index
    %get3A_7 = vector.load %arg0[%get3A_4, %get3A_5, %get3A_6] : memref<2x3x5120xf32, #tpu.memory_space<vmem>>, vector<1x3x5120xf32>
    %get3A_8 = vector.shape_cast %get3A_7 : vector<1x3x5120xf32> to vector<3x5120xf32>
    %concatenate3A = tpu.concatenate %get3A_3, %get3A_8 in 1 : vector<3x5120xf32>, vector<3x5120xf32> -> vector<3x10240xf32>
    %get3A_9 = arith.constant 0 : index
    %get3A_10 = arith.constant 0 : index
    %get3A_11 = vector.load %arg1[%get3A_9, %get3A_10] : memref<2x10240xf32, #tpu.memory_space<vmem>>, vector<1x10240xf32>
    %rsqrt3A = math.rsqrt %get3A_11 : vector<1x10240xf32>
    %get3A_12 = arith.constant 0 : index
    %get3A_13 = arith.constant 0 : index
    %get3A_14 = vector.load %arg2[%get3A_12, %get3A_13] : memref<3x10240xf32, #tpu.memory_space<vmem>>, vector<3x10240xf32>
    %mul3A = vector.broadcast %rsqrt3A : vector<1x10240xf32> to vector<3x10240xf32>
    %mul3A_15 = arith.mulf %get3A_14, %mul3A : vector<3x10240xf32>
    %add3A = arith.addf %concatenate3A, %mul3A_15 : vector<3x10240xf32>
    %mul3A_16 = vector.broadcast %rsqrt3A : vector<1x10240xf32> to vector<3x10240xf32>
    %mul3A_17 = arith.mulf %mul3A_16, %add3A : vector<3x10240xf32>
    %get3A_18 = arith.constant 0 : index
    %get3A_19 = arith.constant 0 : index
    %get3A_20 = vector.load %arg3[%get3A_18, %get3A_19] : memref<3x1xf32, #tpu.memory_space<vmem>>, vector<3x1xf32>
    %add3A_21 = vector.broadcast %get3A_20 : vector<3x1xf32> to vector<3x10240xf32>
    %add3A_22 = arith.addf %mul3A_17, %add3A_21 : vector<3x10240xf32>
    %max3A = arith.constant 0.000000e+00 : f32
    %max3A_23 = vector.broadcast %max3A : f32 to vector<3x10240xf32>
    %max3A_24 = arith.maximumf %add3A_22, %max3A_23 : vector<3x10240xf32>
    %swap3A = arith.constant 0 : index
    %swap3A_25 = arith.constant 0 : index
    %swap3A_26 = vector.load %arg6[%swap3A, %swap3A_25] : memref<3x10240xf32, #tpu.memory_space<vmem>>, vector<3x10240xf32>
    tpu.vector_store %arg6[%swap3A, %swap3A_25], %max3A_24 {strides = array<i32>} : memref<3x10240xf32, #tpu.memory_space<vmem>>, vector<3x10240xf32>,
    %get3A_27 = arith.constant 0 : index
    %get3A_28 = arith.constant 0 : index
    %get3A_29 = vector.load %arg4[%get3A_27, %get3A_28] : memref<3x4xf32, #tpu.memory_space<vmem>>, vector<3x4xf32>
    %dot_general3A = arith.constant dense<0.000000e+00> : vector<4x10240xf32>
    %dot_general3A_30 = tpu.matmul %get3A_29, %max3A_24, %dot_general3A {dimension_numbers = #tpu.dot_dimension_numbers<[0], [0], [1], [1], [0, 1, 1, 1], [], []>, transpose_lhs_hint = false} : vector<3x4xf32>, vector<3x10240xf32>, vector<4x10240xf32> -> vector<4x10240xf32>
    %get3A_31 = arith.constant 0 : index
    %get3A_32 = arith.constant 0 : index
    %get3A_33 = vector.load %arg5[%get3A_31, %get3A_32] : memref<4x1xf32, #tpu.memory_space<vmem>>, vector<4x1xf32>
    %add3A_34 = vector.broadcast %get3A_33 : vector<4x1xf32> to vector<4x10240xf32>
    %add3A_35 = arith.addf %dot_general3A_30, %add3A_34 : vector<4x10240xf32>
    %swap3A_36 = arith.constant 0 : index
    %swap3A_37 = arith.constant 0 : index
    %swap3A_38 = vector.load %arg7[%swap3A_36, %swap3A_37] : memref<4x10240xf32, #tpu.memory_space<vmem>>, vector<4x10240xf32>
    tpu.vector_store %arg7[%swap3A_36, %swap3A_37], %add3A_35 {strides = array<i32>} : memref<4x10240xf32, #tpu.memory_space<vmem>>, vector<4x10240xf32>,
    return
  }
}

</mosaic_0001>

<sc_bundles>
// kernel: kernel.5.cloned.1.call-start
scs
__scs_entry_jumppad:
0x0: {  	(pc) =	sbr.rel $0x88, $3  }
0x1: {  	(tag) =	ssettag $0x0;
	lr =	simm.s32 $0x1  }
0x2: {  	[smem:$0x3F9B] =	sst lr;
	_ =	strace $0xD0000000  }
0x3: {  	_ = 	snop  }
0x4: {  	_ = 	snop  }
0x5: {  	_ = 	snop  }
0x6: {  	_ = 	snop  }
0x7: {  	_ = 	snop  }
__scs_overlays_trampoline_lowered:
0x8: {  	[smem:$0x3FAA] =	sst s0  }
0x9: {  	[smem:$0x3FAB] =	sst s1  }
0xa: {  	[smem:$0x3FAC] =	sst s2  }
0xb: {  	[smem:$0x3FAD] =	sst s3  }
0xc: {  	[smem:$0x3FAE] =	sst s4  }
0xd: {  	[smem:$0x3FAF] =	sst s5  }
0xe: {  	[smem:$0x3FB0] =	sst s6  }
0xf: {  	[smem:$0x3FB1] =	sst s7  }
0x10: {  	[smem:$0x3FB2] =	sst s8  }
0x11: {  	[smem:$0x3FB3] =	sst s9;
	s0 =	simm.s32 @!p0 $0x0  }
0x12: {  	s1 =	sld [smem:$0x3F99];
	s0 =	simm.s32 @p0 $0x1  }
0x13: {  	[smem:$0x3FB4] =	sst s0;
	s0 =	simm.s32 @!p1 $0x0  }
0x14: {  	s2 =	sld [smem:$0x3F98];
	s0 =	simm.s32 @p1 $0x1  }
0x15: {  	[smem:$0x3FB5] =	sst s0;
	s0 =	simm.s32 @!p2 $0x0  }
0x16: {  	s3 =	sld [smem:$0x3FDB];
	s0 =	simm.s32 @p2 $0x1  }
0x17: {  	s4 =	simm.s32 $0x1BF5;
	[smem:$0x3FB7] =	sst s0  }
0x18: {  	s0 =	sld [smem:$0x3F9A];
	_ =	swait.ge [sflag:s4], $0x0  }
0x19: {  	s7 =	sld [smem:$0x3F9B]  }
0x1a: {  	s8 =	sadd.s32 $0xFFFFE003, lr  }
0x1b: {  	s9 =	sadd.s32 $0xFFFFFEF7, lr;
	s5 =	simm.s32 $0xFFFFFFFF;
	p2 =	slt.u32 s8, $0xFFFFF086  }
0x1c: {  	p1 =	slt.u32 s9, $0xF7A;
	s5 =	simm.s32 @!p2 $0x0  }
0x1d: {  	s5 =	simm.s32 @p1 $0x1;
	p0 =	seq.s32 s7, s2  }
0x1e: {  	s7 =	smul.u32 @!p0 $0xF7A, s2;
	p2 =	seq.s32 @!p0 s5, $0x0  }
0x1f: {  	s9 =	smul.u32 $0xF7A, s1;
	s8 =	simm.s32 @!p0 $0x1BF5;
	p2 =	por !p2, p0  }
0x20: {  	[sflag:s8] =	ssyncset.s32 @!p0 $0xFFFFF086;
	s6 =	sadd.s32 @!p0 s3, s7;
	s7 =	simm.s32 @!p0 $0x108  }
0x21: {  	s3 =	sadd.s32 s3, s9;
	s6 =	sadd.s32 @!p0 $0x88, s6;
	s7 =	simm.s32 @p2 $0x1082  }
0x22: {  	[simem:s7], [sflag:s8] =	dma.local @!p0 [hbm:s6], $0xF7A  }
0x23: {  	s9 =	sor.u32 $0xD0000000, s2;
	s6 =	simm.s32 $0x108;
	_ =	swait.ge @!p0 [sflag:s8], $0x0  }
0x24: {  	s3 =	sadd.s32 $0x88, s3;
	s6 =	simm.s32 @!p1 $0x1082;
	[sflag:s4] =	ssyncset.s32 $0xFFFFF086  }
0x25: {  	[simem:s6], [sflag:s4] =	dma.local [hbm:s3], $0xF7A  }
0x26: {  	[smem:$0x3F9B] =	sst s1;
	(tag) =	ssettag s2;
	_ =	strace s9  }
0x27: {  	s1 =	sld [smem:$0x3FAB]  }
0x28: {  	s2 =	sld [smem:$0x3FAC]  }
0x29: {  	s4 =	sld [smem:$0x3FAE]  }
0x2a: {  	p0 =	seq.s32 s5, $0x0;
	s5 =	sld [smem:$0x3FAF]  }
0x2b: {  	s6 =	sld [smem:$0x3FB0]  }
0x2c: {  	s7 =	sld [smem:$0x3FB1]  }
0x2d: {  	s3 =	simm.s32 $0x108;
	s8 =	sld [smem:$0x3FB2]  }
0x2e: {  	s3 =	simm.s32 @!p0 $0x1082;
	s9 =	sld [smem:$0x3FB3]  }
0x2f: {  	lr =	sadd.s32 s0, s3;
	s0 =	sld [smem:$0x3FAA]  }
0x30: {  	s3 =	sld [smem:$0x3FAD]  }
0x31: {  	[smem:$0x3FB6] =	sst s10  }
0x32: {  	s10 =	sld [smem:$0x3FB4];
	_ =	sdelay $0x3  }
0x33: {  	p0 =	seq.s32 s10, $0x1;
	s10 =	sld [smem:$0x3FB6];
	_ =	sdelay $0x3  }
0x34: {  	[smem:$0x3FB6] =	sst s10  }
0x35: {  	s10 =	sld [smem:$0x3FB5];
	_ =	sdelay $0x3  }
0x36: {  	p1 =	seq.s32 s10, $0x1;
	s10 =	sld [smem:$0x3FB6];
	_ =	sdelay $0x3  }
0x37: {  	[smem:$0x3FB6] =	sst s10  }
0x38: {  	s10 =	sld [smem:$0x3FB7]  }
0x39: {  	_ = 	snop;
	(pc) =	sbr.ind lr, $3  }
0x3a: {  	_ = 	snop  }
0x3b: {  	_ = 	snop  }
0x3c: {  	p2 =	seq.s32 s10, $0x1;
	s10 =	sld [smem:$0x3FB6]  }
0x3d: {  	_ =	shalt  }
0x3e: {  	_ =	shalt  }
0x3f: {  	_ =	shalt  }
0x40: {  	_ =	shalt  }
0x41: {  	_ =	shalt  }
0x42: {  	_ =	shalt  }
0x43: {  	_ =	shalt  }
0x44: {  	_ =	shalt  }
0x45: {  	_ =	shalt  }
0x46: {  	_ =	shalt  }
0x47: {  	_ =	shalt  }
0x48: {  	_ =	shalt  }
0x49: {  	_ =	shalt  }
0x4a: {  	_ =	shalt  }
0x4b: {  	_ =	shalt  }
0x4c: {  	_ =	shalt  }
0x4d: {  	_ =	shalt  }
0x4e: {  	_ =	shalt  }
0x4f: {  	_ =	shalt  }
0x50: {  	_ =	shalt  }
0x51: {  	_ =	shalt  }
0x52: {  	_ =	shalt  }
0x53: {  	_ =	shalt  }
0x54: {  	_ =	shalt  }
0x55: {  	_ =	shalt  }
0x56: {  	_ =	shalt  }
0x57: {  	_ =	shalt  }
0x58: {  	_ =	shalt  }
0x59: {  	_ =	shalt  }
0x5a: {  	_ =	shalt  }
0x5b: {  	_ =	shalt  }
0x5c: {  	_ =	shalt  }
0x5d: {  	_ =	shalt  }
0x5e: {  	_ =	shalt  }
0x5f: {  	_ =	shalt  }
0x60: {  	_ =	shalt  }
0x61: {  	_ =	shalt  }
0x62: {  	_ =	shalt  }
0x63: {  	_ =	shalt  }
0x64: {  	_ =	shalt  }
0x65: {  	_ =	shalt  }
0x66: {  	_ =	shalt  }
0x67: {  	_ =	shalt  }
0x68: {  	_ =	shalt  }
0x69: {  	_ =	shalt  }
0x6a: {  	_ =	shalt  }
0x6b: {  	_ =	shalt  }
0x6c: {  	_ =	shalt  }
0x6d: {  	_ =	shalt  }
0x6e: {  	_ =	shalt  }
0x6f: {  	_ =	shalt  }
0x70: {  	_ =	shalt  }
0x71: {  	_ =	shalt  }
0x72: {  	_ =	shalt  }
0x73: {  	_ =	shalt  }
0x74: {  	_ =	shalt  }
0x75: {  	_ =	shalt  }
0x76: {  	_ =	shalt  }
0x77: {  	_ =	shalt  }
0x78: {  	_ =	shalt  }
0x79: {  	_ =	shalt  }
0x7a: {  	_ =	shalt  }
0x7b: {  	_ =	shalt  }
0x7c: {  	_ =	shalt  }
0x7d: {  	_ =	shalt  }
0x7e: {  	_ =	shalt  }
0x7f: {  	_ =	shalt  }
0x80: {  	_ =	shalt  }
0x81: {  	_ =	shalt  }
0x82: {  	_ =	shalt  }
0x83: {  	_ =	shalt  }
0x84: {  	_ =	shalt  }
0x85: {  	_ =	shalt  }
0x86: {  	_ =	shalt  }
0x87: {  	_ =	shalt  }
.Lfunc_end0:
.L_simem_size_0:
called_computation_lowered:
.L_overlay_start_0:
0x88: {  	s2 =	sld [smem:$0x3FD9]  }
0x89: {  	s3 =	sld [smem:$0x3FFE];
	_ =	sdelay $0x1  }
0x8a: {  	s1 =	srdreg.scid  }
0x8b: {  	s0 =	sand.u32 $0x1, s1  }
0x8c: {  	s14 =	sshll.u32 s0, $0xA;
	s2 =	sadd.s32 s3, s2  }
0x8d: {  	s2 =	sadd.s32 s2, s14  }
0x8e: {  	[smem:$0x3FC2] =	sst s2  }
0x8f: {  	_ = 	snop  }
0x90: {  	s2 =	sld [smem:$0x3FD0];
	_ =	sdelay $0x2  }
0x91: {  	s15 =	simm.s32 $0xA;
	s4 =	simm.s32 $0x10  }
0x92: {  	[smem:s4], [sflag:s15] =	dma.local [hbm:s2], $0x1  }
0x93: {  	_ =	swait.eq [sflag:s15], $0x1  }
0x94: {  	[sflag:s15] =	ssyncset.done $0x0  }
0x95: {  	s16 =	sld [smem:$0x10];
	[sflag:s15] =	ssyncadd.s32 $0xFFFFFFFF  }
0x96: {  	s17 =	sld [smem:$0x11];
	(tm) =	ssettm $0x1  }
0x97: {  	s18 =	sld [smem:$0x3FFB];
	_ =	sdelay $0x3  }
0x98: {  	_ =	strace s18  }
0x99: {  	s4 =	sld [smem:$0x3FFC];
	_ =	sdelay $0x3  }
0x9a: {  	_ =	strace s4  }
0x9b: {  	s4 =	sld [smem:$0x3FFD];
	_ =	sdelay $0x3  }
0x9c: {  	_ =	strace s4  }
0x9d: {  	_ =	strace $0x8FFFFFFF  }
0x9e: {  	s19 =	sld [smem:$0x3FDB];
	_ =	sdelay $0x1  }
0x9f: {  	s5 =	simm.s32 $_scs_section_size  }
0xa0: {  	s6 =	simm.s32 $_size__tile_overlayer_lowered;
	s7 =	simm.s32 $_tile_overlayer_lowered  }
0xa1: {  	s22 =	simm.s32 $0x1BFF;
	s21 =	sshll.u32 s7, $0x1;
	s4 =	sadd.s32 s5, s19  }
0xa2: {  	s8 =	simm.s32 $0x0;
	s20 =	sshll.u32 s6, $0x1;
	s6 =	sadd.s32 s21, s4  }
0xa3: {  	[timem:s8], [sflag:s22] =	dma.local [hbm:s6], s20  }
0xa4: {  	_ =	swait.ge [sflag:s22], s20  }
0xa5: {  	s5 =	ssub.s32 $0x0, s20;
	[sflag:s22] =	ssyncset.done $0x0  }
0xa6: {  	[sflag:s22] =	ssyncadd.s32 s5;
	_ =	sdelay $0x1  }
0xa7: {  	s23 =	simm.s32 $0x1B8B  }
0xa8: {  	_ =	swait.ge [sflag:s23], $0x1  }
0xa9: {  	[sflag:s23] =	ssyncset.done $0x0  }
0xaa: {  	s25 =	simm.s32 $0x1B8E;
	s24 =	sld [smem:$0x3FFE];
	[sflag:s23] =	ssyncadd.s32 $0xFFFFFFFF  }
0xab: {  	s26 =	simm.s32 $execute0_lowered;
	[smem:$0x3FD2] =	sst s25  }
0xac: {  	s6 =	sshll.u32 s26, $0x1;
	_ =	strace $0x80000046;
	[dreg:$0x1] =	wrdreg $0xFFFFFFFF  }
0xad: {  	s28 =	simm.s32 $_size_execute0_lowered;
	s4 =	sadd.s32 s4, s6;
	[dreg:$0x0] =	wrdreg $0x0  }
0xae: {  	s6 =	sshll.u32 s28, $0x1;
	[dreg:$0x2] =	wrdreg s4  }
0xaf: {  	[dreg:$0x3] =	wrdreg s6  }
0xb0: {  	[dreg:$0x4] =	wrdreg $0xC0  }
0xb1: {  	_ =	task [dreg:s8], $0x5FFFF  }
0xb2: {  	[dreg:$0x1] =	wrdreg $0xFFFFFFFF  }
0xb3: {  	[dreg:$0x0] =	wrdreg $0x60  }
0xb4: {  	[dreg:$0x2] =	wrdreg s16  }
0xb5: {  	[dreg:$0x3] =	wrdreg s24  }
0xb6: {  	[dreg:$0x4] =	wrdreg s17  }
0xb7: {  	[dreg:$0x5] =	wrdreg $0x116400  }
0xb8: {  	[dreg:$0x6] =	wrdreg $0x118C00  }
0xb9: {  	[dreg:$0x7] =	wrdreg $0x120400  }
0xba: {  	[dreg:$0x8] =	wrdreg $0x9  }
0xbb: {  	_ =	task.clear_ibuf [dreg:s8], $0x9FFFF;
	_ =	strace $0x90000046  }
0xbc: {  	s29 =	simm.s32 $0x9;
	_ =	strace $0x80000048  }
0xbd: {  	_ =	swait.ge [sflag:s29], $0x1  }
0xbe: {  	[sflag:s29] =	ssyncadd.s32 $0xFFFFFFFF  }
0xbf: {  	_ =	strace $0x90000048  }
0xc0: {  	_ =	sfence  }
0xc1: {  	s30 =	sld [smem:$0x0];
	_ =	sdelay $0x2  }
0xc2: {  	s31 =	sshll.u32 s1, $0xD;
	s1 =	sshrl.u32 s1, $0x2  }
0xc3: {  	s3 =	sand.u32 $0x4000, s31;
	s1 =	sadd.s32 s1, s30  }
0xc4: {  	s0 =	sor.u32 s3, s0;
	s1 =	sshll.u32 s1, $0x11  }
0xc5: {  	s0 =	sor.u32 s1, s0  }
0xc6: {  	s0 =	sadd.s32 $0x8F2B, s0  }
0xc7: {  	[sflag:s0] =	ssyncadd.remote.s32 $0x1  }
0xc8: {  	_ =	sfence.sel $0xFFFF  }
0xc9: {  	[dreg:$0x0] =	wrdreg $0xFFFFFFFF;
	(pc) =	sbr.abs _section_cstart, $3  }
0xca: {  	[dreg:$0x1] =	wrdreg $0xFFFFFFFF  }
0xcb: {  	_ =	task.clear_ibuf [dreg:s8], $0x2FFFF;
	_ =	strace $0x9FFFFFFF  }
0xcc: {  	(tm) =	ssettm $0x7FFFFFFF  }
0xcd: {  	_ =	shalt  }
tec
execute0_lowered:
.L_overlay_start_1:
0x0: {  	(tag) =	ssettag $0x1  }
0x1: {  	s0 =	rddreg [dreg:$0x0]  }
0x2: {  	s1 =	rddreg [dreg:$0x1]  }
0x3: {  	s2 =	rddreg [dreg:$0x2]  }
0x4: {  	s11 =	rddreg [dreg:$0x3]  }
0x5: {  	s18 =	rddreg [dreg:$0x4]  }
0x6: {  	s20 =	rddreg [dreg:$0x5]  }
0x7: {  	s19 =	stileid.u32;
	s4 =	srdreg.scid;
	s5 =	simm.s32 $0x0  }
0x8: {  	s28 =	simm.s32 $0xFA0;
	s29 =	simm.s32 $0x1;
	s3 =	smul.u32 $0x4E20, s19  }
0x9: {  	s30 =	simm.s32 $0x1F40;
	s31 =	simm.s32 $0x2;
	s6 =	smul.u32 $0x280, s19  }
0xa: {  	s4 =	sand.u32 $0x1, s4;
	[smem:$0x7FF] =	sst s5;
	s14 =	smul.u32 $0xA00, s19  }
0xb: {  	s25 =	sshll.u32 s19, $0x7;
	s26 =	sshll.u32 s19, $0xA;
	s7 =	smul.u32 $0x2800, s4  }
0xc: {  	_ =	strace $0x80000047;
	s8 =	ssub.s32 $0x2, s4;
	s24 =	smul.u32 $0x1400, s4  }
0xd: {  	s4 =	sshll.u32 s4, $0xB;
	s19 =	sadd.s32 s26, s20;
	s3 =	sshrl.u32 s3, $0x3  }
0xe: {  	s9 =	sshrl.u32 s8, $0x1;
	s13 =	sshrl.u32 s6, $0x3;
	s15 =	sadd.s32 $0x2800, s6  }
0xf: {  	s16 =	sadd.s32 $0x5000, s6;
	s21 =	sshrl.u32 s14, $0x2;
	s23 =	sadd.s32 s6, s18  }
0x10: {  	s7 =	sadd.s32 s6, s7;
	s3 =	sadd.s32 s3, s1;
	s17 =	sshrl.u32 s15, $0x3  }
0x11: {  	s10 =	sshrl.u32 s16, $0x3;
	[dreg:$0xb] =	wrdreg s23;
	s23 =	simm.s32 $0x3  }
0x12: {  	v0 =	vmov s24;
	s24 =	simm.s32 $0x11240;
	s7 =	sshrl.u32 s7, $0x3;
	s12 =	sadd.s32 $0x13E8, s3  }
0x13: {  	s14 =	sadd.s32 $0x17D0, s3;
	s1 =	sadd.s32 s7, s1;
	s7 =	ssub.s32 s8, s9  }
0x14: {  	s8 =	sadd.s32 s0, s13;
	s9 =	sadd.s32 s21, s11;
	s11 =	sadd.s32 $0x11F4, s3  }
0x15: {  	s13 =	sadd.s32 $0x15DC, s3;
	[dreg:$0x7] =	wrdreg s8;
	s8 =	sadd.s32 s0, s17  }
0x16: {  	s0 =	sadd.s32 s0, s10;
	s10 =	sadd.s32 $0x1000, s3;
	s22 =	sadd.s32 $0xAE00, s1  }
0x17: {  	s17 =	sadd.s32 s15, s18;
	s18 =	sadd.s32 s16, s18;
	[dreg:$0x8] =	wrdreg s8  }
0x18: {  	s1 =	sadd.s32 s2, s25;
	s21 =	smax.u32 s7, $0x1;
	[dreg:$0x9] =	wrdreg s0  }
0x19: {  	s25 =	simm.s32 $0x0;
	[dreg:$0xa] =	wrdreg s22;
	s20 =	sadd.s32 s4, s1  }
0x1a: {  	v1 =	vimm.f32 $0.0e+00;
	v2 =	vlaneseq.u32;
	v3 =	vimm.f32 $1.000000000e+00;
	s8 =	simm.s32 $0x51C0;
	s1 =	simm.s32 $0x5E40;
	s22 =	simm.s32 $0xD640  }
.LBB2_1:
0x1b: {  	s0 =	rddreg [dreg:$0x7];
	s2 =	simm.s32 $0x4A40  }
0x1c: {  	[tilespmem:s2], [sflag:$0x3] =	stream.linear.gather [hbm4b:s0+s5], $0x280, $0x38;
	[tilespmem:$0x12440] =	vst v63  }
0x1d: {  	_ =	swait.ge [sflag:s23], $0x280  }
0x1e: {  	[sflag:s23] =	ssyncset.done $0x0  }
0x1f: {  	s6 =	simm.s32 $0x4CC0;
	s4 =	rddreg [dreg:$0x8];
	[sflag:s23] =	ssyncadd.s32 $0xFFFFFD80  }
0x20: {  	[tilespmem:s6], [sflag:$0x3] =	stream.linear.gather [hbm4b:s4+s5], $0x280, $0x38;
	[tilespmem:$0x12440] =	vst v63  }
0x21: {  	_ =	swait.ge [sflag:s23], $0x280  }
0x22: {  	[sflag:s23] =	ssyncset.done $0x0  }
0x23: {  	s15 =	simm.s32 $0x4F40;
	s7 =	rddreg [dreg:$0x9];
	[sflag:s23] =	ssyncadd.s32 $0xFFFFFD80  }
0x24: {  	[tilespmem:s15], [sflag:$0x3] =	stream.linear.gather [hbm4b:s7+s5], $0x280, $0x38;
	[tilespmem:$0x12440] =	vst v63  }
0x25: {  	_ =	swait.ge [sflag:s23], $0x280  }
0x26: {  	[sflag:s23] =	ssyncset.done $0x0  }
0x27: {  	s0 =	simm.s32 $0x51E0;
	[sflag:s23] =	ssyncadd.s32 $0xFFFFFD80  }
0x28: {  	[tilespmem:s0+$0x10] =	vst v1  }
0x29: {  	[tilespmem:s0+$0xFFFFFFF0] =	vst v1  }
0x2a: {  	s3 =	simm.s32 $0x30;
	[tilespmem:s0+$0x0] =	vst v1  }
0x2b: {  	s16 =	simm.s32 $0x10;
	s2 =	simm.s32 $0x4760;
	v4 =	vor.u32 s3, v2;
	[tilespmem:s0+$0xFFFFFFE0] =	vst v1  }
0x2c: {  	s26 =	simm.s32 $0x20;
	[tilespmem:s2+$0x10] =	vst v4;
	v4 =	vor.u32 s16, v2  }
0x2d: {  	[tilespmem:s2+$0xFFFFFFF0] =	vst v4;
	v4 =	vor.u32 s26, v2  }
0x2e: {  	p0 =	por $0x1, $0x1;
	s3 =	simm.s32 $0x0;
	s6 =	simm.s32 $0x40;
	[tilespmem:s2+$0x0] =	vst v4;
	v4 =	vor.u32 s5, v2  }
.LBB2_2:
0x2f: {  	s4 =	sadd.s32 $0x30, s6;
	s3 =	sadd.s32 $0x4, s3;
	[tilespmem:s2+$0xFFFFFFE0] =	vst v4;
	v4 =	vor.u32 s6, v2;
	s0 =	sadd.s32 $0x40, s0  }
0x30: {  	s7 =	sadd.s32 $0x10, s6;
	s2 =	sadd.s32 $0x40, s2;
	[tilespmem:s0+$0x10] =	vst v1;
	v5 =	vor.u32 s4, v2;
	p1 =	slt.u32 s3, $0x24  }
0x31: {  	v6 =	vor.u32 s7, v2;
	s7 =	sadd.s32 $0x20, s6;
	s4 =	simm.s32 $0x0;
	[tilespmem:s2+$0x10] =	vst v5  }
.Ltmp0:
0x32: {  	v5 =	vor.u32 s7, v2;
	[tilespmem:s0+$0xFFFFFFF0] =	vst v1;
	(pc) =	sbr.rel @p1 .LBB2_2-.Ltmp0, $4  }
0x33: {  	[tilespmem:s2+$0xFFFFFFF0] =	vst v6  }
0x34: {  	[tilespmem:s0+$0x0] =	vst v1  }
0x35: {  	[tilespmem:s2+$0x0] =	vst v5  }
0x36: {  	s6 =	sadd.s32 $0x40, s6;
	[tilespmem:s0+$0xFFFFFFE0] =	vst v1  }
0x37: {  	[tilespmem:s2+$0xFFFFFFE0] =	vst v4  }
.LBB2_4:
0x38: {  	p1 =	por p0, p0  }
.Ltmp1:
0x39: {  	v4 =	vor.u32 s4, v2;
	s0 =	sor.u32 $0x10, s4;
	(pc) =	sbr.rel @p1 .LBB2_4-.Ltmp1, $4  }
0x3a: {  	s16 =	sor.u32 $0x20, s4;
	[tilespmem:s4+$0x49C0] =	vst v4;
	v4 =	vor.u32 s0, v2  }
0x3b: {  	s26 =	sor.u32 $0x30, s4;
	[tilespmem:s4+$0x49D0] =	vst v4;
	v4 =	vor.u32 s16, v2  }
0x3c: {  	[tilespmem:s4+$0x49E0] =	vst v4;
	v4 =	vor.u32 s26, v2  }
0x3d: {  	p0 =	por $0x0, $0x0;
	[tilespmem:s4+$0x49F0] =	vst v4;
	s4 =	simm.s32 $0x40  }
0x3e: {  	[spmem:s9] =	stream.linear.scatter [tilespmem:s8], [sflag:$0x3], $0x280, $0x38;
	[tilespmem:$0x12440] =	vst v63  }
0x3f: {  	_ =	swait.ge [sflag:s23], $0x280  }
0x40: {  	[sflag:s23] =	ssyncset.done $0x0  }
0x41: {  	s0 =	simm.s32 $0x1F80;
	[sflag:s23] =	ssyncadd.s32 $0xFFFFFD80  }
0x42: {  	[tilespmem:s0+$0xFFFFFFC0] =	vst v1  }
0x43: {  	[tilespmem:s0+$0x30] =	vst v1  }
0x44: {  	[tilespmem:s0+$0x20] =	vst v1  }
0x45: {  	[tilespmem:s0+$0x10] =	vst v1  }
0x46: {  	[tilespmem:s0+$0x0] =	vst v1  }
0x47: {  	[tilespmem:s0+$0xFFFFFFF0] =	vst v1  }
0x48: {  	s2 =	simm.s32 $0x0;
	[tilespmem:s0+$0xFFFFFFE0] =	vst v1  }
.LBB2_6:
0x49: {  	s2 =	sadd.s32 $0x8, s2;
	[tilespmem:s0+$0xFFFFFFD0] =	vst v1;
	s0 =	sadd.s32 $0x80, s0  }
0x4a: {  	[tilespmem:s0+$0xFFFFFFC0] =	vst v1;
	p0 =	slt.u32 s2, $0x278  }
0x4b: {  	[tilespmem:s0+$0x30] =	vst v1  }
.Ltmp2:
0x4c: {  	[tilespmem:s0+$0x20] =	vst v1;
	(pc) =	sbr.rel @p0 .LBB2_6-.Ltmp2, $4  }
0x4d: {  	[tilespmem:s0+$0x10] =	vst v1  }
0x4e: {  	[tilespmem:s0+$0x0] =	vst v1  }
0x4f: {  	[tilespmem:s0+$0xFFFFFFF0] =	vst v1  }
0x50: {  	[tilespmem:s0+$0xFFFFFFE0] =	vst v1  }
0x51: {  	[tilespmem:s0+$0xFFFFFFD0] =	vst v1  }
0x52: {  	[tilespmem:s5], [sflag:$0x1] =	stream.linear.gather [hbm4b:s10+s5], $0xFA0, $0x38;
	[tilespmem:$0x12440] =	vst v63  }
0x53: {  	_ = 	snop  }
0x54: {  	[tilespmem:s28], [sflag:$0x2] =	stream.linear.gather [hbm4b:s11+s5], $0xFA0, $0x38;
	[tilespmem:$0x12440] =	vst v63  }
0x55: {  	_ =	swait.ge [sflag:s29], $0xFA0  }
0x56: {  	[sflag:s29] =	ssyncset.done $0x0  }
0x57: {  	s26 =	simm.s32 $0x40;
	[sflag:s29] =	ssyncadd.s32 $0xFFFFF060  }
0x58: {  	v4 =	vld [tilespmem:s26+$0x30]  }
0x59: {  	v5 =	vld [tilespmem:s26+$0xFFFFFFD0]  }
0x5a: {  	v6 =	vld [tilespmem:s26+$0xFFFFFFE0]  }
0x5b: {  	v7 =	vld [tilespmem:s26+$0xFFFFFFF0]  }
0x5c: {  	v8 =	vld [tilespmem:s26+$0x0]  }
0x5d: {  	v9 =	vld [tilespmem:s26+$0x10];
	v4 =	vshrl.u32 v4, $0xE  }
0x5e: {  	v5 =	vshrl.u32 v5, $0xE  }
0x5f: {  	v6 =	vshrl.u32 v6, $0xE  }
0x60: {  	v10 =	vld [tilespmem:s26+$0x20];
	v7 =	vshrl.u32 v7, $0xE  }
0x61: {  	v11 =	vld [tilespmem:s26+$0xFFFFFFC0];
	v8 =	vshrl.u32 v8, $0xE  }
0x62: {  	v9 =	vshrl.u32 v9, $0xE;
	[tilespmem:v4+s30+$0x0] =	vst.idx.add.f32.msk $0xffff, v3  }
0x63: {  	[tilespmem:v5+s30+$0x0] =	vst.idx.add.f32.msk $0xffff, v3  }
0x64: {  	[tilespmem:v6+s30+$0x0] =	vst.idx.add.f32.msk $0xffff, v3  }
0x65: {  	[tilespmem:v7+s30+$0x0] =	vst.idx.add.f32.msk $0xffff, v3  }
0x66: {  	[tilespmem:v8+s30+$0x0] =	vst.idx.add.f32.msk $0xffff, v3  }
0x67: {  	s0 =	simm.s32 $0x0;
	s2 =	simm.s32 $0xC0;
	v4 =	vshrl.u32 v10, $0xE;
	v5 =	vshrl.u32 v11, $0xE;
	[tilespmem:v9+s30+$0x0] =	vst.idx.add.f32.msk $0xffff, v3  }
.LBB2_8:
0x68: {  	v6 =	vld [tilespmem:s2+$0x30];
	s0 =	sadd.s32 $0x8, s0  }
0x69: {  	v7 =	vld [tilespmem:s2+$0xFFFFFFD0];
	p0 =	slt.u32 s0, $0xF0  }
0x6a: {  	v8 =	vld [tilespmem:s2+$0xFFFFFFE0]  }
0x6b: {  	v9 =	vld [tilespmem:s2+$0xFFFFFFF0]  }
0x6c: {  	v10 =	vld [tilespmem:s2+$0x0]  }
0x6d: {  	v11 =	vld [tilespmem:s2+$0x10];
	v6 =	vshrl.u32 v6, $0xE  }
0x6e: {  	v7 =	vshrl.u32 v7, $0xE;
	v12 =	vld [tilespmem:s2+$0x20]  }
0x6f: {  	v13 =	vld [tilespmem:s2+$0xFFFFFFC0];
	v8 =	vshrl.u32 v8, $0xE  }
0x70: {  	v9 =	vshrl.u32 v9, $0xE;
	[tilespmem:v5+s30+$0x0] =	vst.idx.add.f32.msk $0xffff, v3  }
0x71: {  	v10 =	vshrl.u32 v10, $0xE;
	[tilespmem:v4+s30+$0x0] =	vst.idx.add.f32.msk $0xffff, v3  }
0x72: {  	s3 =	simm.s32 $0x0;
	v11 =	vshrl.u32 v11, $0xE;
	[tilespmem:v6+s30+$0x0] =	vst.idx.add.f32.msk $0xffff, v3  }
.Ltmp3:
0x73: {  	[tilespmem:v7+s30+$0x0] =	vst.idx.add.f32.msk $0xffff, v3;
	v4 =	vshrl.u32 v12, $0xE;
	(pc) =	sbr.rel @p0 .LBB2_8-.Ltmp3, $4  }
0x74: {  	v5 =	vshrl.u32 v13, $0xE;
	[tilespmem:v8+s30+$0x0] =	vst.idx.add.f32.msk $0xffff, v3  }
0x75: {  	[tilespmem:v9+s30+$0x0] =	vst.idx.add.f32.msk $0xffff, v3  }
0x76: {  	[tilespmem:v10+s30+$0x0] =	vst.idx.add.f32.msk $0xffff, v3  }
0x77: {  	s2 =	sadd.s32 $0x80, s2;
	[tilespmem:v11+s30+$0x0] =	vst.idx.add.f32.msk $0xffff, v3  }
0x78: {  	_ =	sdelay $0x3  }
0x79: {  	[tilespmem:v5+s30+$0x0] =	vst.idx.add.f32.msk $0xffff, v3  }
0x7a: {  	[tilespmem:v4+s30+$0x0] =	vst.idx.add.f32.msk $0xffff, v3  }
.LBB2_10:
0x7b: {  	s0 =	sshra.s32 s3, $0x2  }
0x7c: {  	v4 =	vld [tilespmem:s0+$0xF80];
	_ =	sdelay $0x4  }
0x7d: {  	p0 =	sne.s32 s3, $0x40;
	v4 =	vshrl.u32 v4, $0xE  }
.Ltmp4:
0x7e: {  	_ = 	snop;
	(pc) =	sbr.rel @p0 .LBB2_10-.Ltmp4, $2  }
0x7f: {  	_ =	sdelay $0x2  }
0x80: {  	s3 =	sadd.s32 $0x40, s3;
	[tilespmem:v4+s30+$0x0] =	vst.idx.add.f32.msk $0xffff, v3  }
0x81: {  	[tilespmem:s5], [sflag:$0x1] =	stream.linear.gather [hbm4b:s12+s5], $0xFA0, $0x38;
	[tilespmem:$0x12440] =	vst v63  }
0x82: {  	_ =	swait.ge [sflag:s31], $0xFA0  }
0x83: {  	[sflag:s31] =	ssyncset.done $0x0  }
0x84: {  	s0 =	simm.s32 $0xFE0;
	[sflag:s31] =	ssyncadd.s32 $0xFFFFF060  }
0x85: {  	v4 =	vld [tilespmem:s0+$0x30]  }
0x86: {  	v5 =	vld [tilespmem:s0+$0xFFFFFFD0]  }
0x87: {  	v6 =	vld [tilespmem:s0+$0xFFFFFFE0]  }
0x88: {  	v7 =	vld [tilespmem:s0+$0xFFFFFFF0]  }
0x89: {  	v8 =	vld [tilespmem:s0+$0x0]  }
0x8a: {  	v9 =	vld [tilespmem:s0+$0x10];
	v4 =	vshrl.u32 v4, $0xE  }
0x8b: {  	v5 =	vshrl.u32 v5, $0xE  }
0x8c: {  	v6 =	vshrl.u32 v6, $0xE  }
0x8d: {  	v10 =	vld [tilespmem:s0+$0x20];
	v7 =	vshrl.u32 v7, $0xE  }
0x8e: {  	v11 =	vld [tilespmem:s0+$0xFFFFFFC0];
	v8 =	vshrl.u32 v8, $0xE  }
0x8f: {  	v9 =	vshrl.u32 v9, $0xE;
	[tilespmem:v4+s30+$0x0] =	vst.idx.add.f32.msk $0xffff, v3  }
0x90: {  	[tilespmem:v5+s30+$0x0] =	vst.idx.add.f32.msk $0xffff, v3  }
0x91: {  	[tilespmem:v6+s30+$0x0] =	vst.idx.add.f32.msk $0xffff, v3  }
0x92: {  	[tilespmem:v7+s30+$0x0] =	vst.idx.add.f32.msk $0xffff, v3  }
0x93: {  	[tilespmem:v8+s30+$0x0] =	vst.idx.add.f32.msk $0xffff, v3  }
0x94: {  	s2 =	simm.s32 $0x1060;
	s0 =	simm.s32 $0x0;
	v4 =	vshrl.u32 v10, $0xE;
	v5 =	vshrl.u32 v11, $0xE;
	[tilespmem:v9+s30+$0x0] =	vst.idx.add.f32.msk $0xffff, v3  }
.LBB2_12:
0x95: {  	v6 =	vld [tilespmem:s2+$0x30];
	s0 =	sadd.s32 $0x8, s0  }
0x96: {  	v7 =	vld [tilespmem:s2+$0xFFFFFFD0];
	p0 =	slt.u32 s0, $0xF0  }
0x97: {  	v8 =	vld [tilespmem:s2+$0xFFFFFFE0]  }
0x98: {  	v9 =	vld [tilespmem:s2+$0xFFFFFFF0]  }
0x99: {  	v10 =	vld [tilespmem:s2+$0x0]  }
0x9a: {  	v11 =	vld [tilespmem:s2+$0x10];
	v6 =	vshrl.u32 v6, $0xE  }
0x9b: {  	v7 =	vshrl.u32 v7, $0xE;
	v12 =	vld [tilespmem:s2+$0x20]  }
0x9c: {  	v13 =	vld [tilespmem:s2+$0xFFFFFFC0];
	v8 =	vshrl.u32 v8, $0xE  }
0x9d: {  	v9 =	vshrl.u32 v9, $0xE;
	[tilespmem:v5+s30+$0x0] =	vst.idx.add.f32.msk $0xffff, v3  }
0x9e: {  	v10 =	vshrl.u32 v10, $0xE;
	[tilespmem:v4+s30+$0x0] =	vst.idx.add.f32.msk $0xffff, v3  }
0x9f: {  	s3 =	simm.s32 $0x0;
	v11 =	vshrl.u32 v11, $0xE;
	[tilespmem:v6+s30+$0x0] =	vst.idx.add.f32.msk $0xffff, v3  }
.Ltmp5:
0xa0: {  	[tilespmem:v7+s30+$0x0] =	vst.idx.add.f32.msk $0xffff, v3;
	v4 =	vshrl.u32 v12, $0xE;
	(pc) =	sbr.rel @p0 .LBB2_12-.Ltmp5, $4  }
0xa1: {  	v5 =	vshrl.u32 v13, $0xE;
	[tilespmem:v8+s30+$0x0] =	vst.idx.add.f32.msk $0xffff, v3  }
0xa2: {  	[tilespmem:v9+s30+$0x0] =	vst.idx.add.f32.msk $0xffff, v3  }
0xa3: {  	[tilespmem:v10+s30+$0x0] =	vst.idx.add.f32.msk $0xffff, v3  }
0xa4: {  	s2 =	sadd.s32 $0x80, s2;
	[tilespmem:v11+s30+$0x0] =	vst.idx.add.f32.msk $0xffff, v3  }
0xa5: {  	_ =	sdelay $0x3  }
0xa6: {  	[tilespmem:v5+s30+$0x0] =	vst.idx.add.f32.msk $0xffff, v3  }
0xa7: {  	[tilespmem:v4+s30+$0x0] =	vst.idx.add.f32.msk $0xffff, v3  }
.LBB2_14:
0xa8: {  	s0 =	sshra.s32 s3, $0x2  }
0xa9: {  	v4 =	vld [tilespmem:s0+$0x1F20];
	_ =	sdelay $0x4  }
0xaa: {  	p0 =	sne.s32 s3, $0x40;
	v4 =	vshrl.u32 v4, $0xE  }
.Ltmp6:
0xab: {  	_ = 	snop;
	(pc) =	sbr.rel @p0 .LBB2_14-.Ltmp6, $2  }
0xac: {  	_ =	sdelay $0x2  }
0xad: {  	s3 =	sadd.s32 $0x40, s3;
	[tilespmem:v4+s30+$0x0] =	vst.idx.add.f32.msk $0xffff, v3  }
0xae: {  	[tilespmem:s28], [sflag:$0x2] =	stream.linear.gather [hbm4b:s13+s5], $0xFA0, $0x38;
	[tilespmem:$0x12440] =	vst v63  }
0xaf: {  	_ =	swait.ge [sflag:s29], $0xFA0  }
0xb0: {  	[sflag:s29] =	ssyncset.done $0x0  }
0xb1: {  	s0 =	simm.s32 $0x40;
	[sflag:s29] =	ssyncadd.s32 $0xFFFFF060  }
0xb2: {  	v4 =	vld [tilespmem:s0+$0x30]  }
0xb3: {  	v5 =	vld [tilespmem:s0+$0xFFFFFFD0]  }
0xb4: {  	v6 =	vld [tilespmem:s0+$0xFFFFFFE0]  }
0xb5: {  	v7 =	vld [tilespmem:s0+$0xFFFFFFF0]  }
0xb6: {  	v8 =	vld [tilespmem:s0+$0x0]  }
0xb7: {  	v9 =	vld [tilespmem:s0+$0x10];
	v4 =	vshrl.u32 v4, $0xE  }
0xb8: {  	v5 =	vshrl.u32 v5, $0xE  }
0xb9: {  	v6 =	vshrl.u32 v6, $0xE  }
0xba: {  	v10 =	vld [tilespmem:s0+$0x20];
	v7 =	vshrl.u32 v7, $0xE  }
0xbb: {  	v11 =	vld [tilespmem:s0+$0xFFFFFFC0];
	v8 =	vshrl.u32 v8, $0xE  }
0xbc: {  	v9 =	vshrl.u32 v9, $0xE;
	[tilespmem:v4+s30+$0x0] =	vst.idx.add.f32.msk $0xffff, v3  }
0xbd: {  	[tilespmem:v5+s30+$0x0] =	vst.idx.add.f32.msk $0xffff, v3  }
0xbe: {  	[tilespmem:v6+s30+$0x0] =	vst.idx.add.f32.msk $0xffff, v3  }
0xbf: {  	[tilespmem:v7+s30+$0x0] =	vst.idx.add.f32.msk $0xffff, v3  }
0xc0: {  	[tilespmem:v8+s30+$0x0] =	vst.idx.add.f32.msk $0xffff, v3  }
0xc1: {  	s2 =	simm.s32 $0xC0;
	s0 =	simm.s32 $0x0;
	v4 =	vshrl.u32 v10, $0xE;
	v5 =	vshrl.u32 v11, $0xE;
	[tilespmem:v9+s30+$0x0] =	vst.idx.add.f32.msk $0xffff, v3  }
.LBB2_16:
0xc2: {  	v6 =	vld [tilespmem:s2+$0x30];
	s0 =	sadd.s32 $0x8, s0  }
0xc3: {  	v7 =	vld [tilespmem:s2+$0xFFFFFFD0];
	p0 =	slt.u32 s0, $0xF0  }
0xc4: {  	v8 =	vld [tilespmem:s2+$0xFFFFFFE0]  }
0xc5: {  	v9 =	vld [tilespmem:s2+$0xFFFFFFF0]  }
0xc6: {  	v10 =	vld [tilespmem:s2+$0x0]  }
0xc7: {  	v11 =	vld [tilespmem:s2+$0x10];
	v6 =	vshrl.u32 v6, $0xE  }
0xc8: {  	v7 =	vshrl.u32 v7, $0xE;
	v12 =	vld [tilespmem:s2+$0x20]  }
0xc9: {  	v13 =	vld [tilespmem:s2+$0xFFFFFFC0];
	v8 =	vshrl.u32 v8, $0xE  }
0xca: {  	v9 =	vshrl.u32 v9, $0xE;
	[tilespmem:v5+s30+$0x0] =	vst.idx.add.f32.msk $0xffff, v3  }
0xcb: {  	v10 =	vshrl.u32 v10, $0xE;
	[tilespmem:v4+s30+$0x0] =	vst.idx.add.f32.msk $0xffff, v3  }
0xcc: {  	s3 =	simm.s32 $0x0;
	v11 =	vshrl.u32 v11, $0xE;
	[tilespmem:v6+s30+$0x0] =	vst.idx.add.f32.msk $0xffff, v3  }
.Ltmp7:
0xcd: {  	[tilespmem:v7+s30+$0x0] =	vst.idx.add.f32.msk $0xffff, v3;
	v4 =	vshrl.u32 v12, $0xE;
	(pc) =	sbr.rel @p0 .LBB2_16-.Ltmp7, $4  }
0xce: {  	v5 =	vshrl.u32 v13, $0xE;
	[tilespmem:v8+s30+$0x0] =	vst.idx.add.f32.msk $0xffff, v3  }
0xcf: {  	[tilespmem:v9+s30+$0x0] =	vst.idx.add.f32.msk $0xffff, v3  }
0xd0: {  	[tilespmem:v10+s30+$0x0] =	vst.idx.add.f32.msk $0xffff, v3  }
0xd1: {  	s2 =	sadd.s32 $0x80, s2;
	[tilespmem:v11+s30+$0x0] =	vst.idx.add.f32.msk $0xffff, v3  }
0xd2: {  	_ =	sdelay $0x3  }
0xd3: {  	[tilespmem:v5+s30+$0x0] =	vst.idx.add.f32.msk $0xffff, v3  }
0xd4: {  	[tilespmem:v4+s30+$0x0] =	vst.idx.add.f32.msk $0xffff, v3  }
.LBB2_18:
0xd5: {  	s0 =	sshra.s32 s3, $0x2  }
0xd6: {  	v4 =	vld [tilespmem:s0+$0xF80];
	_ =	sdelay $0x4  }
0xd7: {  	p0 =	sne.s32 s3, $0x40;
	v4 =	vshrl.u32 v4, $0xE  }
.Ltmp8:
0xd8: {  	_ = 	snop;
	(pc) =	sbr.rel @p0 .LBB2_18-.Ltmp8, $2  }
0xd9: {  	_ =	sdelay $0x2  }
0xda: {  	s3 =	sadd.s32 $0x40, s3;
	[tilespmem:v4+s30+$0x0] =	vst.idx.add.f32.msk $0xffff, v3  }
0xdb: {  	[tilespmem:s5], [sflag:$0x1] =	stream.linear.gather [hbm4b:s14+s5], $0xFA0, $0x38;
	[tilespmem:$0x12440] =	vst v63  }
0xdc: {  	_ =	swait.ge [sflag:s31], $0xFA0  }
0xdd: {  	[sflag:s31] =	ssyncset.done $0x0  }
0xde: {  	s0 =	simm.s32 $0xFE0;
	[sflag:s31] =	ssyncadd.s32 $0xFFFFF060  }
0xdf: {  	v4 =	vld [tilespmem:s0+$0x30]  }
0xe0: {  	v5 =	vld [tilespmem:s0+$0xFFFFFFD0]  }
0xe1: {  	v6 =	vld [tilespmem:s0+$0xFFFFFFE0]  }
0xe2: {  	v7 =	vld [tilespmem:s0+$0xFFFFFFF0]  }
0xe3: {  	v8 =	vld [tilespmem:s0+$0x0]  }
0xe4: {  	v9 =	vld [tilespmem:s0+$0x10];
	v4 =	vshrl.u32 v4, $0xE  }
0xe5: {  	v5 =	vshrl.u32 v5, $0xE  }
0xe6: {  	v6 =	vshrl.u32 v6, $0xE  }
0xe7: {  	v10 =	vld [tilespmem:s0+$0x20];
	v7 =	vshrl.u32 v7, $0xE  }
0xe8: {  	v11 =	vld [tilespmem:s0+$0xFFFFFFC0];
	v8 =	vshrl.u32 v8, $0xE  }
0xe9: {  	v9 =	vshrl.u32 v9, $0xE;
	[tilespmem:v4+s30+$0x0] =	vst.idx.add.f32.msk $0xffff, v3  }
0xea: {  	[tilespmem:v5+s30+$0x0] =	vst.idx.add.f32.msk $0xffff, v3  }
0xeb: {  	[tilespmem:v6+s30+$0x0] =	vst.idx.add.f32.msk $0xffff, v3  }
0xec: {  	[tilespmem:v7+s30+$0x0] =	vst.idx.add.f32.msk $0xffff, v3  }
0xed: {  	[tilespmem:v8+s30+$0x0] =	vst.idx.add.f32.msk $0xffff, v3  }
0xee: {  	s2 =	simm.s32 $0x1060;
	s0 =	simm.s32 $0x0;
	v4 =	vshrl.u32 v10, $0xE;
	v5 =	vshrl.u32 v11, $0xE;
	[tilespmem:v9+s30+$0x0] =	vst.idx.add.f32.msk $0xffff, v3  }
.LBB2_20:
0xef: {  	v6 =	vld [tilespmem:s2+$0x30];
	s0 =	sadd.s32 $0x8, s0  }
0xf0: {  	v7 =	vld [tilespmem:s2+$0xFFFFFFD0];
	p0 =	slt.u32 s0, $0xF0  }
0xf1: {  	v8 =	vld [tilespmem:s2+$0xFFFFFFE0]  }
0xf2: {  	v9 =	vld [tilespmem:s2+$0xFFFFFFF0]  }
0xf3: {  	v10 =	vld [tilespmem:s2+$0x0]  }
0xf4: {  	v11 =	vld [tilespmem:s2+$0x10];
	v6 =	vshrl.u32 v6, $0xE  }
0xf5: {  	v7 =	vshrl.u32 v7, $0xE;
	v12 =	vld [tilespmem:s2+$0x20]  }
0xf6: {  	v13 =	vld [tilespmem:s2+$0xFFFFFFC0];
	v8 =	vshrl.u32 v8, $0xE  }
0xf7: {  	v9 =	vshrl.u32 v9, $0xE;
	[tilespmem:v5+s30+$0x0] =	vst.idx.add.f32.msk $0xffff, v3  }
0xf8: {  	v10 =	vshrl.u32 v10, $0xE;
	[tilespmem:v4+s30+$0x0] =	vst.idx.add.f32.msk $0xffff, v3  }
0xf9: {  	s3 =	simm.s32 $0x0;
	v11 =	vshrl.u32 v11, $0xE;
	[tilespmem:v6+s30+$0x0] =	vst.idx.add.f32.msk $0xffff, v3  }
.Ltmp9:
0xfa: {  	[tilespmem:v7+s30+$0x0] =	vst.idx.add.f32.msk $0xffff, v3;
	v4 =	vshrl.u32 v12, $0xE;
	(pc) =	sbr.rel @p0 .LBB2_20-.Ltmp9, $4  }
0xfb: {  	v5 =	vshrl.u32 v13, $0xE;
	[tilespmem:v8+s30+$0x0] =	vst.idx.add.f32.msk $0xffff, v3  }
0xfc: {  	[tilespmem:v9+s30+$0x0] =	vst.idx.add.f32.msk $0xffff, v3  }
0xfd: {  	[tilespmem:v10+s30+$0x0] =	vst.idx.add.f32.msk $0xffff, v3  }
0xfe: {  	s2 =	sadd.s32 $0x80, s2;
	[tilespmem:v11+s30+$0x0] =	vst.idx.add.f32.msk $0xffff, v3  }
0xff: {  	_ =	sdelay $0x3  }
0x100: {  	[tilespmem:v5+s30+$0x0] =	vst.idx.add.f32.msk $0xffff, v3  }
0x101: {  	[tilespmem:v4+s30+$0x0] =	vst.idx.add.f32.msk $0xffff, v3  }
.LBB2_22:
0x102: {  	s0 =	sshra.s32 s3, $0x2  }
0x103: {  	v4 =	vld [tilespmem:s0+$0x1F20];
	_ =	sdelay $0x4  }
0x104: {  	p0 =	sne.s32 s3, $0x40;
	v4 =	vshrl.u32 v4, $0xE  }
.Ltmp10:
0x105: {  	_ = 	snop;
	(pc) =	sbr.rel @p0 .LBB2_22-.Ltmp10, $2  }
0x106: {  	_ =	sdelay $0x2  }
0x107: {  	s3 =	sadd.s32 $0x40, s3;
	[tilespmem:v4+s30+$0x0] =	vst.idx.add.f32.msk $0xffff, v3  }
0x108: {  	_ =	swait.ge [sflag:s29], $0xFA0  }
0x109: {  	[sflag:s29] =	ssyncset.done $0x0  }
0x10a: {  	s0 =	simm.s32 $0x40;
	[sflag:s29] =	ssyncadd.s32 $0xFFFFF060  }
0x10b: {  	v4 =	vld [tilespmem:s0+$0x30]  }
0x10c: {  	v5 =	vld [tilespmem:s0+$0xFFFFFFD0]  }
0x10d: {  	v6 =	vld [tilespmem:s0+$0xFFFFFFE0]  }
0x10e: {  	v7 =	vld [tilespmem:s0+$0xFFFFFFF0]  }
0x10f: {  	v8 =	vld [tilespmem:s0+$0x0]  }
0x110: {  	v9 =	vld [tilespmem:s0+$0x10];
	v4 =	vshrl.u32 v4, $0xE  }
0x111: {  	v5 =	vshrl.u32 v5, $0xE  }
0x112: {  	v6 =	vshrl.u32 v6, $0xE  }
0x113: {  	v10 =	vld [tilespmem:s0+$0x20];
	v7 =	vshrl.u32 v7, $0xE  }
0x114: {  	v11 =	vld [tilespmem:s0+$0xFFFFFFC0];
	v8 =	vshrl.u32 v8, $0xE  }
0x115: {  	v9 =	vshrl.u32 v9, $0xE;
	[tilespmem:v4+s30+$0x0] =	vst.idx.add.f32.msk $0xffff, v3  }
0x116: {  	[tilespmem:v5+s30+$0x0] =	vst.idx.add.f32.msk $0xffff, v3  }
0x117: {  	[tilespmem:v6+s30+$0x0] =	vst.idx.add.f32.msk $0xffff, v3  }
0x118: {  	[tilespmem:v7+s30+$0x0] =	vst.idx.add.f32.msk $0xffff, v3  }
0x119: {  	[tilespmem:v8+s30+$0x0] =	vst.idx.add.f32.msk $0xffff, v3  }
0x11a: {  	s2 =	simm.s32 $0xC0;
	s0 =	simm.s32 $0x0;
	v4 =	vshrl.u32 v10, $0xE;
	v5 =	vshrl.u32 v11, $0xE;
	[tilespmem:v9+s30+$0x0] =	vst.idx.add.f32.msk $0xffff, v3  }
.LBB2_24:
0x11b: {  	v6 =	vld [tilespmem:s2+$0x30];
	s0 =	sadd.s32 $0x8, s0  }
0x11c: {  	v7 =	vld [tilespmem:s2+$0xFFFFFFD0];
	p0 =	slt.u32 s0, $0xF0  }
0x11d: {  	v8 =	vld [tilespmem:s2+$0xFFFFFFE0]  }
0x11e: {  	v9 =	vld [tilespmem:s2+$0xFFFFFFF0]  }
0x11f: {  	v10 =	vld [tilespmem:s2+$0x0]  }
0x120: {  	v11 =	vld [tilespmem:s2+$0x10];
	v6 =	vshrl.u32 v6, $0xE  }
0x121: {  	v7 =	vshrl.u32 v7, $0xE;
	v12 =	vld [tilespmem:s2+$0x20]  }
0x122: {  	v13 =	vld [tilespmem:s2+$0xFFFFFFC0];
	v8 =	vshrl.u32 v8, $0xE  }
0x123: {  	v9 =	vshrl.u32 v9, $0xE;
	[tilespmem:v5+s30+$0x0] =	vst.idx.add.f32.msk $0xffff, v3  }
0x124: {  	v10 =	vshrl.u32 v10, $0xE;
	[tilespmem:v4+s30+$0x0] =	vst.idx.add.f32.msk $0xffff, v3  }
0x125: {  	s3 =	simm.s32 $0x0;
	v11 =	vshrl.u32 v11, $0xE;
	[tilespmem:v6+s30+$0x0] =	vst.idx.add.f32.msk $0xffff, v3  }
.Ltmp11:
0x126: {  	[tilespmem:v7+s30+$0x0] =	vst.idx.add.f32.msk $0xffff, v3;
	v4 =	vshrl.u32 v12, $0xE;
	(pc) =	sbr.rel @p0 .LBB2_24-.Ltmp11, $4  }
0x127: {  	v5 =	vshrl.u32 v13, $0xE;
	[tilespmem:v8+s30+$0x0] =	vst.idx.add.f32.msk $0xffff, v3  }
0x128: {  	[tilespmem:v9+s30+$0x0] =	vst.idx.add.f32.msk $0xffff, v3  }
0x129: {  	[tilespmem:v10+s30+$0x0] =	vst.idx.add.f32.msk $0xffff, v3  }
0x12a: {  	s2 =	sadd.s32 $0x80, s2;
	[tilespmem:v11+s30+$0x0] =	vst.idx.add.f32.msk $0xffff, v3  }
0x12b: {  	_ =	sdelay $0x3  }
0x12c: {  	[tilespmem:v5+s30+$0x0] =	vst.idx.add.f32.msk $0xffff, v3  }
0x12d: {  	[tilespmem:v4+s30+$0x0] =	vst.idx.add.f32.msk $0xffff, v3  }
.LBB2_26:
0x12e: {  	s0 =	sshra.s32 s3, $0x2  }
0x12f: {  	v4 =	vld [tilespmem:s0+$0xF80];
	_ =	sdelay $0x4  }
0x130: {  	p0 =	sne.s32 s3, $0x40;
	v4 =	vshrl.u32 v4, $0xE  }
.Ltmp12:
0x131: {  	_ = 	snop;
	(pc) =	sbr.rel @p0 .LBB2_26-.Ltmp12, $2  }
0x132: {  	_ =	sdelay $0x2  }
0x133: {  	s3 =	sadd.s32 $0x40, s3;
	[tilespmem:v4+s30+$0x0] =	vst.idx.add.f32.msk $0xffff, v3  }
0x134: {  	[bflag:$0x0] =	sbarrier.arrive $0xFFFF  }
0x135: {  	s2 =	simm.s32 $0x280;
	s3 =	simm.s32 $0x4740;
	s0 =	rddreg [dreg:$0x3]  }
0x136: {  	[spmem:s0] =	stream.indirect.scatter.add.f32 [tilespmem:s30], [sflag:$0x3], $0x10, s3, s2, $0xb8;
	[tilespmem:$0x12440] =	vst v63  }
0x137: {  	_ =	swait.ge [sflag:s23], $0x2800  }
0x138: {  	[sflag:s23] =	ssyncset.done $0x0  }
0x139: {  	[sflag:s23] =	ssyncadd.s32 $0xFFFFD800  }
0x13a: {  	[bflag:$0x0] =	sbarrier.arrive $0xFFFF  }
0x13b: {  	[tilespmem:s8], [sflag:$0x3] =	stream.linear.gather [spmem:s9], $0x280, $0x38;
	[tilespmem:$0x12440] =	vst v63  }
0x13c: {  	_ =	swait.ge [sflag:s23], $0x280  }
0x13d: {  	[sflag:s23] =	ssyncset.done $0x0  }
0x13e: {  	s4 =	simm.s32 $0x51D0;
	[sflag:s23] =	ssyncadd.s32 $0xFFFFFD80  }
0x13f: {  	v4 =	vld [tilespmem:s4+$0xFFFFFFF0];
	_ =	sdelay $0x4  }
0x140: {  	v4 =	vadd.f32 $1.000000000e+00, v4;
	_ =	sdelay $0x1  }
0x141: {  	v5 =	vshra.s32 v4, $0x1;
	v6 =	vmul.f32 $5.000000000e-01, v4  }
0x142: {  	v5 =	vsub.s32 $0x5F3759DF, v5  }
0x143: {  	v7 =	vld [tilespmem:s4+$0x0];
	v8 =	vmul.f32 v5, v6  }
0x144: {  	s6 =	simm.s32 $0x51F0  }
0x145: {  	v9 =	vld [tilespmem:s6+$0xFFFFFFF0];
	v8 =	vmul.f32 v5, v8;
	_ =	sdelay $0x1  }
0x146: {  	v8 =	vsub.f32 $1.500000000e+00, v8  }
0x147: {  	v10 =	vld [tilespmem:s6+$0x0];
	v7 =	vadd.f32 $1.000000000e+00, v7  }
0x148: {  	v5 =	vmul.f32 v5, v8  }
0x149: {  	v9 =	vadd.f32 $1.000000000e+00, v9;
	v11 =	vmul.f32 $5.000000000e-01, v7;
	v8 =	vshra.s32 v7, $0x1  }
0x14a: {  	v8 =	vsub.s32 $0x5F3759DF, v8;
	v12 =	vmul.f32 v5, v6  }
0x14b: {  	v14 =	vshra.s32 v9, $0x1;
	v15 =	vmul.f32 $5.000000000e-01, v9;
	v13 =	vmul.f32 v8, v11  }
0x14c: {  	v17 =	vadd.f32 $1.000000000e+00, v10;
	v10 =	vmul.f32 v12, v5;
	v12 =	vsub.s32 $0x5F3759DF, v14  }
0x14d: {  	v13 =	vmul.f32 v8, v13;
	v14 =	vmul.f32 v12, v15  }
0x14e: {  	s7 =	simm.s32 $0x5210;
	v16 =	vmul.f32 $5.000000000e-01, v17;
	v18 =	vshra.s32 v17, $0x1;
	v10 =	vsub.f32 $1.500000000e+00, v10  }
0x14f: {  	v19 =	vld [tilespmem:s7+$0xFFFFFFF0];
	v18 =	vsub.s32 $0x5F3759DF, v18;
	v13 =	vsub.f32 $1.500000000e+00, v13;
	v14 =	vmul.f32 v12, v14  }
0x150: {  	v20 =	vmul.f32 v18, v16;
	v5 =	vmul.f32 v10, v5  }
0x151: {  	v10 =	vmul.f32 v8, v13;
	v8 =	vsub.f32 $1.500000000e+00, v14  }
0x152: {  	v13 =	vld [tilespmem:s7+$0x0];
	v14 =	vmul.f32 v18, v20;
	v6 =	vmul.f32 v5, v6  }
0x153: {  	v20 =	vmul.f32 v10, v11;
	v12 =	vmul.f32 v12, v8  }
0x154: {  	s8 =	simm.s32 $0x5450;
	v8 =	vsub.f32 $1.500000000e+00, v14;
	v14 =	vadd.f32 $1.000000000e+00, v19;
	v6 =	vmul.f32 v6, v5  }
0x155: {  	[tilespmem:s8+$0xFFFFFFF0] =	vst v4;
	s7 =	simm.s32 $0x4CD0;
	v4 =	vmul.f32 v20, v10;
	v20 =	vmul.f32 v12, v15  }
0x156: {  	v19 =	vld [tilespmem:s7+$0xFFFFFD70];
	v18 =	vmul.f32 v18, v8;
	v21 =	vmul.f32 $5.000000000e-01, v14;
	v8 =	vsub.f32 $1.500000000e+00, v6  }
0x157: {  	v6 =	vadd.f32 $1.000000000e+00, v13;
	v13 =	vshra.s32 v14, $0x1;
	v4 =	vsub.f32 $1.500000000e+00, v4  }
0x158: {  	v20 =	vmul.f32 v20, v12;
	v13 =	vsub.s32 $0x5F3759DF, v13;
	v5 =	vmul.f32 v8, v5  }
0x159: {  	v8 =	vmul.f32 $5.000000000e-01, v6;
	v22 =	vmul.f32 v13, v21  }
0x15a: {  	s15 =	simm.s32 $0x5230;
	v23 =	vshra.s32 v6, $0x1;
	v26 =	vmul.f32 v4, v10;
	v20 =	vsub.f32 $1.500000000e+00, v20  }
0x15b: {  	v4 =	vld [tilespmem:s15+$0x0];
	v23 =	vsub.s32 $0x5F3759DF, v23;
	v19 =	vmul.f32 v5, v19;
	v22 =	vmul.f32 v13, v22  }
0x15c: {  	v24 =	vld [tilespmem:s15+$0xFFFFFFF0];
	v25 =	vmul.f32 v23, v8;
	v11 =	vmul.f32 v26, v11  }
0x15d: {  	s0 =	simm.s32 $0x5950;
	v20 =	vmul.f32 v20, v12;
	v12 =	vmul.f32 v18, v16  }
0x15e: {  	[tilespmem:s0+$0xFFFFFD70] =	vst v19;
	v19 =	vsub.f32 $1.500000000e+00, v22;
	v10 =	vmul.f32 v23, v25;
	v11 =	vmul.f32 v11, v26  }
0x15f: {  	s16 =	simm.s32 $0x5470;
	v22 =	vld [tilespmem:s7+$0xFFFFFFF0];
	v15 =	vmul.f32 v20, v15;
	v25 =	vmul.f32 v12, v18  }
0x160: {  	[tilespmem:s16+$0xFFFFFFF0] =	vst v9;
	v9 =	vadd.f32 $1.000000000e+00, v4;
	v19 =	vmul.f32 v13, v19;
	v12 =	vsub.f32 $1.500000000e+00, v10  }
0x161: {  	[tilespmem:s8+$0x0] =	vst v7;
	v10 =	vadd.f32 $1.000000000e+00, v24;
	v7 =	vsub.f32 $1.500000000e+00, v11;
	v13 =	vmul.f32 v15, v20  }
0x162: {  	v28 =	vshra.s32 v9, $0x1;
	v25 =	vsub.f32 $1.500000000e+00, v25;
	v12 =	vmul.f32 v23, v12;
	v23 =	vld [tilespmem:s7+$0xFFFFFD80]  }
0x163: {  	s2 =	simm.s32 $0x4CF0;
	v15 =	vmul.f32 v19, v21;
	v7 =	vmul.f32 v7, v26;
	v4 =	vsub.f32 $1.500000000e+00, v13  }
0x164: {  	v11 =	vshra.s32 v10, $0x1;
	v13 =	vmul.f32 $5.000000000e-01, v10;
	v24 =	vmul.f32 v5, v22;
	v22 =	vld [tilespmem:s2+$0xFFFFFD70]  }
0x165: {  	v15 =	vmul.f32 v15, v19;
	v4 =	vmul.f32 v4, v20;
	v20 =	vsub.s32 $0x5F3759DF, v11  }
0x166: {  	v26 =	vsub.s32 $0x5F3759DF, v28;
	v11 =	vmul.f32 $5.000000000e-01, v9;
	v27 =	vmul.f32 v20, v13  }
0x167: {  	s26 =	simm.s32 $0x5250;
	v30 =	vmul.f32 v25, v18;
	v15 =	vsub.f32 $1.500000000e+00, v15;
	v23 =	vmul.f32 v7, v23  }
0x168: {  	v28 =	vld [tilespmem:s26+$0xFFFFFFF0];
	v29 =	vmul.f32 v26, v11;
	v27 =	vmul.f32 v20, v27  }
0x169: {  	v19 =	vmul.f32 v15, v19;
	v22 =	vmul.f32 v4, v22;
	[tilespmem:s0+$0xFFFFFD80] =	vst v23;
	v23 =	vld [tilespmem:s26+$0x0]  }
0x16a: {  	s4 =	simm.s32 $0x5970;
	v15 =	vmul.f32 v12, v8;
	v25 =	vmul.f32 v26, v29  }
0x16b: {  	v16 =	vmul.f32 v30, v16;
	[tilespmem:s4+$0xFFFFFD70] =	vst v22;
	v22 =	vsub.f32 $1.500000000e+00, v27  }
0x16c: {  	v21 =	vmul.f32 v19, v21;
	v32 =	vmul.f32 v15, v12;
	v15 =	vsub.f32 $1.500000000e+00, v25;
	v27 =	vld [tilespmem:s2+$0xFFFFFFF0]  }
0x16d: {  	v29 =	vmul.f32 v16, v30;
	v16 =	vadd.f32 $1.000000000e+00, v28;
	v18 =	vmul.f32 v20, v22;
	v20 =	vld [tilespmem:s7+$0x0]  }
0x16e: {  	s6 =	simm.s32 $0x5490;
	v22 =	vmul.f32 v21, v19;
	v21 =	vmul.f32 v26, v15;
	v15 =	vadd.f32 $1.000000000e+00, v23  }
0x16f: {  	s3 =	simm.s32 $0x4D10;
	[tilespmem:s6+$0xFFFFFFF0] =	vst v14;
	v23 =	vmul.f32 $5.000000000e-01, v16;
	v25 =	vmul.f32 v18, v13  }
0x170: {  	[tilespmem:s16+$0x0] =	vst v17;
	v31 =	vld [tilespmem:s3+$0xFFFFFD70];
	v14 =	vsub.f32 $1.500000000e+00, v22;
	v17 =	vmul.f32 v21, v11;
	v22 =	vmul.f32 $5.000000000e-01, v15  }
0x171: {  	v33 =	vld [tilespmem:s2+$0xFFFFFD80];
	v26 =	vmul.f32 v4, v27;
	v28 =	vmul.f32 v25, v18  }
0x172: {  	[tilespmem:s0+$0xFFFFFFF0] =	vst v24;
	v27 =	vsub.f32 $1.500000000e+00, v29;
	v29 =	vmul.f32 v7, v20;
	v20 =	vshra.s32 v16, $0x1  }
0x173: {  	v24 =	vld [tilespmem:s7+$0x270];
	v14 =	vmul.f32 v14, v19;
	v25 =	vsub.s32 $0x5F3759DF, v20;
	v20 =	vmul.f32 v17, v21  }
0x174: {  	v19 =	vshra.s32 v15, $0x1;
	v17 =	vmul.f32 v27, v30;
	v34 =	vmul.f32 v25, v23  }
0x175: {  	s16 =	simm.s32 $0x5270;
	s8 =	simm.s32 $0x5490;
	v27 =	vsub.s32 $0x5F3759DF, v19;
	[tilespmem:s0+$0x0] =	vst v29;
	v29 =	vsub.f32 $1.500000000e+00, v28;
	v28 =	vmul.f32 v14, v31  }
0x176: {  	s15 =	simm.s32 $0x8;
	s26 =	simm.s32 $0x5990;
	[tilespmem:s4+$0xFFFFFFF0] =	vst v26;
	v30 =	vsub.f32 $1.500000000e+00, v32;
	v19 =	vld [tilespmem:s7+$0x280];
	v26 =	vmul.f32 v17, v33;
	s7 =	simm.s32 $0x4D10;
	v31 =	vmul.f32 v25, v34  }
.LBB2_28:
0x177: {  	v32 =	vld [tilespmem:s16+$0xFFFFFFF0];
	s15 =	sadd.s32 $0x2, s15;
	v33 =	vmul.f32 v27, v22;
	v29 =	vmul.f32 v29, v18;
	[tilespmem:s26+$0xFFFFFD70] =	vst v28;
	s6 =	sadd.s32 $0x20, s6  }
0x178: {  	s7 =	sadd.s32 $0x20, s7;
	p0 =	slt.u32 s15, $0x26;
	v18 =	vsub.f32 $1.500000000e+00, v31;
	v28 =	vld [tilespmem:s3+$0xFFFFFFF0];
	v30 =	vmul.f32 v30, v12;
	[tilespmem:s4+$0xFFFFFD80] =	vst v26;
	v24 =	vmul.f32 v5, v24;
	v12 =	vmovc v21  }
0x179: {  	v5 =	vmovc v4;
	v4 =	vmovc v14;
	v26 =	vld [tilespmem:s16+$0x0];
	v21 =	vmul.f32 v27, v33;
	v31 =	vmul.f32 v29, v13;
	v13 =	vmov v23  }
0x17a: {  	v18 =	vmul.f32 v25, v18;
	v14 =	vmul.f32 v30, v8;
	v23 =	vld [tilespmem:s2+$0x0];
	[tilespmem:s0+$0x270] =	vst v24;
	v8 =	vmovc v11;
	v11 =	vmov v22  }
0x17b: {  	v19 =	vmul.f32 v7, v19;
	v7 =	vmovc v17;
	v21 =	vsub.f32 $1.500000000e+00, v21;
	v22 =	vmul.f32 v31, v29  }
0x17c: {  	v17 =	vmul.f32 v18, v13;
	[tilespmem:s6+$0xFFFFFFF0] =	vst v10;
	v14 =	vmul.f32 v14, v30;
	v10 =	vmov v16  }
0x17d: {  	v16 =	vadd.f32 $1.000000000e+00, v32;
	v21 =	vmul.f32 v27, v21;
	v24 =	vmul.f32 v4, v28;
	[tilespmem:s0+$0x280] =	vst v19;
	s0 =	smov.u32 s4;
	s4 =	smov.u32 s26  }
0x17e: {  	v28 =	vmul.f32 v17, v18;
	v17 =	vsub.f32 $1.500000000e+00, v22;
	v31 =	vld [tilespmem:s7+$0xFFFFFD70];
	[tilespmem:s8+$0x0] =	vst v6;
	v6 =	vmovc v9;
	v9 =	vmovc v15;
	v15 =	vadd.f32 $1.000000000e+00, v26;
	s8 =	smov.u32 s6  }
0x17f: {  	s26 =	sadd.s32 $0x20, s26;
	v26 =	vsub.f32 $1.500000000e+00, v14;
	v19 =	vmul.f32 v21, v11;
	[tilespmem:s4+$0xFFFFFFF0] =	vst v24;
	v32 =	vld [tilespmem:s3+$0xFFFFFD80];
	v27 =	vmul.f32 v7, v23  }
.Ltmp13:
0x180: {  	v22 =	vshra.s32 v16, $0x1;
	v23 =	vmul.f32 $5.000000000e-01, v16;
	v14 =	vmul.f32 v17, v29;
	(pc) =	sbr.rel @p0 .LBB2_28-.Ltmp13, $4  }
0x181: {  	v25 =	vsub.s32 $0x5F3759DF, v22;
	v22 =	vmul.f32 $5.000000000e-01, v15;
	v33 =	vmul.f32 v19, v21;
	v24 =	vld [tilespmem:s2+$0x270];
	[tilespmem:s0+$0x0] =	vst v27  }
0x182: {  	v17 =	vmul.f32 v26, v30;
	v34 =	vmul.f32 v25, v23;
	v27 =	vshra.s32 v15, $0x1;
	v19 =	vld [tilespmem:s2+$0x280];
	s2 =	smov.u32 s3;
	s3 =	smov.u32 s7  }
0x183: {  	v29 =	vsub.f32 $1.500000000e+00, v28;
	v27 =	vsub.s32 $0x5F3759DF, v27;
	v28 =	vmul.f32 v14, v31  }
0x184: {  	s16 =	sadd.s32 $0x20, s16;
	v30 =	vsub.f32 $1.500000000e+00, v20;
	v31 =	vmul.f32 v25, v34;
	v20 =	vmovc v33;
	v26 =	vmul.f32 v17, v32  }
0x185: {  	v32 =	vmul.f32 v27, v22;
	_ =	sdelay $0x1  }
0x186: {  	v32 =	vmul.f32 v27, v32  }
0x187: {  	v31 =	vsub.f32 $1.500000000e+00, v31  }
0x188: {  	v32 =	vsub.f32 $1.500000000e+00, v32  }
0x189: {  	v25 =	vmul.f32 v25, v31  }
0x18a: {  	v63 =	vmul.f32 v27, v32  }
0x18b: {  	v31 =	vmul.f32 v25, v23  }
0x18c: {  	v18 =	vmul.f32 v29, v18;
	v20 =	vsub.f32 $1.500000000e+00, v20;
	v32 =	vmul.f32 v63, v22  }
0x18d: {  	v12 =	vmul.f32 v30, v12;
	v33 =	vmul.f32 v31, v25  }
0x18e: {  	v20 =	vmul.f32 v20, v21;
	v34 =	vmul.f32 v32, v63  }
0x18f: {  	v13 =	vmul.f32 v18, v13;
	v30 =	vsub.f32 $1.500000000e+00, v33  }
0x190: {  	s15 =	sadd.s32 $0x20, s6;
	v8 =	vmul.f32 v12, v8;
	v36 =	vmul.f32 v20, v11;
	v35 =	vsub.f32 $1.500000000e+00, v34  }
0x191: {  	s6 =	sadd.s32 $0x20, s7;
	[tilespmem:s15+$0xFFFFFFF0] =	vst v10;
	v13 =	vmul.f32 v13, v18;
	v25 =	vmul.f32 v30, v25  }
0x192: {  	[tilespmem:s8+$0x0] =	vst v6;
	v40 =	vld [tilespmem:s6+$0xFFFFFD70];
	v8 =	vmul.f32 v8, v12;
	v37 =	vmul.f32 v35, v63  }
0x193: {  	[tilespmem:s26+$0xFFFFFD70] =	vst v28;
	v38 =	vld [tilespmem:s3+$0xFFFFFD80];
	v5 =	vmul.f32 v5, v24;
	v13 =	vsub.f32 $1.500000000e+00, v13;
	v39 =	vmul.f32 v25, v23  }
0x194: {  	s16 =	sadd.s32 $0x20, s15;
	[tilespmem:s15+$0x0] =	vst v9;
	v6 =	vmul.f32 v36, v20;
	v8 =	vsub.f32 $1.500000000e+00, v8;
	v41 =	vmul.f32 v37, v22  }
0x195: {  	s7 =	sadd.s32 $0x20, s6;
	[tilespmem:s16+$0xFFFFFFF0] =	vst v16;
	v42 =	vld [tilespmem:s6+$0xFFFFFD80];
	v13 =	vmul.f32 v13, v18;
	v21 =	vmul.f32 v39, v25  }
0x196: {  	[tilespmem:s16+$0x0] =	vst v15;
	v43 =	vld [tilespmem:s7+$0xFFFFFD70];
	v6 =	vsub.f32 $1.500000000e+00, v6;
	v8 =	vmul.f32 v8, v12;
	v9 =	vmul.f32 v41, v37  }
0x197: {  	v45 =	vld [tilespmem:s7+$0xFFFFFD80];
	[tilespmem:s0+$0x270] =	vst v5;
	v5 =	vmul.f32 v13, v40;
	v44 =	vsub.f32 $1.500000000e+00, v21  }
0x198: {  	[tilespmem:s4+$0xFFFFFD80] =	vst v26;
	v47 =	vld [tilespmem:s3+$0xFFFFFFF0];
	s15 =	sadd.s32 $0x20, s26;
	v6 =	vmul.f32 v6, v20;
	v10 =	vmul.f32 v8, v38;
	v9 =	vsub.f32 $1.500000000e+00, v9  }
0x199: {  	v46 =	vld [tilespmem:s2+$0x0];
	[tilespmem:s15+$0xFFFFFD70] =	vst v5;
	v15 =	vmul.f32 v44, v25  }
0x19a: {  	v48 =	vmul.f32 v6, v42;
	[tilespmem:s26+$0xFFFFFD80] =	vst v10;
	v50 =	vld [tilespmem:s6+$0xFFFFFFF0];
	v9 =	vmul.f32 v9, v37  }
0x19b: {  	v5 =	vld [tilespmem:s3+$0x0];
	v49 =	vmul.f32 v15, v43  }
0x19c: {  	v56 =	vld [tilespmem:s2+$0x270];
	s16 =	sadd.s32 $0x20, s15;
	[tilespmem:s15+$0xFFFFFD80] =	vst v48;
	v51 =	vmul.f32 v9, v45  }
0x19d: {  	v55 =	vmul.f32 v14, v47;
	v52 =	vld [tilespmem:s6+$0x0];
	[tilespmem:s16+$0xFFFFFD70] =	vst v49  }
0x19e: {  	v53 =	vmul.f32 v17, v46;
	v54 =	vld [tilespmem:s7+$0xFFFFFFF0];
	[tilespmem:s16+$0xFFFFFD80] =	vst v51  }
0x19f: {  	[tilespmem:s26+$0xFFFFFFF0] =	vst v55;
	v12 =	vmul.f32 v13, v50;
	v10 =	vld [tilespmem:s7+$0x0]  }
0x1a0: {  	[tilespmem:s4+$0x0] =	vst v53;
	v5 =	vmul.f32 v8, v5  }
0x1a1: {  	v4 =	vmul.f32 v4, v56;
	v58 =	vld [tilespmem:s3+$0x270];
	[tilespmem:s15+$0xFFFFFFF0] =	vst v12  }
0x1a2: {  	v57 =	vld [tilespmem:s2+$0x280];
	[tilespmem:s26+$0x0] =	vst v5;
	v5 =	vmul.f32 v6, v52  }
0x1a3: {  	[tilespmem:s4+$0x270] =	vst v4;
	v61 =	vld [tilespmem:s6+$0x270];
	v60 =	vmul.f32 v15, v54  }
0x1a4: {  	v59 =	vld [tilespmem:s3+$0x280];
	[tilespmem:s15+$0x0] =	vst v5;
	v5 =	vmul.f32 v9, v10  }
0x1a5: {  	v7 =	vmul.f32 v7, v19;
	v62 =	vld [tilespmem:s6+$0x280];
	[tilespmem:s16+$0xFFFFFFF0] =	vst v60  }
0x1a6: {  	v4 =	vmul.f32 v14, v58;
	v12 =	vld [tilespmem:s7+$0x270];
	[tilespmem:s16+$0x0] =	vst v5  }
0x1a7: {  	[tilespmem:s0+$0x280] =	vst v7;
	v7 =	vmul.f32 v17, v57;
	v5 =	vld [tilespmem:s7+$0x280]  }
0x1a8: {  	[tilespmem:s26+$0x270] =	vst v4;
	v4 =	vmul.f32 v13, v61  }
0x1a9: {  	[tilespmem:s4+$0x280] =	vst v7;
	v63 =	vmul.f32 v8, v59  }
0x1aa: {  	[tilespmem:s15+$0x270] =	vst v4;
	v6 =	vmul.f32 v6, v62  }
0x1ab: {  	[tilespmem:s26+$0x280] =	vst v63;
	v4 =	vmul.f32 v15, v12  }
0x1ac: {  	[tilespmem:s15+$0x280] =	vst v6;
	v5 =	vmul.f32 v9, v5  }
0x1ad: {  	[tilespmem:s16+$0x270] =	vst v4  }
0x1ae: {  	[tilespmem:s16+$0x280] =	vst v5  }
0x1af: {  	s6 =	simm.s32 $0x5440;
	s0 =	rddreg [dreg:$0xa]  }
0x1b0: {  	[hbm4b:s0+s5] =	stream.linear.scatter [tilespmem:s6], [sflag:$0x3], $0x280, $0x38;
	[tilespmem:$0x12440] =	vst v63  }
0x1b1: {  	_ =	swait.ge [sflag:s23], $0x280  }
0x1b2: {  	[sflag:s23] =	ssyncset.done $0x0  }
0x1b3: {  	s8 =	simm.s32 $0x56C0;
	s7 =	rddreg [dreg:$0xb];
	[sflag:s23] =	ssyncadd.s32 $0xFFFFFD80  }
0x1b4: {  	[spmem:s7] =	stream.linear.scatter [tilespmem:s8], [sflag:$0x3], $0x280, $0x38;
	[tilespmem:$0x12440] =	vst v63  }
0x1b5: {  	_ =	swait.ge [sflag:s23], $0x280  }
0x1b6: {  	[sflag:s23] =	ssyncset.done $0x0  }
0x1b7: {  	s15 =	simm.s32 $0x5940;
	[sflag:s23] =	ssyncadd.s32 $0xFFFFFD80  }
0x1b8: {  	[spmem:s17] =	stream.linear.scatter [tilespmem:s15], [sflag:$0x3], $0x280, $0x38;
	[tilespmem:$0x12440] =	vst v63  }
0x1b9: {  	_ =	swait.ge [sflag:s23], $0x280  }
0x1ba: {  	[sflag:s23] =	ssyncset.done $0x0  }
0x1bb: {  	s16 =	simm.s32 $0x5BC0;
	[sflag:s23] =	ssyncadd.s32 $0xFFFFFD80  }
0x1bc: {  	[spmem:s18] =	stream.linear.scatter [tilespmem:s16], [sflag:$0x3], $0x280, $0x38;
	[tilespmem:$0x12440] =	vst v63  }
0x1bd: {  	_ =	swait.ge [sflag:s23], $0x280  }
0x1be: {  	[sflag:s23] =	ssyncset.done $0x0  }
0x1bf: {  	[sflag:s23] =	ssyncadd.s32 $0xFFFFFD80  }
0x1c0: {  	[bflag:$0x0] =	sbarrier.arrive $0xFFFF  }
0x1c1: {  	s26 =	rddreg [dreg:$0x4]  }
0x1c2: {  	[tilespmem:s1], [sflag:$0x3] =	stream.linear.gather [spmem:s26], $0x7800, $0x38;
	[tilespmem:$0x12440] =	vst v63  }
0x1c3: {  	_ =	swait.ge [sflag:s23], $0x7800  }
0x1c4: {  	[sflag:s23] =	ssyncset.done $0x0  }
0x1c5: {  	s0 =	simm.s32 $0xD6C0;
	[sflag:s23] =	ssyncadd.s32 $0xFFFF8800  }
0x1c6: {  	[tilespmem:s0+$0xFFFFFF80] =	vst v1  }
0x1c7: {  	[tilespmem:s0+$0x70] =	vst v1  }
0x1c8: {  	[tilespmem:s0+$0x60] =	vst v1  }
0x1c9: {  	[tilespmem:s0+$0x50] =	vst v1  }
0x1ca: {  	[tilespmem:s0+$0x40] =	vst v1  }
0x1cb: {  	[tilespmem:s0+$0x30] =	vst v1  }
0x1cc: {  	[tilespmem:s0+$0x20] =	vst v1  }
0x1cd: {  	[tilespmem:s0+$0x10] =	vst v1  }
0x1ce: {  	[tilespmem:s0+$0x0] =	vst v1  }
0x1cf: {  	[tilespmem:s0+$0xFFFFFFF0] =	vst v1  }
0x1d0: {  	[tilespmem:s0+$0xFFFFFFE0] =	vst v1  }
0x1d1: {  	[tilespmem:s0+$0xFFFFFFD0] =	vst v1  }
0x1d2: {  	[tilespmem:s0+$0xFFFFFFC0] =	vst v1  }
0x1d3: {  	[tilespmem:s0+$0xFFFFFFB0] =	vst v1  }
0x1d4: {  	s2 =	simm.s32 $0x0;
	[tilespmem:s0+$0xFFFFFFA0] =	vst v1  }
.LBB2_30:
0x1d5: {  	s2 =	sadd.s32 $0x2, s2;
	[tilespmem:s0+$0xFFFFFF90] =	vst v1;
	s0 =	sadd.s32 $0x100, s0  }
0x1d6: {  	[tilespmem:s0+$0xFFFFFF80] =	vst v1;
	p0 =	slt.u32 s2, $0x7E  }
0x1d7: {  	[tilespmem:s0+$0x70] =	vst v1  }
0x1d8: {  	[tilespmem:s0+$0x60] =	vst v1  }
0x1d9: {  	[tilespmem:s0+$0x50] =	vst v1  }
0x1da: {  	[tilespmem:s0+$0x40] =	vst v1  }
0x1db: {  	[tilespmem:s0+$0x30] =	vst v1  }
0x1dc: {  	[tilespmem:s0+$0x20] =	vst v1  }
0x1dd: {  	[tilespmem:s0+$0x10] =	vst v1  }
0x1de: {  	[tilespmem:s0+$0x0] =	vst v1  }
0x1df: {  	[tilespmem:s0+$0xFFFFFFF0] =	vst v1  }
.Ltmp14:
0x1e0: {  	[tilespmem:s0+$0xFFFFFFE0] =	vst v1;
	(pc) =	sbr.rel @p0 .LBB2_30-.Ltmp14, $4  }
0x1e1: {  	[tilespmem:s0+$0xFFFFFFD0] =	vst v1  }
0x1e2: {  	[tilespmem:s0+$0xFFFFFFC0] =	vst v1  }
0x1e3: {  	[tilespmem:s0+$0xFFFFFFB0] =	vst v1  }
0x1e4: {  	[tilespmem:s0+$0xFFFFFFA0] =	vst v1  }
0x1e5: {  	[tilespmem:s0+$0xFFFFFF90] =	vst v1  }
0x1e6: {  	[tilespmem:s5], [sflag:$0x1] =	stream.linear.gather [hbm4b:s10+s5], $0xFA0, $0x38;
	[tilespmem:$0x12440] =	vst v63  }
0x1e7: {  	_ = 	snop  }
0x1e8: {  	[tilespmem:s28], [sflag:$0x2] =	stream.linear.gather [hbm4b:s11+s5], $0xFA0, $0x38;
	[tilespmem:$0x12440] =	vst v63  }
0x1e9: {  	_ =	swait.ge [sflag:s29], $0xFA0  }
0x1ea: {  	[sflag:s29] =	ssyncset.done $0x0  }
0x1eb: {  	s26 =	simm.s32 $0x40;
	[sflag:s29] =	ssyncadd.s32 $0xFFFFF060  }
0x1ec: {  	v4 =	vld [tilespmem:s26+$0x30]  }
0x1ed: {  	v5 =	vld [tilespmem:s26+$0xFFFFFFD0]  }
0x1ee: {  	v6 =	vld [tilespmem:s26+$0xFFFFFFE0]  }
0x1ef: {  	v7 =	vld [tilespmem:s26+$0xFFFFFFF0]  }
0x1f0: {  	v9 =	vld [tilespmem:s26+$0x0]  }
0x1f1: {  	v10 =	vld [tilespmem:s26+$0x10]  }
0x1f2: {  	v14 =	vld [tilespmem:s26+$0xFFFFFFC0];
	v8 =	vand.u32 $0x3FFF, v4  }
0x1f3: {  	v13 =	vld [tilespmem:s26+$0x20];
	v12 =	vand.u32 $0x3FFF, v5  }
0x1f4: {  	v11 =	vshrl.u32 v4, $0xE;
	v15 =	vand.u32 $0x3FFF, v6;
	v4 =	vand.u32 $0x7, v4  }
0x1f5: {  	v18 =	vshrl.u32 v5, $0xE;
	v5 =	vand.u32 $0x7, v5;
	v20 =	vand.u32 $0x3FFF, v7  }
0x1f6: {  	v19 =	vshrl.u32 v6, $0xE;
	v21 =	vshrl.u32 v7, $0xE;
	v22 =	vand.u32 $0x3FFF, v9  }
0x1f7: {  	v23 =	vshrl.u32 v9, $0xE;
	v25 =	vand.u32 $0x3FFF, v10;
	v26 =	vand.u32 $0x3FFF, v14;
	v17 =	vld.idx.msk [tilespmem:v8+s1+$0x0], $0xffff  }
0x1f8: {  	v28 =	vand.u32 $0x3FFF, v13;
	v29 =	vshrl.u32 v14, $0xE;
	v11 =	vsub.s32 v11, v0;
	v24 =	vld.idx.msk [tilespmem:v12+s1+$0x0], $0xffff  }
0x1f9: {  	v30 =	vshrl.u32 v10, $0xE;
	v16 =	vadd.s32 $0x2800, v8;
	vm5 =	vlt.u32 v11, $0x1400;
	v27 =	vld.idx.msk [tilespmem:v15+s1+$0x0], $0xffff  }
0x1fa: {  	v29 =	vsub.s32 v29, v0;
	v16 =	vand.u32 $0x7FF8, v16;
	v11 =	vnsel vm5, $0x0, v11;
	v32 =	vld.idx.msk [tilespmem:v20+s1+$0x0], $0xffff  }
0x1fb: {  	v18 =	vsub.s32 v18, v0;
	vm1 =	vlt.u32 v29, $0x1400;
	v16 =	vor.u32 v4, v16;
	v50 =	vld.idx.msk [tilespmem:v22+s1+$0x0], $0xffff  }
0x1fc: {  	v19 =	vsub.s32 v19, v0;
	vm0 =	vlt.u32 v18, $0x1400;
	v29 =	vnsel vm1, $0x0, v29;
	v33 =	vld.idx.msk [tilespmem:v26+s1+$0x0], $0xffff  }
0x1fd: {  	v23 =	vsub.s32 v23, v0;
	vm3 =	vlt.u32 v19, $0x1400;
	v35 =	vnsel vm0, $0x0, v18;
	v34 =	vld.idx.msk [tilespmem:v25+s1+$0x0], $0xffff  }
0x1fe: {  	v7 =	vand.u32 $0x7, v7;
	vm2 =	vlt.u32 v23, $0x1400;
	v19 =	vnsel vm3, $0x0, v19;
	v18 =	vld.idx.msk [tilespmem:v28+s1+$0x0], $0xffff  }
0x1ff: {  	v9 =	vand.u32 $0x7, v9;
	v23 =	vnsel vm2, $0x0, v23;
	v8 =	vadd.s32 $0x5000, v8;
	[tilespmem:v11+s22+$0x0] =	vst.idx.add.f32.msk vm5, v17  }
0x200: {  	v52 =	vadd.s32 $0x2800, v22;
	v31 =	vadd.s32 $0x1400, v11;
	v8 =	vand.u32 $0xFFF8, v8;
	v16 =	vld.idx.msk [tilespmem:v16+s1+$0x0], $0xffff  }
0x201: {  	v30 =	vsub.s32 v30, v0;
	v56 =	vand.u32 $0x7FF8, v52;
	v4 =	vor.u32 v4, v8;
	[tilespmem:v29+s22+$0x0] =	vst.idx.add.f32.msk vm1, v33  }
0x202: {  	vm6 =	vlt.u32 v30, $0x1400;
	v8 =	vsub.s32 v21, v0;
	v21 =	vor.u32 v9, v56;
	[tilespmem:v35+s22+$0x0] =	vst.idx.add.f32.msk vm0, v24  }
0x203: {  	v37 =	vadd.s32 $0x2800, v20;
	v30 =	vnsel vm6, $0x0, v30;
	vm4 =	vlt.u32 v8, $0x1400;
	[tilespmem:v19+s22+$0x0] =	vst.idx.add.f32.msk vm3, v27  }
0x204: {  	v55 =	vand.u32 $0x7FF8, v37;
	v8 =	vnsel vm4, $0x0, v8;
	v17 =	vshrl.u32 v13, $0xE;
	[tilespmem:v23+s22+$0x0] =	vst.idx.add.f32.msk vm2, v50  }
0x205: {  	v14 =	vand.u32 $0x7, v14;
	v27 =	vor.u32 v7, v55;
	v17 =	vsub.s32 v17, v0;
	[tilespmem:v31+s22+$0x0] =	vst.idx.add.f32.msk vm5, v16  }
0x206: {  	v6 =	vand.u32 $0x7, v6;
	v11 =	vadd.s32 $0x2800, v11;
	vm7 =	vlt.u32 v17, $0x1400;
	v4 =	vld.idx.msk [tilespmem:v4+s1+$0x0], $0xffff  }
0x207: {  	v62 =	vadd.s32 $0x1400, v23;
	v21 =	vld.idx.msk [tilespmem:v21+s1+$0x0], $0xffff;
	v53 =	vnsel vm7, $0x0, v17;
	v17 =	vadd.s32 $0x2800, v28  }
0x208: {  	[tilespmem:v30+s22+$0x0] =	vst.idx.add.f32.msk vm6, v34;
	v13 =	vand.u32 $0x7, v13;
	v17 =	vand.u32 $0x7FF8, v17;
	v16 =	vadd.s32 $0x2800, v26  }
0x209: {  	v51 =	vadd.s32 $0x2800, v12;
	[tilespmem:v8+s22+$0x0] =	vst.idx.add.f32.msk vm4, v32;
	v17 =	vor.u32 v13, v17;
	v16 =	vand.u32 $0x7FF8, v16  }
0x20a: {  	v36 =	vadd.s32 $0x2800, v15;
	v54 =	vand.u32 $0x7FF8, v51;
	v27 =	vld.idx.msk [tilespmem:v27+s1+$0x0], $0xffff;
	v16 =	vor.u32 v14, v16  }
0x20b: {  	v38 =	vadd.s32 $0x2800, v25;
	[tilespmem:v11+s22+$0x0] =	vst.idx.add.f32.msk vm5, v4;
	v4 =	vand.u32 $0x7FF8, v36;
	v11 =	vor.u32 v5, v54  }
0x20c: {  	v10 =	vand.u32 $0x7, v10;
	v57 =	vand.u32 $0x7FF8, v38;
	[tilespmem:v62+s22+$0x0] =	vst.idx.add.f32.msk vm2, v21;
	v4 =	vor.u32 v6, v4  }
0x20d: {  	[tilespmem:v53+s22+$0x0] =	vst.idx.add.f32.msk vm7, v18;
	v18 =	vor.u32 v10, v57  }
0x20e: {  	v61 =	vadd.s32 $0x1400, v8;
	v17 =	vld.idx.msk [tilespmem:v17+s1+$0x0], $0xffff  }
0x20f: {  	v58 =	vadd.s32 $0x1400, v29;
	v16 =	vld.idx.msk [tilespmem:v16+s1+$0x0], $0xffff  }
0x210: {  	v59 =	vadd.s32 $0x1400, v35;
	v11 =	vld.idx.msk [tilespmem:v11+s1+$0x0], $0xffff  }
0x211: {  	v60 =	vadd.s32 $0x1400, v19;
	v26 =	vadd.s32 $0x5000, v26;
	v4 =	vld.idx.msk [tilespmem:v4+s1+$0x0], $0xffff  }
0x212: {  	v63 =	vadd.s32 $0x1400, v30;
	v12 =	vadd.s32 $0x5000, v12;
	v26 =	vand.u32 $0xFFF8, v26;
	v18 =	vld.idx.msk [tilespmem:v18+s1+$0x0], $0xffff  }
0x213: {  	v12 =	vand.u32 $0xFFF8, v12;
	v14 =	vor.u32 v14, v26;
	[tilespmem:v61+s22+$0x0] =	vst.idx.add.f32.msk vm4, v27  }
0x214: {  	v5 =	vor.u32 v5, v12;
	v12 =	vadd.s32 $0x5000, v22;
	[tilespmem:v58+s22+$0x0] =	vst.idx.add.f32.msk vm1, v16;
	v16 =	vadd.s32 $0x1400, v53  }
0x215: {  	v12 =	vand.u32 $0xFFF8, v12;
	[tilespmem:v59+s22+$0x0] =	vst.idx.add.f32.msk vm0, v11;
	v11 =	vadd.s32 $0x5000, v15  }
0x216: {  	[tilespmem:v60+s22+$0x0] =	vst.idx.add.f32.msk vm3, v4;
	v4 =	vadd.s32 $0x5000, v20;
	v11 =	vand.u32 $0xFFF8, v11;
	v20 =	vor.u32 v9, v12  }
0x217: {  	[tilespmem:v63+s22+$0x0] =	vst.idx.add.f32.msk vm6, v18;
	v4 =	vand.u32 $0xFFF8, v4;
	v6 =	vor.u32 v6, v11;
	v11 =	vadd.s32 $0x5000, v25  }
0x218: {  	v18 =	vld.idx.msk [tilespmem:v14+s1+$0x0], $0xffff;
	v4 =	vor.u32 v7, v4;
	v7 =	vadd.s32 $0x5000, v28;
	v11 =	vand.u32 $0xFFF8, v11  }
0x219: {  	[tilespmem:v16+s22+$0x0] =	vst.idx.add.f32.msk vm7, v17;
	v7 =	vand.u32 $0xFFF8, v7;
	v10 =	vor.u32 v10, v11  }
0x21a: {  	v17 =	vld.idx.msk [tilespmem:v5+s1+$0x0], $0xffff;
	v11 =	vor.u32 v13, v7  }
0x21b: {  	v14 =	vld.idx.msk [tilespmem:v20+s1+$0x0], $0xffff  }
0x21c: {  	vm11 =	vmmov vm3;
	vm8 =	vmmov vm4;
	v8 =	vadd.s32 $0x2800, v8;
	v12 =	vld.idx.msk [tilespmem:v6+s1+$0x0], $0xffff  }
0x21d: {  	vm5 =	vmmov vm2;
	vm2 =	vmmov vm7;
	v15 =	vadd.s32 $0x2800, v29;
	v13 =	vld.idx.msk [tilespmem:v4+s1+$0x0], $0xffff  }
0x21e: {  	v16 =	vadd.s32 $0x2800, v35;
	v9 =	vadd.s32 $0x2800, v19;
	v5 =	vadd.s32 $0x2800, v30;
	v10 =	vld.idx.msk [tilespmem:v10+s1+$0x0], $0xffff  }
0x21f: {  	s0 =	simm.s32 $0x0;
	s2 =	simm.s32 $0xC0;
	s8 =	simm.s32 $0x51C0;
	vm3 =	vmmov vm6;
	v7 =	vadd.s32 $0x2800, v23;
	v4 =	vadd.s32 $0x2800, v53;
	v11 =	vld.idx.msk [tilespmem:v11+s1+$0x0], $0xffff  }
.LBB2_32:
0x220: {  	v19 =	vld [tilespmem:s2+$0x30];
	s0 =	sadd.s32 $0x8, s0  }
0x221: {  	v6 =	vld [tilespmem:s2+$0xFFFFFFD0];
	p0 =	slt.u32 s0, $0xF0  }
0x222: {  	v20 =	vld [tilespmem:s2+$0xFFFFFFE0]  }
0x223: {  	v21 =	vld [tilespmem:s2+$0xFFFFFFF0]  }
0x224: {  	v22 =	vld [tilespmem:s2+$0x0]  }
0x225: {  	v23 =	vld [tilespmem:s2+$0x10];
	v24 =	vand.u32 $0x3FFF, v19  }
0x226: {  	v25 =	vand.u32 $0x3FFF, v6;
	v26 =	vshrl.u32 v6, $0xE;
	v6 =	vand.u32 $0x7, v6;
	v27 =	vld [tilespmem:s2+$0x20]  }
0x227: {  	v28 =	vld [tilespmem:s2+$0xFFFFFFC0];
	v26 =	vsub.s32 v26, v0;
	v29 =	vand.u32 $0x3FFF, v20;
	v30 =	vshrl.u32 v20, $0xE  }
0x228: {  	v33 =	vshrl.u32 v19, $0xE;
	v31 =	vand.u32 $0x3FFF, v21;
	v32 =	vshrl.u32 v21, $0xE;
	[tilespmem:v15+s22+$0x0] =	vst.idx.add.f32.msk vm1, v18  }
0x229: {  	v33 =	vsub.s32 v33, v0;
	v15 =	vand.u32 $0x3FFF, v22;
	v18 =	vshrl.u32 v22, $0xE;
	[tilespmem:v16+s22+$0x0] =	vst.idx.add.f32.msk vm0, v17  }
0x22a: {  	v34 =	vadd.s32 $0x2800, v24;
	vm12 =	vlt.u32 v33, $0x1400;
	v16 =	vand.u32 $0x3FFF, v23;
	v17 =	vld.idx.msk [tilespmem:v24+s1+$0x0], $0xffff  }
0x22b: {  	v19 =	vand.u32 $0x7, v19;
	v34 =	vand.u32 $0x7FF8, v34;
	v33 =	vnsel vm12, $0x0, v33;
	v35 =	vld.idx.msk [tilespmem:v25+s1+$0x0], $0xffff  }
0x22c: {  	v34 =	vor.u32 v19, v34;
	v38 =	vand.u32 $0x3FFF, v27;
	v36 =	vand.u32 $0x3FFF, v28;
	v37 =	vld.idx.msk [tilespmem:v29+s1+$0x0], $0xffff  }
0x22d: {  	v41 =	vshrl.u32 v23, $0xE;
	v42 =	vshrl.u32 v27, $0xE;
	v39 =	vshrl.u32 v28, $0xE;
	v40 =	vld.idx.msk [tilespmem:v31+s1+$0x0], $0xffff  }
0x22e: {  	v30 =	vsub.s32 v30, v0;
	v32 =	vsub.s32 v32, v0;
	v39 =	vsub.s32 v39, v0;
	v43 =	vld.idx.msk [tilespmem:v15+s1+$0x0], $0xffff  }
0x22f: {  	v18 =	vsub.s32 v18, v0;
	v41 =	vsub.s32 v41, v0;
	v42 =	vsub.s32 v42, v0;
	v44 =	vld.idx.msk [tilespmem:v16+s1+$0x0], $0xffff  }
0x230: {  	vm0 =	vlt.u32 v26, $0x1400;
	vm7 =	vlt.u32 v30, $0x1400;
	vm1 =	vlt.u32 v39, $0x1400;
	[tilespmem:v33+s22+$0x0] =	vst.idx.add.f32.msk vm12, v17  }
0x231: {  	vm6 =	vlt.u32 v32, $0x1400;
	v24 =	vadd.s32 $0x5000, v24;
	vm4 =	vlt.u32 v18, $0x1400;
	v17 =	vld.idx.msk [tilespmem:v34+s1+$0x0], $0xffff  }
0x232: {  	v45 =	vadd.s32 $0x1400, v33;
	v24 =	vand.u32 $0xFFF8, v24;
	vm9 =	vlt.u32 v41, $0x1400;
	v34 =	vld.idx.msk [tilespmem:v36+s1+$0x0], $0xffff  }
0x233: {  	v19 =	vor.u32 v19, v24;
	v46 =	vadd.s32 $0x2800, v36;
	vm10 =	vlt.u32 v42, $0x1400;
	v47 =	vld.idx.msk [tilespmem:v38+s1+$0x0], $0xffff  }
0x234: {  	v48 =	vadd.s32 $0x2800, v29;
	v49 =	vadd.s32 $0x2800, v31;
	v24 =	vadd.s32 $0x2800, v25;
	[tilespmem:v9+s22+$0x0] =	vst.idx.add.f32.msk vm11, v12  }
0x235: {  	v50 =	vadd.s32 $0x2800, v38;
	v9 =	vadd.s32 $0x2800, v15;
	v12 =	vadd.s32 $0x2800, v16;
	[tilespmem:v8+s22+$0x0] =	vst.idx.add.f32.msk vm8, v13  }
0x236: {  	v8 =	vnsel vm1, $0x0, v39;
	v13 =	vnsel vm0, $0x0, v26;
	v26 =	vnsel vm7, $0x0, v30;
	[tilespmem:v7+s22+$0x0] =	vst.idx.add.f32.msk vm5, v14  }
0x237: {  	v7 =	vnsel vm6, $0x0, v32;
	v14 =	vnsel vm4, $0x0, v18;
	v18 =	vnsel vm9, $0x0, v41;
	[tilespmem:v45+s22+$0x0] =	vst.idx.add.f32.msk vm12, v17  }
0x238: {  	v24 =	vand.u32 $0x7FF8, v24;
	v30 =	vnsel vm10, $0x0, v42;
	v17 =	vand.u32 $0x7FF8, v46;
	v19 =	vld.idx.msk [tilespmem:v19+s1+$0x0], $0xffff  }
0x239: {  	v33 =	vadd.s32 $0x2800, v33;
	v39 =	vand.u32 $0x7FF8, v49;
	v32 =	vand.u32 $0x7FF8, v48;
	[tilespmem:v5+s22+$0x0] =	vst.idx.add.f32.msk vm3, v10  }
0x23a: {  	v5 =	vand.u32 $0x7FF8, v9;
	v9 =	vand.u32 $0x7FF8, v12;
	v10 =	vand.u32 $0x7FF8, v50;
	[tilespmem:v4+s22+$0x0] =	vst.idx.add.f32.msk vm2, v11  }
0x23b: {  	v12 =	vand.u32 $0x7, v21;
	v4 =	vand.u32 $0x7, v28;
	v11 =	vand.u32 $0x7, v20;
	[tilespmem:v8+s22+$0x0] =	vst.idx.add.f32.msk vm1, v34  }
0x23c: {  	v21 =	vand.u32 $0x7, v23;
	v20 =	vand.u32 $0x7, v22;
	v22 =	vand.u32 $0x7, v27;
	[tilespmem:v13+s22+$0x0] =	vst.idx.add.f32.msk vm0, v35  }
0x23d: {  	v24 =	vor.u32 v6, v24;
	v23 =	vadd.s32 $0x5000, v36;
	v17 =	vor.u32 v4, v17;
	[tilespmem:v26+s22+$0x0] =	vst.idx.add.f32.msk vm7, v37  }
0x23e: {  	s3 =	simm.s32 $0x0;
	v25 =	vadd.s32 $0x5000, v25;
	v28 =	vor.u32 v12, v39;
	v27 =	vor.u32 v11, v32;
	[tilespmem:v33+s22+$0x0] =	vst.idx.add.f32.msk vm12, v19  }
0x23f: {  	v9 =	vor.u32 v21, v9;
	v5 =	vor.u32 v20, v5;
	v19 =	vadd.s32 $0x5000, v29;
	[tilespmem:v7+s22+$0x0] =	vst.idx.add.f32.msk vm6, v40  }
0x240: {  	v15 =	vadd.s32 $0x5000, v15;
	v10 =	vor.u32 v22, v10;
	v29 =	vadd.s32 $0x5000, v31;
	[tilespmem:v14+s22+$0x0] =	vst.idx.add.f32.msk vm4, v43  }
0x241: {  	v16 =	vadd.s32 $0x5000, v16;
	v32 =	vadd.s32 $0x5000, v38;
	v31 =	vadd.s32 $0x1400, v8;
	[tilespmem:v18+s22+$0x0] =	vst.idx.add.f32.msk vm9, v44  }
0x242: {  	v34 =	vadd.s32 $0x1400, v26;
	v35 =	vadd.s32 $0x1400, v7;
	v33 =	vadd.s32 $0x1400, v13;
	[tilespmem:v30+s22+$0x0] =	vst.idx.add.f32.msk vm10, v47  }
0x243: {  	v36 =	vadd.s32 $0x1400, v14;
	v38 =	vadd.s32 $0x1400, v30;
	v37 =	vadd.s32 $0x1400, v18;
	v17 =	vld.idx.msk [tilespmem:v17+s1+$0x0], $0xffff  }
0x244: {  	v25 =	vand.u32 $0xFFF8, v25;
	v23 =	vand.u32 $0xFFF8, v23;
	v19 =	vand.u32 $0xFFF8, v19;
	v24 =	vld.idx.msk [tilespmem:v24+s1+$0x0], $0xffff  }
0x245: {  	v15 =	vand.u32 $0xFFF8, v15;
	v16 =	vand.u32 $0xFFF8, v16;
	v29 =	vand.u32 $0xFFF8, v29;
	v27 =	vld.idx.msk [tilespmem:v27+s1+$0x0], $0xffff  }
0x246: {  	v6 =	vor.u32 v6, v25;
	v23 =	vor.u32 v4, v23;
	v4 =	vand.u32 $0xFFF8, v32;
	v25 =	vld.idx.msk [tilespmem:v28+s1+$0x0], $0xffff  }
0x247: {  	v20 =	vor.u32 v20, v15;
	v11 =	vor.u32 v11, v19;
	v19 =	vor.u32 v12, v29;
	v12 =	vld.idx.msk [tilespmem:v5+s1+$0x0], $0xffff  }
0x248: {  	v21 =	vor.u32 v21, v16;
	v15 =	vadd.s32 $0x2800, v8;
	v22 =	vor.u32 v22, v4;
	v28 =	vld.idx.msk [tilespmem:v9+s1+$0x0], $0xffff  }
0x249: {  	v16 =	vadd.s32 $0x2800, v13;
	v8 =	vadd.s32 $0x2800, v7;
	v9 =	vadd.s32 $0x2800, v26;
	v10 =	vld.idx.msk [tilespmem:v10+s1+$0x0], $0xffff  }
0x24a: {  	v4 =	vadd.s32 $0x2800, v30;
	v7 =	vadd.s32 $0x2800, v14;
	v5 =	vadd.s32 $0x2800, v18;
	[tilespmem:v31+s22+$0x0] =	vst.idx.add.f32.msk vm1, v17  }
0x24b: {  	vm11 =	vmmov vm7;
	vm8 =	vmmov vm6;
	vm5 =	vmmov vm4;
	[tilespmem:v33+s22+$0x0] =	vst.idx.add.f32.msk vm0, v24  }
0x24c: {  	vm3 =	vmmov vm9;
	vm2 =	vmmov vm10;
	[tilespmem:v34+s22+$0x0] =	vst.idx.add.f32.msk vm7, v27  }
0x24d: {  	[tilespmem:v35+s22+$0x0] =	vst.idx.add.f32.msk vm6, v25  }
0x24e: {  	[tilespmem:v36+s22+$0x0] =	vst.idx.add.f32.msk vm4, v12  }
0x24f: {  	[tilespmem:v37+s22+$0x0] =	vst.idx.add.f32.msk vm9, v28  }
0x250: {  	[tilespmem:v38+s22+$0x0] =	vst.idx.add.f32.msk vm10, v10  }
0x251: {  	v18 =	vld.idx.msk [tilespmem:v23+s1+$0x0], $0xffff  }
0x252: {  	v17 =	vld.idx.msk [tilespmem:v6+s1+$0x0], $0xffff  }
.Ltmp15:
0x253: {  	v12 =	vld.idx.msk [tilespmem:v11+s1+$0x0], $0xffff;
	(pc) =	sbr.rel @p0 .LBB2_32-.Ltmp15, $4  }
0x254: {  	v13 =	vld.idx.msk [tilespmem:v19+s1+$0x0], $0xffff  }
0x255: {  	v14 =	vld.idx.msk [tilespmem:v20+s1+$0x0], $0xffff  }
0x256: {  	v10 =	vld.idx.msk [tilespmem:v21+s1+$0x0], $0xffff  }
0x257: {  	s2 =	sadd.s32 $0x80, s2;
	v11 =	vld.idx.msk [tilespmem:v22+s1+$0x0], $0xffff  }
0x258: {  	_ =	sdelay $0x4  }
0x259: {  	[tilespmem:v15+s22+$0x0] =	vst.idx.add.f32.msk vm1, v18  }
0x25a: {  	[tilespmem:v16+s22+$0x0] =	vst.idx.add.f32.msk vm0, v17  }
0x25b: {  	[tilespmem:v9+s22+$0x0] =	vst.idx.add.f32.msk vm11, v12  }
0x25c: {  	[tilespmem:v8+s22+$0x0] =	vst.idx.add.f32.msk vm8, v13  }
0x25d: {  	[tilespmem:v7+s22+$0x0] =	vst.idx.add.f32.msk vm5, v14  }
0x25e: {  	[tilespmem:v5+s22+$0x0] =	vst.idx.add.f32.msk vm3, v10  }
0x25f: {  	[tilespmem:v4+s22+$0x0] =	vst.idx.add.f32.msk vm2, v11  }
.LBB2_34:
0x260: {  	s0 =	sshra.s32 s3, $0x2  }
0x261: {  	v4 =	vld [tilespmem:s0+$0xF80];
	_ =	sdelay $0x4  }
0x262: {  	v5 =	vand.u32 $0x3FFF, v4;
	_ =	sdelay $0x1  }
0x263: {  	v6 =	vshrl.u32 v4, $0xE  }
0x264: {  	v6 =	vsub.s32 v6, v0  }
0x265: {  	v7 =	vadd.s32 $0x2800, v5;
	vm0 =	vlt.u32 v6, $0x1400  }
0x266: {  	v4 =	vand.u32 $0x7, v4;
	v7 =	vand.u32 $0x7FF8, v7;
	v6 =	vnsel vm0, $0x0, v6;
	v8 =	vld.idx.msk [tilespmem:v5+s1+$0x0], $0xffff  }
0x267: {  	v7 =	vor.u32 v4, v7;
	_ =	sdelay $0x3  }
0x268: {  	v5 =	vadd.s32 $0x5000, v5;
	[tilespmem:v6+s22+$0x0] =	vst.idx.add.f32.msk vm0, v8  }
0x269: {  	v63 =	vadd.s32 $0x1400, v6;
	v5 =	vand.u32 $0xFFF8, v5;
	v7 =	vld.idx.msk [tilespmem:v7+s1+$0x0], $0xffff  }
0x26a: {  	v4 =	vor.u32 v4, v5;
	_ =	sdelay $0x3  }
0x26b: {  	[tilespmem:v63+s22+$0x0] =	vst.idx.add.f32.msk vm0, v7  }
0x26c: {  	p0 =	sne.s32 s3, $0x40;
	v5 =	vadd.s32 $0x2800, v6;
	v4 =	vld.idx.msk [tilespmem:v4+s1+$0x0], $0xffff  }
.Ltmp16:
0x26d: {  	_ = 	snop;
	(pc) =	sbr.rel @p0 .LBB2_34-.Ltmp16, $2  }
0x26e: {  	_ =	sdelay $0x2  }
0x26f: {  	s3 =	sadd.s32 $0x40, s3;
	[tilespmem:v5+s22+$0x0] =	vst.idx.add.f32.msk vm0, v4  }
0x270: {  	[tilespmem:s5], [sflag:$0x1] =	stream.linear.gather [hbm4b:s12+s5], $0xFA0, $0x38;
	[tilespmem:$0x12440] =	vst v63  }
0x271: {  	_ =	swait.ge [sflag:s31], $0xFA0  }
0x272: {  	[sflag:s31] =	ssyncset.done $0x0  }
0x273: {  	s0 =	simm.s32 $0xFE0;
	[sflag:s31] =	ssyncadd.s32 $0xFFFFF060  }
0x274: {  	v4 =	vld [tilespmem:s0+$0x30]  }
0x275: {  	v5 =	vld [tilespmem:s0+$0xFFFFFFD0]  }
0x276: {  	v6 =	vld [tilespmem:s0+$0xFFFFFFE0]  }
0x277: {  	v7 =	vld [tilespmem:s0+$0xFFFFFFF0]  }
0x278: {  	v9 =	vld [tilespmem:s0+$0x0]  }
0x279: {  	v10 =	vld [tilespmem:s0+$0x10]  }
0x27a: {  	v14 =	vld [tilespmem:s0+$0xFFFFFFC0];
	v8 =	vand.u32 $0x3FFF, v4  }
0x27b: {  	v13 =	vld [tilespmem:s0+$0x20];
	v12 =	vand.u32 $0x3FFF, v5  }
0x27c: {  	v11 =	vshrl.u32 v4, $0xE;
	v15 =	vand.u32 $0x3FFF, v6;
	v4 =	vand.u32 $0x7, v4  }
0x27d: {  	v18 =	vshrl.u32 v5, $0xE;
	v5 =	vand.u32 $0x7, v5;
	v20 =	vand.u32 $0x3FFF, v7  }
0x27e: {  	v19 =	vshrl.u32 v6, $0xE;
	v21 =	vshrl.u32 v7, $0xE;
	v22 =	vand.u32 $0x3FFF, v9  }
0x27f: {  	v23 =	vshrl.u32 v9, $0xE;
	v25 =	vand.u32 $0x3FFF, v10;
	v26 =	vand.u32 $0x3FFF, v14;
	v17 =	vld.idx.msk [tilespmem:v8+s1+$0x0], $0xffff  }
0x280: {  	v28 =	vand.u32 $0x3FFF, v13;
	v29 =	vshrl.u32 v14, $0xE;
	v11 =	vsub.s32 v11, v0;
	v24 =	vld.idx.msk [tilespmem:v12+s1+$0x0], $0xffff  }
0x281: {  	v30 =	vshrl.u32 v10, $0xE;
	v16 =	vadd.s32 $0x2800, v8;
	vm5 =	vlt.u32 v11, $0x1400;
	v27 =	vld.idx.msk [tilespmem:v15+s1+$0x0], $0xffff  }
0x282: {  	v29 =	vsub.s32 v29, v0;
	v16 =	vand.u32 $0x7FF8, v16;
	v11 =	vnsel vm5, $0x0, v11;
	v32 =	vld.idx.msk [tilespmem:v20+s1+$0x0], $0xffff  }
0x283: {  	v18 =	vsub.s32 v18, v0;
	vm1 =	vlt.u32 v29, $0x1400;
	v16 =	vor.u32 v4, v16;
	v50 =	vld.idx.msk [tilespmem:v22+s1+$0x0], $0xffff  }
0x284: {  	v19 =	vsub.s32 v19, v0;
	vm0 =	vlt.u32 v18, $0x1400;
	v29 =	vnsel vm1, $0x0, v29;
	v33 =	vld.idx.msk [tilespmem:v26+s1+$0x0], $0xffff  }
0x285: {  	v23 =	vsub.s32 v23, v0;
	vm3 =	vlt.u32 v19, $0x1400;
	v35 =	vnsel vm0, $0x0, v18;
	v34 =	vld.idx.msk [tilespmem:v25+s1+$0x0], $0xffff  }
0x286: {  	v7 =	vand.u32 $0x7, v7;
	vm2 =	vlt.u32 v23, $0x1400;
	v19 =	vnsel vm3, $0x0, v19;
	v18 =	vld.idx.msk [tilespmem:v28+s1+$0x0], $0xffff  }
0x287: {  	v9 =	vand.u32 $0x7, v9;
	v23 =	vnsel vm2, $0x0, v23;
	v8 =	vadd.s32 $0x5000, v8;
	[tilespmem:v11+s22+$0x0] =	vst.idx.add.f32.msk vm5, v17  }
0x288: {  	v52 =	vadd.s32 $0x2800, v22;
	v31 =	vadd.s32 $0x1400, v11;
	v8 =	vand.u32 $0xFFF8, v8;
	v16 =	vld.idx.msk [tilespmem:v16+s1+$0x0], $0xffff  }
0x289: {  	v30 =	vsub.s32 v30, v0;
	v56 =	vand.u32 $0x7FF8, v52;
	v4 =	vor.u32 v4, v8;
	[tilespmem:v29+s22+$0x0] =	vst.idx.add.f32.msk vm1, v33  }
0x28a: {  	vm6 =	vlt.u32 v30, $0x1400;
	v8 =	vsub.s32 v21, v0;
	v21 =	vor.u32 v9, v56;
	[tilespmem:v35+s22+$0x0] =	vst.idx.add.f32.msk vm0, v24  }
0x28b: {  	v37 =	vadd.s32 $0x2800, v20;
	v30 =	vnsel vm6, $0x0, v30;
	vm4 =	vlt.u32 v8, $0x1400;
	[tilespmem:v19+s22+$0x0] =	vst.idx.add.f32.msk vm3, v27  }
0x28c: {  	v55 =	vand.u32 $0x7FF8, v37;
	v8 =	vnsel vm4, $0x0, v8;
	v17 =	vshrl.u32 v13, $0xE;
	[tilespmem:v23+s22+$0x0] =	vst.idx.add.f32.msk vm2, v50  }
0x28d: {  	v14 =	vand.u32 $0x7, v14;
	v27 =	vor.u32 v7, v55;
	v17 =	vsub.s32 v17, v0;
	[tilespmem:v31+s22+$0x0] =	vst.idx.add.f32.msk vm5, v16  }
0x28e: {  	v6 =	vand.u32 $0x7, v6;
	v11 =	vadd.s32 $0x2800, v11;
	vm7 =	vlt.u32 v17, $0x1400;
	v4 =	vld.idx.msk [tilespmem:v4+s1+$0x0], $0xffff  }
0x28f: {  	v62 =	vadd.s32 $0x1400, v23;
	v21 =	vld.idx.msk [tilespmem:v21+s1+$0x0], $0xffff;
	v53 =	vnsel vm7, $0x0, v17;
	v17 =	vadd.s32 $0x2800, v28  }
0x290: {  	[tilespmem:v30+s22+$0x0] =	vst.idx.add.f32.msk vm6, v34;
	v13 =	vand.u32 $0x7, v13;
	v17 =	vand.u32 $0x7FF8, v17;
	v16 =	vadd.s32 $0x2800, v26  }
0x291: {  	v51 =	vadd.s32 $0x2800, v12;
	[tilespmem:v8+s22+$0x0] =	vst.idx.add.f32.msk vm4, v32;
	v17 =	vor.u32 v13, v17;
	v16 =	vand.u32 $0x7FF8, v16  }
0x292: {  	v36 =	vadd.s32 $0x2800, v15;
	v54 =	vand.u32 $0x7FF8, v51;
	v27 =	vld.idx.msk [tilespmem:v27+s1+$0x0], $0xffff;
	v16 =	vor.u32 v14, v16  }
0x293: {  	v38 =	vadd.s32 $0x2800, v25;
	[tilespmem:v11+s22+$0x0] =	vst.idx.add.f32.msk vm5, v4;
	v4 =	vand.u32 $0x7FF8, v36;
	v11 =	vor.u32 v5, v54  }
0x294: {  	v10 =	vand.u32 $0x7, v10;
	v57 =	vand.u32 $0x7FF8, v38;
	[tilespmem:v62+s22+$0x0] =	vst.idx.add.f32.msk vm2, v21;
	v4 =	vor.u32 v6, v4  }
0x295: {  	[tilespmem:v53+s22+$0x0] =	vst.idx.add.f32.msk vm7, v18;
	v18 =	vor.u32 v10, v57  }
0x296: {  	v61 =	vadd.s32 $0x1400, v8;
	v17 =	vld.idx.msk [tilespmem:v17+s1+$0x0], $0xffff  }
0x297: {  	v58 =	vadd.s32 $0x1400, v29;
	v16 =	vld.idx.msk [tilespmem:v16+s1+$0x0], $0xffff  }
0x298: {  	v59 =	vadd.s32 $0x1400, v35;
	v11 =	vld.idx.msk [tilespmem:v11+s1+$0x0], $0xffff  }
0x299: {  	v60 =	vadd.s32 $0x1400, v19;
	v26 =	vadd.s32 $0x5000, v26;
	v4 =	vld.idx.msk [tilespmem:v4+s1+$0x0], $0xffff  }
0x29a: {  	v63 =	vadd.s32 $0x1400, v30;
	v12 =	vadd.s32 $0x5000, v12;
	v26 =	vand.u32 $0xFFF8, v26;
	v18 =	vld.idx.msk [tilespmem:v18+s1+$0x0], $0xffff  }
0x29b: {  	v12 =	vand.u32 $0xFFF8, v12;
	v14 =	vor.u32 v14, v26;
	[tilespmem:v61+s22+$0x0] =	vst.idx.add.f32.msk vm4, v27  }
0x29c: {  	v5 =	vor.u32 v5, v12;
	v12 =	vadd.s32 $0x5000, v22;
	[tilespmem:v58+s22+$0x0] =	vst.idx.add.f32.msk vm1, v16;
	v16 =	vadd.s32 $0x1400, v53  }
0x29d: {  	v12 =	vand.u32 $0xFFF8, v12;
	[tilespmem:v59+s22+$0x0] =	vst.idx.add.f32.msk vm0, v11;
	v11 =	vadd.s32 $0x5000, v15  }
0x29e: {  	[tilespmem:v60+s22+$0x0] =	vst.idx.add.f32.msk vm3, v4;
	v4 =	vadd.s32 $0x5000, v20;
	v11 =	vand.u32 $0xFFF8, v11;
	v20 =	vor.u32 v9, v12  }
0x29f: {  	[tilespmem:v63+s22+$0x0] =	vst.idx.add.f32.msk vm6, v18;
	v4 =	vand.u32 $0xFFF8, v4;
	v6 =	vor.u32 v6, v11;
	v11 =	vadd.s32 $0x5000, v25  }
0x2a0: {  	v18 =	vld.idx.msk [tilespmem:v14+s1+$0x0], $0xffff;
	v4 =	vor.u32 v7, v4;
	v7 =	vadd.s32 $0x5000, v28;
	v11 =	vand.u32 $0xFFF8, v11  }
0x2a1: {  	[tilespmem:v16+s22+$0x0] =	vst.idx.add.f32.msk vm7, v17;
	v7 =	vand.u32 $0xFFF8, v7;
	v10 =	vor.u32 v10, v11  }
0x2a2: {  	v17 =	vld.idx.msk [tilespmem:v5+s1+$0x0], $0xffff;
	v11 =	vor.u32 v13, v7  }
0x2a3: {  	v14 =	vld.idx.msk [tilespmem:v20+s1+$0x0], $0xffff  }
0x2a4: {  	vm11 =	vmmov vm3;
	vm8 =	vmmov vm4;
	v8 =	vadd.s32 $0x2800, v8;
	v12 =	vld.idx.msk [tilespmem:v6+s1+$0x0], $0xffff  }
0x2a5: {  	vm5 =	vmmov vm2;
	vm2 =	vmmov vm7;
	v15 =	vadd.s32 $0x2800, v29;
	v13 =	vld.idx.msk [tilespmem:v4+s1+$0x0], $0xffff  }
0x2a6: {  	v16 =	vadd.s32 $0x2800, v35;
	v9 =	vadd.s32 $0x2800, v19;
	v5 =	vadd.s32 $0x2800, v30;
	v10 =	vld.idx.msk [tilespmem:v10+s1+$0x0], $0xffff  }
0x2a7: {  	s2 =	simm.s32 $0x1060;
	s0 =	simm.s32 $0x0;
	vm3 =	vmmov vm6;
	v7 =	vadd.s32 $0x2800, v23;
	v4 =	vadd.s32 $0x2800, v53;
	v11 =	vld.idx.msk [tilespmem:v11+s1+$0x0], $0xffff  }
.LBB2_36:
0x2a8: {  	v19 =	vld [tilespmem:s2+$0x30];
	s0 =	sadd.s32 $0x8, s0  }
0x2a9: {  	v6 =	vld [tilespmem:s2+$0xFFFFFFD0];
	p0 =	slt.u32 s0, $0xF0  }
0x2aa: {  	v20 =	vld [tilespmem:s2+$0xFFFFFFE0]  }
0x2ab: {  	v21 =	vld [tilespmem:s2+$0xFFFFFFF0]  }
0x2ac: {  	v22 =	vld [tilespmem:s2+$0x0]  }
0x2ad: {  	v23 =	vld [tilespmem:s2+$0x10];
	v24 =	vand.u32 $0x3FFF, v19  }
0x2ae: {  	v25 =	vand.u32 $0x3FFF, v6;
	v26 =	vshrl.u32 v6, $0xE;
	v6 =	vand.u32 $0x7, v6;
	v27 =	vld [tilespmem:s2+$0x20]  }
0x2af: {  	v28 =	vld [tilespmem:s2+$0xFFFFFFC0];
	v26 =	vsub.s32 v26, v0;
	v29 =	vand.u32 $0x3FFF, v20;
	v30 =	vshrl.u32 v20, $0xE  }
0x2b0: {  	v33 =	vshrl.u32 v19, $0xE;
	v31 =	vand.u32 $0x3FFF, v21;
	v32 =	vshrl.u32 v21, $0xE;
	[tilespmem:v15+s22+$0x0] =	vst.idx.add.f32.msk vm1, v18  }
0x2b1: {  	v33 =	vsub.s32 v33, v0;
	v15 =	vand.u32 $0x3FFF, v22;
	v18 =	vshrl.u32 v22, $0xE;
	[tilespmem:v16+s22+$0x0] =	vst.idx.add.f32.msk vm0, v17  }
0x2b2: {  	v34 =	vadd.s32 $0x2800, v24;
	vm12 =	vlt.u32 v33, $0x1400;
	v16 =	vand.u32 $0x3FFF, v23;
	v17 =	vld.idx.msk [tilespmem:v24+s1+$0x0], $0xffff  }
0x2b3: {  	v19 =	vand.u32 $0x7, v19;
	v34 =	vand.u32 $0x7FF8, v34;
	v33 =	vnsel vm12, $0x0, v33;
	v35 =	vld.idx.msk [tilespmem:v25+s1+$0x0], $0xffff  }
0x2b4: {  	v34 =	vor.u32 v19, v34;
	v38 =	vand.u32 $0x3FFF, v27;
	v36 =	vand.u32 $0x3FFF, v28;
	v37 =	vld.idx.msk [tilespmem:v29+s1+$0x0], $0xffff  }
0x2b5: {  	v41 =	vshrl.u32 v23, $0xE;
	v42 =	vshrl.u32 v27, $0xE;
	v39 =	vshrl.u32 v28, $0xE;
	v40 =	vld.idx.msk [tilespmem:v31+s1+$0x0], $0xffff  }
0x2b6: {  	v30 =	vsub.s32 v30, v0;
	v32 =	vsub.s32 v32, v0;
	v39 =	vsub.s32 v39, v0;
	v43 =	vld.idx.msk [tilespmem:v15+s1+$0x0], $0xffff  }
0x2b7: {  	v18 =	vsub.s32 v18, v0;
	v41 =	vsub.s32 v41, v0;
	v42 =	vsub.s32 v42, v0;
	v44 =	vld.idx.msk [tilespmem:v16+s1+$0x0], $0xffff  }
0x2b8: {  	vm0 =	vlt.u32 v26, $0x1400;
	vm7 =	vlt.u32 v30, $0x1400;
	vm1 =	vlt.u32 v39, $0x1400;
	[tilespmem:v33+s22+$0x0] =	vst.idx.add.f32.msk vm12, v17  }
0x2b9: {  	vm6 =	vlt.u32 v32, $0x1400;
	v24 =	vadd.s32 $0x5000, v24;
	vm4 =	vlt.u32 v18, $0x1400;
	v17 =	vld.idx.msk [tilespmem:v34+s1+$0x0], $0xffff  }
0x2ba: {  	v45 =	vadd.s32 $0x1400, v33;
	v24 =	vand.u32 $0xFFF8, v24;
	vm9 =	vlt.u32 v41, $0x1400;
	v34 =	vld.idx.msk [tilespmem:v36+s1+$0x0], $0xffff  }
0x2bb: {  	v19 =	vor.u32 v19, v24;
	v46 =	vadd.s32 $0x2800, v36;
	vm10 =	vlt.u32 v42, $0x1400;
	v47 =	vld.idx.msk [tilespmem:v38+s1+$0x0], $0xffff  }
0x2bc: {  	v48 =	vadd.s32 $0x2800, v29;
	v49 =	vadd.s32 $0x2800, v31;
	v24 =	vadd.s32 $0x2800, v25;
	[tilespmem:v9+s22+$0x0] =	vst.idx.add.f32.msk vm11, v12  }
0x2bd: {  	v50 =	vadd.s32 $0x2800, v38;
	v9 =	vadd.s32 $0x2800, v15;
	v12 =	vadd.s32 $0x2800, v16;
	[tilespmem:v8+s22+$0x0] =	vst.idx.add.f32.msk vm8, v13  }
0x2be: {  	v8 =	vnsel vm1, $0x0, v39;
	v13 =	vnsel vm0, $0x0, v26;
	v26 =	vnsel vm7, $0x0, v30;
	[tilespmem:v7+s22+$0x0] =	vst.idx.add.f32.msk vm5, v14  }
0x2bf: {  	v7 =	vnsel vm6, $0x0, v32;
	v14 =	vnsel vm4, $0x0, v18;
	v18 =	vnsel vm9, $0x0, v41;
	[tilespmem:v45+s22+$0x0] =	vst.idx.add.f32.msk vm12, v17  }
0x2c0: {  	v24 =	vand.u32 $0x7FF8, v24;
	v30 =	vnsel vm10, $0x0, v42;
	v17 =	vand.u32 $0x7FF8, v46;
	v19 =	vld.idx.msk [tilespmem:v19+s1+$0x0], $0xffff  }
0x2c1: {  	v33 =	vadd.s32 $0x2800, v33;
	v39 =	vand.u32 $0x7FF8, v49;
	v32 =	vand.u32 $0x7FF8, v48;
	[tilespmem:v5+s22+$0x0] =	vst.idx.add.f32.msk vm3, v10  }
0x2c2: {  	v5 =	vand.u32 $0x7FF8, v9;
	v9 =	vand.u32 $0x7FF8, v12;
	v10 =	vand.u32 $0x7FF8, v50;
	[tilespmem:v4+s22+$0x0] =	vst.idx.add.f32.msk vm2, v11  }
0x2c3: {  	v12 =	vand.u32 $0x7, v21;
	v4 =	vand.u32 $0x7, v28;
	v11 =	vand.u32 $0x7, v20;
	[tilespmem:v8+s22+$0x0] =	vst.idx.add.f32.msk vm1, v34  }
0x2c4: {  	v21 =	vand.u32 $0x7, v23;
	v20 =	vand.u32 $0x7, v22;
	v22 =	vand.u32 $0x7, v27;
	[tilespmem:v13+s22+$0x0] =	vst.idx.add.f32.msk vm0, v35  }
0x2c5: {  	v24 =	vor.u32 v6, v24;
	v23 =	vadd.s32 $0x5000, v36;
	v17 =	vor.u32 v4, v17;
	[tilespmem:v26+s22+$0x0] =	vst.idx.add.f32.msk vm7, v37  }
0x2c6: {  	s3 =	simm.s32 $0x0;
	v25 =	vadd.s32 $0x5000, v25;
	v28 =	vor.u32 v12, v39;
	v27 =	vor.u32 v11, v32;
	[tilespmem:v33+s22+$0x0] =	vst.idx.add.f32.msk vm12, v19  }
0x2c7: {  	v9 =	vor.u32 v21, v9;
	v5 =	vor.u32 v20, v5;
	v19 =	vadd.s32 $0x5000, v29;
	[tilespmem:v7+s22+$0x0] =	vst.idx.add.f32.msk vm6, v40  }
0x2c8: {  	v15 =	vadd.s32 $0x5000, v15;
	v10 =	vor.u32 v22, v10;
	v29 =	vadd.s32 $0x5000, v31;
	[tilespmem:v14+s22+$0x0] =	vst.idx.add.f32.msk vm4, v43  }
0x2c9: {  	v16 =	vadd.s32 $0x5000, v16;
	v32 =	vadd.s32 $0x5000, v38;
	v31 =	vadd.s32 $0x1400, v8;
	[tilespmem:v18+s22+$0x0] =	vst.idx.add.f32.msk vm9, v44  }
0x2ca: {  	v34 =	vadd.s32 $0x1400, v26;
	v35 =	vadd.s32 $0x1400, v7;
	v33 =	vadd.s32 $0x1400, v13;
	[tilespmem:v30+s22+$0x0] =	vst.idx.add.f32.msk vm10, v47  }
0x2cb: {  	v36 =	vadd.s32 $0x1400, v14;
	v38 =	vadd.s32 $0x1400, v30;
	v37 =	vadd.s32 $0x1400, v18;
	v17 =	vld.idx.msk [tilespmem:v17+s1+$0x0], $0xffff  }
0x2cc: {  	v25 =	vand.u32 $0xFFF8, v25;
	v23 =	vand.u32 $0xFFF8, v23;
	v19 =	vand.u32 $0xFFF8, v19;
	v24 =	vld.idx.msk [tilespmem:v24+s1+$0x0], $0xffff  }
0x2cd: {  	v15 =	vand.u32 $0xFFF8, v15;
	v16 =	vand.u32 $0xFFF8, v16;
	v29 =	vand.u32 $0xFFF8, v29;
	v27 =	vld.idx.msk [tilespmem:v27+s1+$0x0], $0xffff  }
0x2ce: {  	v6 =	vor.u32 v6, v25;
	v23 =	vor.u32 v4, v23;
	v4 =	vand.u32 $0xFFF8, v32;
	v25 =	vld.idx.msk [tilespmem:v28+s1+$0x0], $0xffff  }
0x2cf: {  	v20 =	vor.u32 v20, v15;
	v11 =	vor.u32 v11, v19;
	v19 =	vor.u32 v12, v29;
	v12 =	vld.idx.msk [tilespmem:v5+s1+$0x0], $0xffff  }
0x2d0: {  	v21 =	vor.u32 v21, v16;
	v15 =	vadd.s32 $0x2800, v8;
	v22 =	vor.u32 v22, v4;
	v28 =	vld.idx.msk [tilespmem:v9+s1+$0x0], $0xffff  }
0x2d1: {  	v16 =	vadd.s32 $0x2800, v13;
	v8 =	vadd.s32 $0x2800, v7;
	v9 =	vadd.s32 $0x2800, v26;
	v10 =	vld.idx.msk [tilespmem:v10+s1+$0x0], $0xffff  }
0x2d2: {  	v4 =	vadd.s32 $0x2800, v30;
	v7 =	vadd.s32 $0x2800, v14;
	v5 =	vadd.s32 $0x2800, v18;
	[tilespmem:v31+s22+$0x0] =	vst.idx.add.f32.msk vm1, v17  }
0x2d3: {  	vm11 =	vmmov vm7;
	vm8 =	vmmov vm6;
	vm5 =	vmmov vm4;
	[tilespmem:v33+s22+$0x0] =	vst.idx.add.f32.msk vm0, v24  }
0x2d4: {  	vm3 =	vmmov vm9;
	vm2 =	vmmov vm10;
	[tilespmem:v34+s22+$0x0] =	vst.idx.add.f32.msk vm7, v27  }
0x2d5: {  	[tilespmem:v35+s22+$0x0] =	vst.idx.add.f32.msk vm6, v25  }
0x2d6: {  	[tilespmem:v36+s22+$0x0] =	vst.idx.add.f32.msk vm4, v12  }
0x2d7: {  	[tilespmem:v37+s22+$0x0] =	vst.idx.add.f32.msk vm9, v28  }
0x2d8: {  	[tilespmem:v38+s22+$0x0] =	vst.idx.add.f32.msk vm10, v10  }
0x2d9: {  	v18 =	vld.idx.msk [tilespmem:v23+s1+$0x0], $0xffff  }
0x2da: {  	v17 =	vld.idx.msk [tilespmem:v6+s1+$0x0], $0xffff  }
.Ltmp17:
0x2db: {  	v12 =	vld.idx.msk [tilespmem:v11+s1+$0x0], $0xffff;
	(pc) =	sbr.rel @p0 .LBB2_36-.Ltmp17, $4  }
0x2dc: {  	v13 =	vld.idx.msk [tilespmem:v19+s1+$0x0], $0xffff  }
0x2dd: {  	v14 =	vld.idx.msk [tilespmem:v20+s1+$0x0], $0xffff  }
0x2de: {  	v10 =	vld.idx.msk [tilespmem:v21+s1+$0x0], $0xffff  }
0x2df: {  	s2 =	sadd.s32 $0x80, s2;
	v11 =	vld.idx.msk [tilespmem:v22+s1+$0x0], $0xffff  }
0x2e0: {  	_ =	sdelay $0x4  }
0x2e1: {  	[tilespmem:v15+s22+$0x0] =	vst.idx.add.f32.msk vm1, v18  }
0x2e2: {  	[tilespmem:v16+s22+$0x0] =	vst.idx.add.f32.msk vm0, v17  }
0x2e3: {  	[tilespmem:v9+s22+$0x0] =	vst.idx.add.f32.msk vm11, v12  }
0x2e4: {  	[tilespmem:v8+s22+$0x0] =	vst.idx.add.f32.msk vm8, v13  }
0x2e5: {  	[tilespmem:v7+s22+$0x0] =	vst.idx.add.f32.msk vm5, v14  }
0x2e6: {  	[tilespmem:v5+s22+$0x0] =	vst.idx.add.f32.msk vm3, v10  }
0x2e7: {  	[tilespmem:v4+s22+$0x0] =	vst.idx.add.f32.msk vm2, v11  }
.LBB2_38:
0x2e8: {  	s0 =	sshra.s32 s3, $0x2  }
0x2e9: {  	v4 =	vld [tilespmem:s0+$0x1F20];
	_ =	sdelay $0x4  }
0x2ea: {  	v5 =	vand.u32 $0x3FFF, v4;
	_ =	sdelay $0x1  }
0x2eb: {  	v6 =	vshrl.u32 v4, $0xE  }
0x2ec: {  	v6 =	vsub.s32 v6, v0  }
0x2ed: {  	v7 =	vadd.s32 $0x2800, v5;
	vm0 =	vlt.u32 v6, $0x1400  }
0x2ee: {  	v4 =	vand.u32 $0x7, v4;
	v7 =	vand.u32 $0x7FF8, v7;
	v6 =	vnsel vm0, $0x0, v6;
	v8 =	vld.idx.msk [tilespmem:v5+s1+$0x0], $0xffff  }
0x2ef: {  	v7 =	vor.u32 v4, v7;
	_ =	sdelay $0x3  }
0x2f0: {  	v5 =	vadd.s32 $0x5000, v5;
	[tilespmem:v6+s22+$0x0] =	vst.idx.add.f32.msk vm0, v8  }
0x2f1: {  	v63 =	vadd.s32 $0x1400, v6;
	v5 =	vand.u32 $0xFFF8, v5;
	v7 =	vld.idx.msk [tilespmem:v7+s1+$0x0], $0xffff  }
0x2f2: {  	v4 =	vor.u32 v4, v5;
	_ =	sdelay $0x3  }
0x2f3: {  	[tilespmem:v63+s22+$0x0] =	vst.idx.add.f32.msk vm0, v7  }
0x2f4: {  	p0 =	sne.s32 s3, $0x40;
	v5 =	vadd.s32 $0x2800, v6;
	v4 =	vld.idx.msk [tilespmem:v4+s1+$0x0], $0xffff  }
.Ltmp18:
0x2f5: {  	_ = 	snop;
	(pc) =	sbr.rel @p0 .LBB2_38-.Ltmp18, $2  }
0x2f6: {  	_ =	sdelay $0x2  }
0x2f7: {  	s3 =	sadd.s32 $0x40, s3;
	[tilespmem:v5+s22+$0x0] =	vst.idx.add.f32.msk vm0, v4  }
0x2f8: {  	[tilespmem:s28], [sflag:$0x2] =	stream.linear.gather [hbm4b:s13+s5], $0xFA0, $0x38;
	[tilespmem:$0x12440] =	vst v63  }
0x2f9: {  	_ =	swait.ge [sflag:s29], $0xFA0  }
0x2fa: {  	[sflag:s29] =	ssyncset.done $0x0  }
0x2fb: {  	s0 =	simm.s32 $0x40;
	[sflag:s29] =	ssyncadd.s32 $0xFFFFF060  }
0x2fc: {  	v4 =	vld [tilespmem:s0+$0x30]  }
0x2fd: {  	v5 =	vld [tilespmem:s0+$0xFFFFFFD0]  }
0x2fe: {  	v6 =	vld [tilespmem:s0+$0xFFFFFFE0]  }
0x2ff: {  	v7 =	vld [tilespmem:s0+$0xFFFFFFF0]  }
0x300: {  	v9 =	vld [tilespmem:s0+$0x0]  }
0x301: {  	v10 =	vld [tilespmem:s0+$0x10]  }
0x302: {  	v14 =	vld [tilespmem:s0+$0xFFFFFFC0];
	v8 =	vand.u32 $0x3FFF, v4  }
0x303: {  	v13 =	vld [tilespmem:s0+$0x20];
	v12 =	vand.u32 $0x3FFF, v5  }
0x304: {  	v11 =	vshrl.u32 v4, $0xE;
	v15 =	vand.u32 $0x3FFF, v6;
	v4 =	vand.u32 $0x7, v4  }
0x305: {  	v18 =	vshrl.u32 v5, $0xE;
	v5 =	vand.u32 $0x7, v5;
	v20 =	vand.u32 $0x3FFF, v7  }
0x306: {  	v19 =	vshrl.u32 v6, $0xE;
	v21 =	vshrl.u32 v7, $0xE;
	v22 =	vand.u32 $0x3FFF, v9  }
0x307: {  	v23 =	vshrl.u32 v9, $0xE;
	v25 =	vand.u32 $0x3FFF, v10;
	v26 =	vand.u32 $0x3FFF, v14;
	v17 =	vld.idx.msk [tilespmem:v8+s1+$0x0], $0xffff  }
0x308: {  	v28 =	vand.u32 $0x3FFF, v13;
	v29 =	vshrl.u32 v14, $0xE;
	v11 =	vsub.s32 v11, v0;
	v24 =	vld.idx.msk [tilespmem:v12+s1+$0x0], $0xffff  }
0x309: {  	v30 =	vshrl.u32 v10, $0xE;
	v16 =	vadd.s32 $0x2800, v8;
	vm5 =	vlt.u32 v11, $0x1400;
	v27 =	vld.idx.msk [tilespmem:v15+s1+$0x0], $0xffff  }
0x30a: {  	v29 =	vsub.s32 v29, v0;
	v16 =	vand.u32 $0x7FF8, v16;
	v11 =	vnsel vm5, $0x0, v11;
	v32 =	vld.idx.msk [tilespmem:v20+s1+$0x0], $0xffff  }
0x30b: {  	v18 =	vsub.s32 v18, v0;
	vm1 =	vlt.u32 v29, $0x1400;
	v16 =	vor.u32 v4, v16;
	v50 =	vld.idx.msk [tilespmem:v22+s1+$0x0], $0xffff  }
0x30c: {  	v19 =	vsub.s32 v19, v0;
	vm0 =	vlt.u32 v18, $0x1400;
	v29 =	vnsel vm1, $0x0, v29;
	v33 =	vld.idx.msk [tilespmem:v26+s1+$0x0], $0xffff  }
0x30d: {  	v23 =	vsub.s32 v23, v0;
	vm3 =	vlt.u32 v19, $0x1400;
	v35 =	vnsel vm0, $0x0, v18;
	v34 =	vld.idx.msk [tilespmem:v25+s1+$0x0], $0xffff  }
0x30e: {  	v7 =	vand.u32 $0x7, v7;
	vm2 =	vlt.u32 v23, $0x1400;
	v19 =	vnsel vm3, $0x0, v19;
	v18 =	vld.idx.msk [tilespmem:v28+s1+$0x0], $0xffff  }
0x30f: {  	v9 =	vand.u32 $0x7, v9;
	v23 =	vnsel vm2, $0x0, v23;
	v8 =	vadd.s32 $0x5000, v8;
	[tilespmem:v11+s22+$0x0] =	vst.idx.add.f32.msk vm5, v17  }
0x310: {  	v52 =	vadd.s32 $0x2800, v22;
	v31 =	vadd.s32 $0x1400, v11;
	v8 =	vand.u32 $0xFFF8, v8;
	v16 =	vld.idx.msk [tilespmem:v16+s1+$0x0], $0xffff  }
0x311: {  	v30 =	vsub.s32 v30, v0;
	v56 =	vand.u32 $0x7FF8, v52;
	v4 =	vor.u32 v4, v8;
	[tilespmem:v29+s22+$0x0] =	vst.idx.add.f32.msk vm1, v33  }
0x312: {  	vm6 =	vlt.u32 v30, $0x1400;
	v8 =	vsub.s32 v21, v0;
	v21 =	vor.u32 v9, v56;
	[tilespmem:v35+s22+$0x0] =	vst.idx.add.f32.msk vm0, v24  }
0x313: {  	v37 =	vadd.s32 $0x2800, v20;
	v30 =	vnsel vm6, $0x0, v30;
	vm4 =	vlt.u32 v8, $0x1400;
	[tilespmem:v19+s22+$0x0] =	vst.idx.add.f32.msk vm3, v27  }
0x314: {  	v55 =	vand.u32 $0x7FF8, v37;
	v8 =	vnsel vm4, $0x0, v8;
	v17 =	vshrl.u32 v13, $0xE;
	[tilespmem:v23+s22+$0x0] =	vst.idx.add.f32.msk vm2, v50  }
0x315: {  	v14 =	vand.u32 $0x7, v14;
	v27 =	vor.u32 v7, v55;
	v17 =	vsub.s32 v17, v0;
	[tilespmem:v31+s22+$0x0] =	vst.idx.add.f32.msk vm5, v16  }
0x316: {  	v6 =	vand.u32 $0x7, v6;
	v11 =	vadd.s32 $0x2800, v11;
	vm7 =	vlt.u32 v17, $0x1400;
	v4 =	vld.idx.msk [tilespmem:v4+s1+$0x0], $0xffff  }
0x317: {  	v62 =	vadd.s32 $0x1400, v23;
	v21 =	vld.idx.msk [tilespmem:v21+s1+$0x0], $0xffff;
	v53 =	vnsel vm7, $0x0, v17;
	v17 =	vadd.s32 $0x2800, v28  }
0x318: {  	[tilespmem:v30+s22+$0x0] =	vst.idx.add.f32.msk vm6, v34;
	v13 =	vand.u32 $0x7, v13;
	v17 =	vand.u32 $0x7FF8, v17;
	v16 =	vadd.s32 $0x2800, v26  }
0x319: {  	v51 =	vadd.s32 $0x2800, v12;
	[tilespmem:v8+s22+$0x0] =	vst.idx.add.f32.msk vm4, v32;
	v17 =	vor.u32 v13, v17;
	v16 =	vand.u32 $0x7FF8, v16  }
0x31a: {  	v36 =	vadd.s32 $0x2800, v15;
	v54 =	vand.u32 $0x7FF8, v51;
	v27 =	vld.idx.msk [tilespmem:v27+s1+$0x0], $0xffff;
	v16 =	vor.u32 v14, v16  }
0x31b: {  	v38 =	vadd.s32 $0x2800, v25;
	[tilespmem:v11+s22+$0x0] =	vst.idx.add.f32.msk vm5, v4;
	v4 =	vand.u32 $0x7FF8, v36;
	v11 =	vor.u32 v5, v54  }
0x31c: {  	v10 =	vand.u32 $0x7, v10;
	v57 =	vand.u32 $0x7FF8, v38;
	[tilespmem:v62+s22+$0x0] =	vst.idx.add.f32.msk vm2, v21;
	v4 =	vor.u32 v6, v4  }
0x31d: {  	[tilespmem:v53+s22+$0x0] =	vst.idx.add.f32.msk vm7, v18;
	v18 =	vor.u32 v10, v57  }
0x31e: {  	v61 =	vadd.s32 $0x1400, v8;
	v17 =	vld.idx.msk [tilespmem:v17+s1+$0x0], $0xffff  }
0x31f: {  	v58 =	vadd.s32 $0x1400, v29;
	v16 =	vld.idx.msk [tilespmem:v16+s1+$0x0], $0xffff  }
0x320: {  	v59 =	vadd.s32 $0x1400, v35;
	v11 =	vld.idx.msk [tilespmem:v11+s1+$0x0], $0xffff  }
0x321: {  	v60 =	vadd.s32 $0x1400, v19;
	v26 =	vadd.s32 $0x5000, v26;
	v4 =	vld.idx.msk [tilespmem:v4+s1+$0x0], $0xffff  }
0x322: {  	v63 =	vadd.s32 $0x1400, v30;
	v12 =	vadd.s32 $0x5000, v12;
	v26 =	vand.u32 $0xFFF8, v26;
	v18 =	vld.idx.msk [tilespmem:v18+s1+$0x0], $0xffff  }
0x323: {  	v12 =	vand.u32 $0xFFF8, v12;
	v14 =	vor.u32 v14, v26;
	[tilespmem:v61+s22+$0x0] =	vst.idx.add.f32.msk vm4, v27  }
0x324: {  	v5 =	vor.u32 v5, v12;
	v12 =	vadd.s32 $0x5000, v22;
	[tilespmem:v58+s22+$0x0] =	vst.idx.add.f32.msk vm1, v16;
	v16 =	vadd.s32 $0x1400, v53  }
0x325: {  	v12 =	vand.u32 $0xFFF8, v12;
	[tilespmem:v59+s22+$0x0] =	vst.idx.add.f32.msk vm0, v11;
	v11 =	vadd.s32 $0x5000, v15  }
0x326: {  	[tilespmem:v60+s22+$0x0] =	vst.idx.add.f32.msk vm3, v4;
	v4 =	vadd.s32 $0x5000, v20;
	v11 =	vand.u32 $0xFFF8, v11;
	v20 =	vor.u32 v9, v12  }
0x327: {  	[tilespmem:v63+s22+$0x0] =	vst.idx.add.f32.msk vm6, v18;
	v4 =	vand.u32 $0xFFF8, v4;
	v6 =	vor.u32 v6, v11;
	v11 =	vadd.s32 $0x5000, v25  }
0x328: {  	v18 =	vld.idx.msk [tilespmem:v14+s1+$0x0], $0xffff;
	v4 =	vor.u32 v7, v4;
	v7 =	vadd.s32 $0x5000, v28;
	v11 =	vand.u32 $0xFFF8, v11  }
0x329: {  	[tilespmem:v16+s22+$0x0] =	vst.idx.add.f32.msk vm7, v17;
	v7 =	vand.u32 $0xFFF8, v7;
	v10 =	vor.u32 v10, v11  }
0x32a: {  	v17 =	vld.idx.msk [tilespmem:v5+s1+$0x0], $0xffff;
	v11 =	vor.u32 v13, v7  }
0x32b: {  	v14 =	vld.idx.msk [tilespmem:v20+s1+$0x0], $0xffff  }
0x32c: {  	vm11 =	vmmov vm3;
	vm8 =	vmmov vm4;
	v8 =	vadd.s32 $0x2800, v8;
	v12 =	vld.idx.msk [tilespmem:v6+s1+$0x0], $0xffff  }
0x32d: {  	vm5 =	vmmov vm2;
	vm2 =	vmmov vm7;
	v15 =	vadd.s32 $0x2800, v29;
	v13 =	vld.idx.msk [tilespmem:v4+s1+$0x0], $0xffff  }
0x32e: {  	v16 =	vadd.s32 $0x2800, v35;
	v9 =	vadd.s32 $0x2800, v19;
	v5 =	vadd.s32 $0x2800, v30;
	v10 =	vld.idx.msk [tilespmem:v10+s1+$0x0], $0xffff  }
0x32f: {  	s2 =	simm.s32 $0xC0;
	s0 =	simm.s32 $0x0;
	vm3 =	vmmov vm6;
	v7 =	vadd.s32 $0x2800, v23;
	v4 =	vadd.s32 $0x2800, v53;
	v11 =	vld.idx.msk [tilespmem:v11+s1+$0x0], $0xffff  }
.LBB2_40:
0x330: {  	v19 =	vld [tilespmem:s2+$0x30];
	s0 =	sadd.s32 $0x8, s0  }
0x331: {  	v6 =	vld [tilespmem:s2+$0xFFFFFFD0];
	p0 =	slt.u32 s0, $0xF0  }
0x332: {  	v20 =	vld [tilespmem:s2+$0xFFFFFFE0]  }
0x333: {  	v21 =	vld [tilespmem:s2+$0xFFFFFFF0]  }
0x334: {  	v22 =	vld [tilespmem:s2+$0x0]  }
0x335: {  	v23 =	vld [tilespmem:s2+$0x10];
	v24 =	vand.u32 $0x3FFF, v19  }
0x336: {  	v25 =	vand.u32 $0x3FFF, v6;
	v26 =	vshrl.u32 v6, $0xE;
	v6 =	vand.u32 $0x7, v6;
	v27 =	vld [tilespmem:s2+$0x20]  }
0x337: {  	v28 =	vld [tilespmem:s2+$0xFFFFFFC0];
	v26 =	vsub.s32 v26, v0;
	v29 =	vand.u32 $0x3FFF, v20;
	v30 =	vshrl.u32 v20, $0xE  }
0x338: {  	v33 =	vshrl.u32 v19, $0xE;
	v31 =	vand.u32 $0x3FFF, v21;
	v32 =	vshrl.u32 v21, $0xE;
	[tilespmem:v15+s22+$0x0] =	vst.idx.add.f32.msk vm1, v18  }
0x339: {  	v33 =	vsub.s32 v33, v0;
	v15 =	vand.u32 $0x3FFF, v22;
	v18 =	vshrl.u32 v22, $0xE;
	[tilespmem:v16+s22+$0x0] =	vst.idx.add.f32.msk vm0, v17  }
0x33a: {  	v34 =	vadd.s32 $0x2800, v24;
	vm12 =	vlt.u32 v33, $0x1400;
	v16 =	vand.u32 $0x3FFF, v23;
	v17 =	vld.idx.msk [tilespmem:v24+s1+$0x0], $0xffff  }
0x33b: {  	v19 =	vand.u32 $0x7, v19;
	v34 =	vand.u32 $0x7FF8, v34;
	v33 =	vnsel vm12, $0x0, v33;
	v35 =	vld.idx.msk [tilespmem:v25+s1+$0x0], $0xffff  }
0x33c: {  	v34 =	vor.u32 v19, v34;
	v38 =	vand.u32 $0x3FFF, v27;
	v36 =	vand.u32 $0x3FFF, v28;
	v37 =	vld.idx.msk [tilespmem:v29+s1+$0x0], $0xffff  }
0x33d: {  	v41 =	vshrl.u32 v23, $0xE;
	v42 =	vshrl.u32 v27, $0xE;
	v39 =	vshrl.u32 v28, $0xE;
	v40 =	vld.idx.msk [tilespmem:v31+s1+$0x0], $0xffff  }
0x33e: {  	v30 =	vsub.s32 v30, v0;
	v32 =	vsub.s32 v32, v0;
	v39 =	vsub.s32 v39, v0;
	v43 =	vld.idx.msk [tilespmem:v15+s1+$0x0], $0xffff  }
0x33f: {  	v18 =	vsub.s32 v18, v0;
	v41 =	vsub.s32 v41, v0;
	v42 =	vsub.s32 v42, v0;
	v44 =	vld.idx.msk [tilespmem:v16+s1+$0x0], $0xffff  }
0x340: {  	vm0 =	vlt.u32 v26, $0x1400;
	vm7 =	vlt.u32 v30, $0x1400;
	vm1 =	vlt.u32 v39, $0x1400;
	[tilespmem:v33+s22+$0x0] =	vst.idx.add.f32.msk vm12, v17  }
0x341: {  	vm6 =	vlt.u32 v32, $0x1400;
	v24 =	vadd.s32 $0x5000, v24;
	vm4 =	vlt.u32 v18, $0x1400;
	v17 =	vld.idx.msk [tilespmem:v34+s1+$0x0], $0xffff  }
0x342: {  	v45 =	vadd.s32 $0x1400, v33;
	v24 =	vand.u32 $0xFFF8, v24;
	vm9 =	vlt.u32 v41, $0x1400;
	v34 =	vld.idx.msk [tilespmem:v36+s1+$0x0], $0xffff  }
0x343: {  	v19 =	vor.u32 v19, v24;
	v46 =	vadd.s32 $0x2800, v36;
	vm10 =	vlt.u32 v42, $0x1400;
	v47 =	vld.idx.msk [tilespmem:v38+s1+$0x0], $0xffff  }
0x344: {  	v48 =	vadd.s32 $0x2800, v29;
	v49 =	vadd.s32 $0x2800, v31;
	v24 =	vadd.s32 $0x2800, v25;
	[tilespmem:v9+s22+$0x0] =	vst.idx.add.f32.msk vm11, v12  }
0x345: {  	v50 =	vadd.s32 $0x2800, v38;
	v9 =	vadd.s32 $0x2800, v15;
	v12 =	vadd.s32 $0x2800, v16;
	[tilespmem:v8+s22+$0x0] =	vst.idx.add.f32.msk vm8, v13  }
0x346: {  	v8 =	vnsel vm1, $0x0, v39;
	v13 =	vnsel vm0, $0x0, v26;
	v26 =	vnsel vm7, $0x0, v30;
	[tilespmem:v7+s22+$0x0] =	vst.idx.add.f32.msk vm5, v14  }
0x347: {  	v7 =	vnsel vm6, $0x0, v32;
	v14 =	vnsel vm4, $0x0, v18;
	v18 =	vnsel vm9, $0x0, v41;
	[tilespmem:v45+s22+$0x0] =	vst.idx.add.f32.msk vm12, v17  }
0x348: {  	v24 =	vand.u32 $0x7FF8, v24;
	v30 =	vnsel vm10, $0x0, v42;
	v17 =	vand.u32 $0x7FF8, v46;
	v19 =	vld.idx.msk [tilespmem:v19+s1+$0x0], $0xffff  }
0x349: {  	v33 =	vadd.s32 $0x2800, v33;
	v39 =	vand.u32 $0x7FF8, v49;
	v32 =	vand.u32 $0x7FF8, v48;
	[tilespmem:v5+s22+$0x0] =	vst.idx.add.f32.msk vm3, v10  }
0x34a: {  	v5 =	vand.u32 $0x7FF8, v9;
	v9 =	vand.u32 $0x7FF8, v12;
	v10 =	vand.u32 $0x7FF8, v50;
	[tilespmem:v4+s22+$0x0] =	vst.idx.add.f32.msk vm2, v11  }
0x34b: {  	v12 =	vand.u32 $0x7, v21;
	v4 =	vand.u32 $0x7, v28;
	v11 =	vand.u32 $0x7, v20;
	[tilespmem:v8+s22+$0x0] =	vst.idx.add.f32.msk vm1, v34  }
0x34c: {  	v21 =	vand.u32 $0x7, v23;
	v20 =	vand.u32 $0x7, v22;
	v22 =	vand.u32 $0x7, v27;
	[tilespmem:v13+s22+$0x0] =	vst.idx.add.f32.msk vm0, v35  }
0x34d: {  	v24 =	vor.u32 v6, v24;
	v23 =	vadd.s32 $0x5000, v36;
	v17 =	vor.u32 v4, v17;
	[tilespmem:v26+s22+$0x0] =	vst.idx.add.f32.msk vm7, v37  }
0x34e: {  	s3 =	simm.s32 $0x0;
	v25 =	vadd.s32 $0x5000, v25;
	v28 =	vor.u32 v12, v39;
	v27 =	vor.u32 v11, v32;
	[tilespmem:v33+s22+$0x0] =	vst.idx.add.f32.msk vm12, v19  }
0x34f: {  	v9 =	vor.u32 v21, v9;
	v5 =	vor.u32 v20, v5;
	v19 =	vadd.s32 $0x5000, v29;
	[tilespmem:v7+s22+$0x0] =	vst.idx.add.f32.msk vm6, v40  }
0x350: {  	v15 =	vadd.s32 $0x5000, v15;
	v10 =	vor.u32 v22, v10;
	v29 =	vadd.s32 $0x5000, v31;
	[tilespmem:v14+s22+$0x0] =	vst.idx.add.f32.msk vm4, v43  }
0x351: {  	v16 =	vadd.s32 $0x5000, v16;
	v32 =	vadd.s32 $0x5000, v38;
	v31 =	vadd.s32 $0x1400, v8;
	[tilespmem:v18+s22+$0x0] =	vst.idx.add.f32.msk vm9, v44  }
0x352: {  	v34 =	vadd.s32 $0x1400, v26;
	v35 =	vadd.s32 $0x1400, v7;
	v33 =	vadd.s32 $0x1400, v13;
	[tilespmem:v30+s22+$0x0] =	vst.idx.add.f32.msk vm10, v47  }
0x353: {  	v36 =	vadd.s32 $0x1400, v14;
	v38 =	vadd.s32 $0x1400, v30;
	v37 =	vadd.s32 $0x1400, v18;
	v17 =	vld.idx.msk [tilespmem:v17+s1+$0x0], $0xffff  }
0x354: {  	v25 =	vand.u32 $0xFFF8, v25;
	v23 =	vand.u32 $0xFFF8, v23;
	v19 =	vand.u32 $0xFFF8, v19;
	v24 =	vld.idx.msk [tilespmem:v24+s1+$0x0], $0xffff  }
0x355: {  	v15 =	vand.u32 $0xFFF8, v15;
	v16 =	vand.u32 $0xFFF8, v16;
	v29 =	vand.u32 $0xFFF8, v29;
	v27 =	vld.idx.msk [tilespmem:v27+s1+$0x0], $0xffff  }
0x356: {  	v6 =	vor.u32 v6, v25;
	v23 =	vor.u32 v4, v23;
	v4 =	vand.u32 $0xFFF8, v32;
	v25 =	vld.idx.msk [tilespmem:v28+s1+$0x0], $0xffff  }
0x357: {  	v20 =	vor.u32 v20, v15;
	v11 =	vor.u32 v11, v19;
	v19 =	vor.u32 v12, v29;
	v12 =	vld.idx.msk [tilespmem:v5+s1+$0x0], $0xffff  }
0x358: {  	v21 =	vor.u32 v21, v16;
	v15 =	vadd.s32 $0x2800, v8;
	v22 =	vor.u32 v22, v4;
	v28 =	vld.idx.msk [tilespmem:v9+s1+$0x0], $0xffff  }
0x359: {  	v16 =	vadd.s32 $0x2800, v13;
	v8 =	vadd.s32 $0x2800, v7;
	v9 =	vadd.s32 $0x2800, v26;
	v10 =	vld.idx.msk [tilespmem:v10+s1+$0x0], $0xffff  }
0x35a: {  	v4 =	vadd.s32 $0x2800, v30;
	v7 =	vadd.s32 $0x2800, v14;
	v5 =	vadd.s32 $0x2800, v18;
	[tilespmem:v31+s22+$0x0] =	vst.idx.add.f32.msk vm1, v17  }
0x35b: {  	vm11 =	vmmov vm7;
	vm8 =	vmmov vm6;
	vm5 =	vmmov vm4;
	[tilespmem:v33+s22+$0x0] =	vst.idx.add.f32.msk vm0, v24  }
0x35c: {  	vm3 =	vmmov vm9;
	vm2 =	vmmov vm10;
	[tilespmem:v34+s22+$0x0] =	vst.idx.add.f32.msk vm7, v27  }
0x35d: {  	[tilespmem:v35+s22+$0x0] =	vst.idx.add.f32.msk vm6, v25  }
0x35e: {  	[tilespmem:v36+s22+$0x0] =	vst.idx.add.f32.msk vm4, v12  }
0x35f: {  	[tilespmem:v37+s22+$0x0] =	vst.idx.add.f32.msk vm9, v28  }
0x360: {  	[tilespmem:v38+s22+$0x0] =	vst.idx.add.f32.msk vm10, v10  }
0x361: {  	v18 =	vld.idx.msk [tilespmem:v23+s1+$0x0], $0xffff  }
0x362: {  	v17 =	vld.idx.msk [tilespmem:v6+s1+$0x0], $0xffff  }
.Ltmp19:
0x363: {  	v12 =	vld.idx.msk [tilespmem:v11+s1+$0x0], $0xffff;
	(pc) =	sbr.rel @p0 .LBB2_40-.Ltmp19, $4  }
0x364: {  	v13 =	vld.idx.msk [tilespmem:v19+s1+$0x0], $0xffff  }
0x365: {  	v14 =	vld.idx.msk [tilespmem:v20+s1+$0x0], $0xffff  }
0x366: {  	v10 =	vld.idx.msk [tilespmem:v21+s1+$0x0], $0xffff  }
0x367: {  	s2 =	sadd.s32 $0x80, s2;
	v11 =	vld.idx.msk [tilespmem:v22+s1+$0x0], $0xffff  }
0x368: {  	_ =	sdelay $0x4  }
0x369: {  	[tilespmem:v15+s22+$0x0] =	vst.idx.add.f32.msk vm1, v18  }
0x36a: {  	[tilespmem:v16+s22+$0x0] =	vst.idx.add.f32.msk vm0, v17  }
0x36b: {  	[tilespmem:v9+s22+$0x0] =	vst.idx.add.f32.msk vm11, v12  }
0x36c: {  	[tilespmem:v8+s22+$0x0] =	vst.idx.add.f32.msk vm8, v13  }
0x36d: {  	[tilespmem:v7+s22+$0x0] =	vst.idx.add.f32.msk vm5, v14  }
0x36e: {  	[tilespmem:v5+s22+$0x0] =	vst.idx.add.f32.msk vm3, v10  }
0x36f: {  	[tilespmem:v4+s22+$0x0] =	vst.idx.add.f32.msk vm2, v11  }
.LBB2_42:
0x370: {  	s0 =	sshra.s32 s3, $0x2  }
0x371: {  	v4 =	vld [tilespmem:s0+$0xF80];
	_ =	sdelay $0x4  }
0x372: {  	v5 =	vand.u32 $0x3FFF, v4;
	_ =	sdelay $0x1  }
0x373: {  	v6 =	vshrl.u32 v4, $0xE  }
0x374: {  	v6 =	vsub.s32 v6, v0  }
0x375: {  	v7 =	vadd.s32 $0x2800, v5;
	vm0 =	vlt.u32 v6, $0x1400  }
0x376: {  	v4 =	vand.u32 $0x7, v4;
	v7 =	vand.u32 $0x7FF8, v7;
	v6 =	vnsel vm0, $0x0, v6;
	v8 =	vld.idx.msk [tilespmem:v5+s1+$0x0], $0xffff  }
0x377: {  	v7 =	vor.u32 v4, v7;
	_ =	sdelay $0x3  }
0x378: {  	v5 =	vadd.s32 $0x5000, v5;
	[tilespmem:v6+s22+$0x0] =	vst.idx.add.f32.msk vm0, v8  }
0x379: {  	v63 =	vadd.s32 $0x1400, v6;
	v5 =	vand.u32 $0xFFF8, v5;
	v7 =	vld.idx.msk [tilespmem:v7+s1+$0x0], $0xffff  }
0x37a: {  	v4 =	vor.u32 v4, v5;
	_ =	sdelay $0x3  }
0x37b: {  	[tilespmem:v63+s22+$0x0] =	vst.idx.add.f32.msk vm0, v7  }
0x37c: {  	p0 =	sne.s32 s3, $0x40;
	v5 =	vadd.s32 $0x2800, v6;
	v4 =	vld.idx.msk [tilespmem:v4+s1+$0x0], $0xffff  }
.Ltmp20:
0x37d: {  	_ = 	snop;
	(pc) =	sbr.rel @p0 .LBB2_42-.Ltmp20, $2  }
0x37e: {  	_ =	sdelay $0x2  }
0x37f: {  	s3 =	sadd.s32 $0x40, s3;
	[tilespmem:v5+s22+$0x0] =	vst.idx.add.f32.msk vm0, v4  }
0x380: {  	[tilespmem:s5], [sflag:$0x1] =	stream.linear.gather [hbm4b:s14+s5], $0xFA0, $0x38;
	[tilespmem:$0x12440] =	vst v63  }
0x381: {  	_ =	swait.ge [sflag:s31], $0xFA0  }
0x382: {  	[sflag:s31] =	ssyncset.done $0x0  }
0x383: {  	s0 =	simm.s32 $0xFE0;
	[sflag:s31] =	ssyncadd.s32 $0xFFFFF060  }
0x384: {  	v4 =	vld [tilespmem:s0+$0x30]  }
0x385: {  	v5 =	vld [tilespmem:s0+$0xFFFFFFD0]  }
0x386: {  	v6 =	vld [tilespmem:s0+$0xFFFFFFE0]  }
0x387: {  	v7 =	vld [tilespmem:s0+$0xFFFFFFF0]  }
0x388: {  	v9 =	vld [tilespmem:s0+$0x0]  }
0x389: {  	v10 =	vld [tilespmem:s0+$0x10]  }
0x38a: {  	v14 =	vld [tilespmem:s0+$0xFFFFFFC0];
	v8 =	vand.u32 $0x3FFF, v4  }
0x38b: {  	v13 =	vld [tilespmem:s0+$0x20];
	v12 =	vand.u32 $0x3FFF, v5  }
0x38c: {  	v11 =	vshrl.u32 v4, $0xE;
	v15 =	vand.u32 $0x3FFF, v6;
	v4 =	vand.u32 $0x7, v4  }
0x38d: {  	v18 =	vshrl.u32 v5, $0xE;
	v5 =	vand.u32 $0x7, v5;
	v20 =	vand.u32 $0x3FFF, v7  }
0x38e: {  	v19 =	vshrl.u32 v6, $0xE;
	v21 =	vshrl.u32 v7, $0xE;
	v22 =	vand.u32 $0x3FFF, v9  }
0x38f: {  	v23 =	vshrl.u32 v9, $0xE;
	v25 =	vand.u32 $0x3FFF, v10;
	v26 =	vand.u32 $0x3FFF, v14;
	v17 =	vld.idx.msk [tilespmem:v8+s1+$0x0], $0xffff  }
0x390: {  	v28 =	vand.u32 $0x3FFF, v13;
	v29 =	vshrl.u32 v14, $0xE;
	v11 =	vsub.s32 v11, v0;
	v24 =	vld.idx.msk [tilespmem:v12+s1+$0x0], $0xffff  }
0x391: {  	v30 =	vshrl.u32 v10, $0xE;
	v16 =	vadd.s32 $0x2800, v8;
	vm5 =	vlt.u32 v11, $0x1400;
	v27 =	vld.idx.msk [tilespmem:v15+s1+$0x0], $0xffff  }
0x392: {  	v29 =	vsub.s32 v29, v0;
	v16 =	vand.u32 $0x7FF8, v16;
	v11 =	vnsel vm5, $0x0, v11;
	v32 =	vld.idx.msk [tilespmem:v20+s1+$0x0], $0xffff  }
0x393: {  	v18 =	vsub.s32 v18, v0;
	vm1 =	vlt.u32 v29, $0x1400;
	v16 =	vor.u32 v4, v16;
	v50 =	vld.idx.msk [tilespmem:v22+s1+$0x0], $0xffff  }
0x394: {  	v19 =	vsub.s32 v19, v0;
	vm0 =	vlt.u32 v18, $0x1400;
	v29 =	vnsel vm1, $0x0, v29;
	v33 =	vld.idx.msk [tilespmem:v26+s1+$0x0], $0xffff  }
0x395: {  	v23 =	vsub.s32 v23, v0;
	vm3 =	vlt.u32 v19, $0x1400;
	v35 =	vnsel vm0, $0x0, v18;
	v34 =	vld.idx.msk [tilespmem:v25+s1+$0x0], $0xffff  }
0x396: {  	v7 =	vand.u32 $0x7, v7;
	vm2 =	vlt.u32 v23, $0x1400;
	v19 =	vnsel vm3, $0x0, v19;
	v18 =	vld.idx.msk [tilespmem:v28+s1+$0x0], $0xffff  }
0x397: {  	v9 =	vand.u32 $0x7, v9;
	v23 =	vnsel vm2, $0x0, v23;
	v8 =	vadd.s32 $0x5000, v8;
	[tilespmem:v11+s22+$0x0] =	vst.idx.add.f32.msk vm5, v17  }
0x398: {  	v52 =	vadd.s32 $0x2800, v22;
	v31 =	vadd.s32 $0x1400, v11;
	v8 =	vand.u32 $0xFFF8, v8;
	v16 =	vld.idx.msk [tilespmem:v16+s1+$0x0], $0xffff  }
0x399: {  	v30 =	vsub.s32 v30, v0;
	v56 =	vand.u32 $0x7FF8, v52;
	v4 =	vor.u32 v4, v8;
	[tilespmem:v29+s22+$0x0] =	vst.idx.add.f32.msk vm1, v33  }
0x39a: {  	vm6 =	vlt.u32 v30, $0x1400;
	v8 =	vsub.s32 v21, v0;
	v21 =	vor.u32 v9, v56;
	[tilespmem:v35+s22+$0x0] =	vst.idx.add.f32.msk vm0, v24  }
0x39b: {  	v37 =	vadd.s32 $0x2800, v20;
	v30 =	vnsel vm6, $0x0, v30;
	vm4 =	vlt.u32 v8, $0x1400;
	[tilespmem:v19+s22+$0x0] =	vst.idx.add.f32.msk vm3, v27  }
0x39c: {  	v55 =	vand.u32 $0x7FF8, v37;
	v8 =	vnsel vm4, $0x0, v8;
	v17 =	vshrl.u32 v13, $0xE;
	[tilespmem:v23+s22+$0x0] =	vst.idx.add.f32.msk vm2, v50  }
0x39d: {  	v14 =	vand.u32 $0x7, v14;
	v27 =	vor.u32 v7, v55;
	v17 =	vsub.s32 v17, v0;
	[tilespmem:v31+s22+$0x0] =	vst.idx.add.f32.msk vm5, v16  }
0x39e: {  	v6 =	vand.u32 $0x7, v6;
	v11 =	vadd.s32 $0x2800, v11;
	vm7 =	vlt.u32 v17, $0x1400;
	v4 =	vld.idx.msk [tilespmem:v4+s1+$0x0], $0xffff  }
0x39f: {  	v62 =	vadd.s32 $0x1400, v23;
	v21 =	vld.idx.msk [tilespmem:v21+s1+$0x0], $0xffff;
	v53 =	vnsel vm7, $0x0, v17;
	v17 =	vadd.s32 $0x2800, v28  }
0x3a0: {  	[tilespmem:v30+s22+$0x0] =	vst.idx.add.f32.msk vm6, v34;
	v13 =	vand.u32 $0x7, v13;
	v17 =	vand.u32 $0x7FF8, v17;
	v16 =	vadd.s32 $0x2800, v26  }
0x3a1: {  	v51 =	vadd.s32 $0x2800, v12;
	[tilespmem:v8+s22+$0x0] =	vst.idx.add.f32.msk vm4, v32;
	v17 =	vor.u32 v13, v17;
	v16 =	vand.u32 $0x7FF8, v16  }
0x3a2: {  	v36 =	vadd.s32 $0x2800, v15;
	v54 =	vand.u32 $0x7FF8, v51;
	v27 =	vld.idx.msk [tilespmem:v27+s1+$0x0], $0xffff;
	v16 =	vor.u32 v14, v16  }
0x3a3: {  	v38 =	vadd.s32 $0x2800, v25;
	[tilespmem:v11+s22+$0x0] =	vst.idx.add.f32.msk vm5, v4;
	v4 =	vand.u32 $0x7FF8, v36;
	v11 =	vor.u32 v5, v54  }
0x3a4: {  	v10 =	vand.u32 $0x7, v10;
	v57 =	vand.u32 $0x7FF8, v38;
	[tilespmem:v62+s22+$0x0] =	vst.idx.add.f32.msk vm2, v21;
	v4 =	vor.u32 v6, v4  }
0x3a5: {  	[tilespmem:v53+s22+$0x0] =	vst.idx.add.f32.msk vm7, v18;
	v18 =	vor.u32 v10, v57  }
0x3a6: {  	v61 =	vadd.s32 $0x1400, v8;
	v17 =	vld.idx.msk [tilespmem:v17+s1+$0x0], $0xffff  }
0x3a7: {  	v58 =	vadd.s32 $0x1400, v29;
	v16 =	vld.idx.msk [tilespmem:v16+s1+$0x0], $0xffff  }
0x3a8: {  	v59 =	vadd.s32 $0x1400, v35;
	v11 =	vld.idx.msk [tilespmem:v11+s1+$0x0], $0xffff  }
0x3a9: {  	v60 =	vadd.s32 $0x1400, v19;
	v26 =	vadd.s32 $0x5000, v26;
	v4 =	vld.idx.msk [tilespmem:v4+s1+$0x0], $0xffff  }
0x3aa: {  	v63 =	vadd.s32 $0x1400, v30;
	v12 =	vadd.s32 $0x5000, v12;
	v26 =	vand.u32 $0xFFF8, v26;
	v18 =	vld.idx.msk [tilespmem:v18+s1+$0x0], $0xffff  }
0x3ab: {  	v12 =	vand.u32 $0xFFF8, v12;
	v14 =	vor.u32 v14, v26;
	[tilespmem:v61+s22+$0x0] =	vst.idx.add.f32.msk vm4, v27  }
0x3ac: {  	v5 =	vor.u32 v5, v12;
	v12 =	vadd.s32 $0x5000, v22;
	[tilespmem:v58+s22+$0x0] =	vst.idx.add.f32.msk vm1, v16;
	v16 =	vadd.s32 $0x1400, v53  }
0x3ad: {  	v12 =	vand.u32 $0xFFF8, v12;
	[tilespmem:v59+s22+$0x0] =	vst.idx.add.f32.msk vm0, v11;
	v11 =	vadd.s32 $0x5000, v15  }
0x3ae: {  	[tilespmem:v60+s22+$0x0] =	vst.idx.add.f32.msk vm3, v4;
	v4 =	vadd.s32 $0x5000, v20;
	v11 =	vand.u32 $0xFFF8, v11;
	v20 =	vor.u32 v9, v12  }
0x3af: {  	[tilespmem:v63+s22+$0x0] =	vst.idx.add.f32.msk vm6, v18;
	v4 =	vand.u32 $0xFFF8, v4;
	v6 =	vor.u32 v6, v11;
	v11 =	vadd.s32 $0x5000, v25  }
0x3b0: {  	v18 =	vld.idx.msk [tilespmem:v14+s1+$0x0], $0xffff;
	v4 =	vor.u32 v7, v4;
	v7 =	vadd.s32 $0x5000, v28;
	v11 =	vand.u32 $0xFFF8, v11  }
0x3b1: {  	[tilespmem:v16+s22+$0x0] =	vst.idx.add.f32.msk vm7, v17;
	v7 =	vand.u32 $0xFFF8, v7;
	v10 =	vor.u32 v10, v11  }
0x3b2: {  	v17 =	vld.idx.msk [tilespmem:v5+s1+$0x0], $0xffff;
	v11 =	vor.u32 v13, v7  }
0x3b3: {  	v14 =	vld.idx.msk [tilespmem:v20+s1+$0x0], $0xffff  }
0x3b4: {  	vm11 =	vmmov vm3;
	vm8 =	vmmov vm4;
	v8 =	vadd.s32 $0x2800, v8;
	v12 =	vld.idx.msk [tilespmem:v6+s1+$0x0], $0xffff  }
0x3b5: {  	vm5 =	vmmov vm2;
	vm2 =	vmmov vm7;
	v15 =	vadd.s32 $0x2800, v29;
	v13 =	vld.idx.msk [tilespmem:v4+s1+$0x0], $0xffff  }
0x3b6: {  	v16 =	vadd.s32 $0x2800, v35;
	v9 =	vadd.s32 $0x2800, v19;
	v5 =	vadd.s32 $0x2800, v30;
	v10 =	vld.idx.msk [tilespmem:v10+s1+$0x0], $0xffff  }
0x3b7: {  	s2 =	simm.s32 $0x1060;
	s0 =	simm.s32 $0x0;
	vm3 =	vmmov vm6;
	v7 =	vadd.s32 $0x2800, v23;
	v4 =	vadd.s32 $0x2800, v53;
	v11 =	vld.idx.msk [tilespmem:v11+s1+$0x0], $0xffff  }
.LBB2_44:
0x3b8: {  	v19 =	vld [tilespmem:s2+$0x30];
	s0 =	sadd.s32 $0x8, s0  }
0x3b9: {  	v6 =	vld [tilespmem:s2+$0xFFFFFFD0];
	p0 =	slt.u32 s0, $0xF0  }
0x3ba: {  	v20 =	vld [tilespmem:s2+$0xFFFFFFE0]  }
0x3bb: {  	v21 =	vld [tilespmem:s2+$0xFFFFFFF0]  }
0x3bc: {  	v22 =	vld [tilespmem:s2+$0x0]  }
0x3bd: {  	v23 =	vld [tilespmem:s2+$0x10];
	v24 =	vand.u32 $0x3FFF, v19  }
0x3be: {  	v25 =	vand.u32 $0x3FFF, v6;
	v26 =	vshrl.u32 v6, $0xE;
	v6 =	vand.u32 $0x7, v6;
	v27 =	vld [tilespmem:s2+$0x20]  }
0x3bf: {  	v28 =	vld [tilespmem:s2+$0xFFFFFFC0];
	v26 =	vsub.s32 v26, v0;
	v29 =	vand.u32 $0x3FFF, v20;
	v30 =	vshrl.u32 v20, $0xE  }
0x3c0: {  	v33 =	vshrl.u32 v19, $0xE;
	v31 =	vand.u32 $0x3FFF, v21;
	v32 =	vshrl.u32 v21, $0xE;
	[tilespmem:v15+s22+$0x0] =	vst.idx.add.f32.msk vm1, v18  }
0x3c1: {  	v33 =	vsub.s32 v33, v0;
	v15 =	vand.u32 $0x3FFF, v22;
	v18 =	vshrl.u32 v22, $0xE;
	[tilespmem:v16+s22+$0x0] =	vst.idx.add.f32.msk vm0, v17  }
0x3c2: {  	v34 =	vadd.s32 $0x2800, v24;
	vm12 =	vlt.u32 v33, $0x1400;
	v16 =	vand.u32 $0x3FFF, v23;
	v17 =	vld.idx.msk [tilespmem:v24+s1+$0x0], $0xffff  }
0x3c3: {  	v19 =	vand.u32 $0x7, v19;
	v34 =	vand.u32 $0x7FF8, v34;
	v33 =	vnsel vm12, $0x0, v33;
	v35 =	vld.idx.msk [tilespmem:v25+s1+$0x0], $0xffff  }
0x3c4: {  	v34 =	vor.u32 v19, v34;
	v38 =	vand.u32 $0x3FFF, v27;
	v36 =	vand.u32 $0x3FFF, v28;
	v37 =	vld.idx.msk [tilespmem:v29+s1+$0x0], $0xffff  }
0x3c5: {  	v41 =	vshrl.u32 v23, $0xE;
	v42 =	vshrl.u32 v27, $0xE;
	v39 =	vshrl.u32 v28, $0xE;
	v40 =	vld.idx.msk [tilespmem:v31+s1+$0x0], $0xffff  }
0x3c6: {  	v30 =	vsub.s32 v30, v0;
	v32 =	vsub.s32 v32, v0;
	v39 =	vsub.s32 v39, v0;
	v43 =	vld.idx.msk [tilespmem:v15+s1+$0x0], $0xffff  }
0x3c7: {  	v18 =	vsub.s32 v18, v0;
	v41 =	vsub.s32 v41, v0;
	v42 =	vsub.s32 v42, v0;
	v44 =	vld.idx.msk [tilespmem:v16+s1+$0x0], $0xffff  }
0x3c8: {  	vm0 =	vlt.u32 v26, $0x1400;
	vm7 =	vlt.u32 v30, $0x1400;
	vm1 =	vlt.u32 v39, $0x1400;
	[tilespmem:v33+s22+$0x0] =	vst.idx.add.f32.msk vm12, v17  }
0x3c9: {  	vm6 =	vlt.u32 v32, $0x1400;
	v24 =	vadd.s32 $0x5000, v24;
	vm4 =	vlt.u32 v18, $0x1400;
	v17 =	vld.idx.msk [tilespmem:v34+s1+$0x0], $0xffff  }
0x3ca: {  	v45 =	vadd.s32 $0x1400, v33;
	v24 =	vand.u32 $0xFFF8, v24;
	vm9 =	vlt.u32 v41, $0x1400;
	v34 =	vld.idx.msk [tilespmem:v36+s1+$0x0], $0xffff  }
0x3cb: {  	v19 =	vor.u32 v19, v24;
	v46 =	vadd.s32 $0x2800, v36;
	vm10 =	vlt.u32 v42, $0x1400;
	v47 =	vld.idx.msk [tilespmem:v38+s1+$0x0], $0xffff  }
0x3cc: {  	v48 =	vadd.s32 $0x2800, v29;
	v49 =	vadd.s32 $0x2800, v31;
	v24 =	vadd.s32 $0x2800, v25;
	[tilespmem:v9+s22+$0x0] =	vst.idx.add.f32.msk vm11, v12  }
0x3cd: {  	v50 =	vadd.s32 $0x2800, v38;
	v9 =	vadd.s32 $0x2800, v15;
	v12 =	vadd.s32 $0x2800, v16;
	[tilespmem:v8+s22+$0x0] =	vst.idx.add.f32.msk vm8, v13  }
0x3ce: {  	v8 =	vnsel vm1, $0x0, v39;
	v13 =	vnsel vm0, $0x0, v26;
	v26 =	vnsel vm7, $0x0, v30;
	[tilespmem:v7+s22+$0x0] =	vst.idx.add.f32.msk vm5, v14  }
0x3cf: {  	v7 =	vnsel vm6, $0x0, v32;
	v14 =	vnsel vm4, $0x0, v18;
	v18 =	vnsel vm9, $0x0, v41;
	[tilespmem:v45+s22+$0x0] =	vst.idx.add.f32.msk vm12, v17  }
0x3d0: {  	v24 =	vand.u32 $0x7FF8, v24;
	v30 =	vnsel vm10, $0x0, v42;
	v17 =	vand.u32 $0x7FF8, v46;
	v19 =	vld.idx.msk [tilespmem:v19+s1+$0x0], $0xffff  }
0x3d1: {  	v33 =	vadd.s32 $0x2800, v33;
	v39 =	vand.u32 $0x7FF8, v49;
	v32 =	vand.u32 $0x7FF8, v48;
	[tilespmem:v5+s22+$0x0] =	vst.idx.add.f32.msk vm3, v10  }
0x3d2: {  	v5 =	vand.u32 $0x7FF8, v9;
	v9 =	vand.u32 $0x7FF8, v12;
	v10 =	vand.u32 $0x7FF8, v50;
	[tilespmem:v4+s22+$0x0] =	vst.idx.add.f32.msk vm2, v11  }
0x3d3: {  	v12 =	vand.u32 $0x7, v21;
	v4 =	vand.u32 $0x7, v28;
	v11 =	vand.u32 $0x7, v20;
	[tilespmem:v8+s22+$0x0] =	vst.idx.add.f32.msk vm1, v34  }
0x3d4: {  	v21 =	vand.u32 $0x7, v23;
	v20 =	vand.u32 $0x7, v22;
	v22 =	vand.u32 $0x7, v27;
	[tilespmem:v13+s22+$0x0] =	vst.idx.add.f32.msk vm0, v35  }
0x3d5: {  	v24 =	vor.u32 v6, v24;
	v23 =	vadd.s32 $0x5000, v36;
	v17 =	vor.u32 v4, v17;
	[tilespmem:v26+s22+$0x0] =	vst.idx.add.f32.msk vm7, v37  }
0x3d6: {  	s3 =	simm.s32 $0x0;
	v25 =	vadd.s32 $0x5000, v25;
	v28 =	vor.u32 v12, v39;
	v27 =	vor.u32 v11, v32;
	[tilespmem:v33+s22+$0x0] =	vst.idx.add.f32.msk vm12, v19  }
0x3d7: {  	v9 =	vor.u32 v21, v9;
	v5 =	vor.u32 v20, v5;
	v19 =	vadd.s32 $0x5000, v29;
	[tilespmem:v7+s22+$0x0] =	vst.idx.add.f32.msk vm6, v40  }
0x3d8: {  	v15 =	vadd.s32 $0x5000, v15;
	v10 =	vor.u32 v22, v10;
	v29 =	vadd.s32 $0x5000, v31;
	[tilespmem:v14+s22+$0x0] =	vst.idx.add.f32.msk vm4, v43  }
0x3d9: {  	v16 =	vadd.s32 $0x5000, v16;
	v32 =	vadd.s32 $0x5000, v38;
	v31 =	vadd.s32 $0x1400, v8;
	[tilespmem:v18+s22+$0x0] =	vst.idx.add.f32.msk vm9, v44  }
0x3da: {  	v34 =	vadd.s32 $0x1400, v26;
	v35 =	vadd.s32 $0x1400, v7;
	v33 =	vadd.s32 $0x1400, v13;
	[tilespmem:v30+s22+$0x0] =	vst.idx.add.f32.msk vm10, v47  }
0x3db: {  	v36 =	vadd.s32 $0x1400, v14;
	v38 =	vadd.s32 $0x1400, v30;
	v37 =	vadd.s32 $0x1400, v18;
	v17 =	vld.idx.msk [tilespmem:v17+s1+$0x0], $0xffff  }
0x3dc: {  	v25 =	vand.u32 $0xFFF8, v25;
	v23 =	vand.u32 $0xFFF8, v23;
	v19 =	vand.u32 $0xFFF8, v19;
	v24 =	vld.idx.msk [tilespmem:v24+s1+$0x0], $0xffff  }
0x3dd: {  	v15 =	vand.u32 $0xFFF8, v15;
	v16 =	vand.u32 $0xFFF8, v16;
	v29 =	vand.u32 $0xFFF8, v29;
	v27 =	vld.idx.msk [tilespmem:v27+s1+$0x0], $0xffff  }
0x3de: {  	v6 =	vor.u32 v6, v25;
	v23 =	vor.u32 v4, v23;
	v4 =	vand.u32 $0xFFF8, v32;
	v25 =	vld.idx.msk [tilespmem:v28+s1+$0x0], $0xffff  }
0x3df: {  	v20 =	vor.u32 v20, v15;
	v11 =	vor.u32 v11, v19;
	v19 =	vor.u32 v12, v29;
	v12 =	vld.idx.msk [tilespmem:v5+s1+$0x0], $0xffff  }
0x3e0: {  	v21 =	vor.u32 v21, v16;
	v15 =	vadd.s32 $0x2800, v8;
	v22 =	vor.u32 v22, v4;
	v28 =	vld.idx.msk [tilespmem:v9+s1+$0x0], $0xffff  }
0x3e1: {  	v16 =	vadd.s32 $0x2800, v13;
	v8 =	vadd.s32 $0x2800, v7;
	v9 =	vadd.s32 $0x2800, v26;
	v10 =	vld.idx.msk [tilespmem:v10+s1+$0x0], $0xffff  }
0x3e2: {  	v4 =	vadd.s32 $0x2800, v30;
	v7 =	vadd.s32 $0x2800, v14;
	v5 =	vadd.s32 $0x2800, v18;
	[tilespmem:v31+s22+$0x0] =	vst.idx.add.f32.msk vm1, v17  }
0x3e3: {  	vm11 =	vmmov vm7;
	vm8 =	vmmov vm6;
	vm5 =	vmmov vm4;
	[tilespmem:v33+s22+$0x0] =	vst.idx.add.f32.msk vm0, v24  }
0x3e4: {  	vm3 =	vmmov vm9;
	vm2 =	vmmov vm10;
	[tilespmem:v34+s22+$0x0] =	vst.idx.add.f32.msk vm7, v27  }
0x3e5: {  	[tilespmem:v35+s22+$0x0] =	vst.idx.add.f32.msk vm6, v25  }
0x3e6: {  	[tilespmem:v36+s22+$0x0] =	vst.idx.add.f32.msk vm4, v12  }
0x3e7: {  	[tilespmem:v37+s22+$0x0] =	vst.idx.add.f32.msk vm9, v28  }
0x3e8: {  	[tilespmem:v38+s22+$0x0] =	vst.idx.add.f32.msk vm10, v10  }
0x3e9: {  	v18 =	vld.idx.msk [tilespmem:v23+s1+$0x0], $0xffff  }
0x3ea: {  	v17 =	vld.idx.msk [tilespmem:v6+s1+$0x0], $0xffff  }
.Ltmp21:
0x3eb: {  	v12 =	vld.idx.msk [tilespmem:v11+s1+$0x0], $0xffff;
	(pc) =	sbr.rel @p0 .LBB2_44-.Ltmp21, $4  }
0x3ec: {  	v13 =	vld.idx.msk [tilespmem:v19+s1+$0x0], $0xffff  }
0x3ed: {  	v14 =	vld.idx.msk [tilespmem:v20+s1+$0x0], $0xffff  }
0x3ee: {  	v10 =	vld.idx.msk [tilespmem:v21+s1+$0x0], $0xffff  }
0x3ef: {  	s2 =	sadd.s32 $0x80, s2;
	v11 =	vld.idx.msk [tilespmem:v22+s1+$0x0], $0xffff  }
0x3f0: {  	_ =	sdelay $0x4  }
0x3f1: {  	[tilespmem:v15+s22+$0x0] =	vst.idx.add.f32.msk vm1, v18  }
0x3f2: {  	[tilespmem:v16+s22+$0x0] =	vst.idx.add.f32.msk vm0, v17  }
0x3f3: {  	[tilespmem:v9+s22+$0x0] =	vst.idx.add.f32.msk vm11, v12  }
0x3f4: {  	[tilespmem:v8+s22+$0x0] =	vst.idx.add.f32.msk vm8, v13  }
0x3f5: {  	[tilespmem:v7+s22+$0x0] =	vst.idx.add.f32.msk vm5, v14  }
0x3f6: {  	[tilespmem:v5+s22+$0x0] =	vst.idx.add.f32.msk vm3, v10  }
0x3f7: {  	[tilespmem:v4+s22+$0x0] =	vst.idx.add.f32.msk vm2, v11  }
.LBB2_46:
0x3f8: {  	s0 =	sshra.s32 s3, $0x2  }
0x3f9: {  	v4 =	vld [tilespmem:s0+$0x1F20];
	_ =	sdelay $0x4  }
0x3fa: {  	v5 =	vand.u32 $0x3FFF, v4;
	_ =	sdelay $0x1  }
0x3fb: {  	v6 =	vshrl.u32 v4, $0xE  }
0x3fc: {  	v6 =	vsub.s32 v6, v0  }
0x3fd: {  	v7 =	vadd.s32 $0x2800, v5;
	vm0 =	vlt.u32 v6, $0x1400  }
0x3fe: {  	v4 =	vand.u32 $0x7, v4;
	v7 =	vand.u32 $0x7FF8, v7;
	v6 =	vnsel vm0, $0x0, v6;
	v8 =	vld.idx.msk [tilespmem:v5+s1+$0x0], $0xffff  }
0x3ff: {  	v7 =	vor.u32 v4, v7;
	_ =	sdelay $0x3  }
0x400: {  	v5 =	vadd.s32 $0x5000, v5;
	[tilespmem:v6+s22+$0x0] =	vst.idx.add.f32.msk vm0, v8  }
0x401: {  	v63 =	vadd.s32 $0x1400, v6;
	v5 =	vand.u32 $0xFFF8, v5;
	v7 =	vld.idx.msk [tilespmem:v7+s1+$0x0], $0xffff  }
0x402: {  	v4 =	vor.u32 v4, v5;
	_ =	sdelay $0x3  }
0x403: {  	[tilespmem:v63+s22+$0x0] =	vst.idx.add.f32.msk vm0, v7  }
0x404: {  	p0 =	sne.s32 s3, $0x40;
	v5 =	vadd.s32 $0x2800, v6;
	v4 =	vld.idx.msk [tilespmem:v4+s1+$0x0], $0xffff  }
.Ltmp22:
0x405: {  	_ = 	snop;
	(pc) =	sbr.rel @p0 .LBB2_46-.Ltmp22, $2  }
0x406: {  	_ =	sdelay $0x2  }
0x407: {  	s3 =	sadd.s32 $0x40, s3;
	[tilespmem:v5+s22+$0x0] =	vst.idx.add.f32.msk vm0, v4  }
0x408: {  	_ =	swait.ge [sflag:s29], $0xFA0  }
0x409: {  	[sflag:s29] =	ssyncset.done $0x0  }
0x40a: {  	s0 =	simm.s32 $0x40;
	[sflag:s29] =	ssyncadd.s32 $0xFFFFF060  }
0x40b: {  	v4 =	vld [tilespmem:s0+$0x30]  }
0x40c: {  	v5 =	vld [tilespmem:s0+$0xFFFFFFD0]  }
0x40d: {  	v6 =	vld [tilespmem:s0+$0xFFFFFFE0]  }
0x40e: {  	v7 =	vld [tilespmem:s0+$0xFFFFFFF0]  }
0x40f: {  	v9 =	vld [tilespmem:s0+$0x0]  }
0x410: {  	v10 =	vld [tilespmem:s0+$0x10]  }
0x411: {  	v14 =	vld [tilespmem:s0+$0xFFFFFFC0];
	v8 =	vand.u32 $0x3FFF, v4  }
0x412: {  	v13 =	vld [tilespmem:s0+$0x20];
	v12 =	vand.u32 $0x3FFF, v5  }
0x413: {  	v11 =	vshrl.u32 v4, $0xE;
	v15 =	vand.u32 $0x3FFF, v6;
	v4 =	vand.u32 $0x7, v4  }
0x414: {  	v18 =	vshrl.u32 v5, $0xE;
	v5 =	vand.u32 $0x7, v5;
	v20 =	vand.u32 $0x3FFF, v7  }
0x415: {  	v19 =	vshrl.u32 v6, $0xE;
	v21 =	vshrl.u32 v7, $0xE;
	v22 =	vand.u32 $0x3FFF, v9  }
0x416: {  	v23 =	vshrl.u32 v9, $0xE;
	v25 =	vand.u32 $0x3FFF, v10;
	v26 =	vand.u32 $0x3FFF, v14;
	v17 =	vld.idx.msk [tilespmem:v8+s1+$0x0], $0xffff  }
0x417: {  	v28 =	vand.u32 $0x3FFF, v13;
	v29 =	vshrl.u32 v14, $0xE;
	v11 =	vsub.s32 v11, v0;
	v24 =	vld.idx.msk [tilespmem:v12+s1+$0x0], $0xffff  }
0x418: {  	v30 =	vshrl.u32 v10, $0xE;
	v16 =	vadd.s32 $0x2800, v8;
	vm5 =	vlt.u32 v11, $0x1400;
	v27 =	vld.idx.msk [tilespmem:v15+s1+$0x0], $0xffff  }
0x419: {  	v29 =	vsub.s32 v29, v0;
	v16 =	vand.u32 $0x7FF8, v16;
	v11 =	vnsel vm5, $0x0, v11;
	v32 =	vld.idx.msk [tilespmem:v20+s1+$0x0], $0xffff  }
0x41a: {  	v18 =	vsub.s32 v18, v0;
	vm1 =	vlt.u32 v29, $0x1400;
	v16 =	vor.u32 v4, v16;
	v50 =	vld.idx.msk [tilespmem:v22+s1+$0x0], $0xffff  }
0x41b: {  	v19 =	vsub.s32 v19, v0;
	vm0 =	vlt.u32 v18, $0x1400;
	v29 =	vnsel vm1, $0x0, v29;
	v33 =	vld.idx.msk [tilespmem:v26+s1+$0x0], $0xffff  }
0x41c: {  	v23 =	vsub.s32 v23, v0;
	vm3 =	vlt.u32 v19, $0x1400;
	v35 =	vnsel vm0, $0x0, v18;
	v34 =	vld.idx.msk [tilespmem:v25+s1+$0x0], $0xffff  }
0x41d: {  	v7 =	vand.u32 $0x7, v7;
	vm2 =	vlt.u32 v23, $0x1400;
	v19 =	vnsel vm3, $0x0, v19;
	v18 =	vld.idx.msk [tilespmem:v28+s1+$0x0], $0xffff  }
0x41e: {  	v9 =	vand.u32 $0x7, v9;
	v23 =	vnsel vm2, $0x0, v23;
	v8 =	vadd.s32 $0x5000, v8;
	[tilespmem:v11+s22+$0x0] =	vst.idx.add.f32.msk vm5, v17  }
0x41f: {  	v52 =	vadd.s32 $0x2800, v22;
	v31 =	vadd.s32 $0x1400, v11;
	v8 =	vand.u32 $0xFFF8, v8;
	v16 =	vld.idx.msk [tilespmem:v16+s1+$0x0], $0xffff  }
0x420: {  	v30 =	vsub.s32 v30, v0;
	v56 =	vand.u32 $0x7FF8, v52;
	v4 =	vor.u32 v4, v8;
	[tilespmem:v29+s22+$0x0] =	vst.idx.add.f32.msk vm1, v33  }
0x421: {  	vm6 =	vlt.u32 v30, $0x1400;
	v8 =	vsub.s32 v21, v0;
	v21 =	vor.u32 v9, v56;
	[tilespmem:v35+s22+$0x0] =	vst.idx.add.f32.msk vm0, v24  }
0x422: {  	v37 =	vadd.s32 $0x2800, v20;
	v30 =	vnsel vm6, $0x0, v30;
	vm4 =	vlt.u32 v8, $0x1400;
	[tilespmem:v19+s22+$0x0] =	vst.idx.add.f32.msk vm3, v27  }
0x423: {  	v55 =	vand.u32 $0x7FF8, v37;
	v8 =	vnsel vm4, $0x0, v8;
	v17 =	vshrl.u32 v13, $0xE;
	[tilespmem:v23+s22+$0x0] =	vst.idx.add.f32.msk vm2, v50  }
0x424: {  	v14 =	vand.u32 $0x7, v14;
	v27 =	vor.u32 v7, v55;
	v17 =	vsub.s32 v17, v0;
	[tilespmem:v31+s22+$0x0] =	vst.idx.add.f32.msk vm5, v16  }
0x425: {  	v6 =	vand.u32 $0x7, v6;
	v11 =	vadd.s32 $0x2800, v11;
	vm7 =	vlt.u32 v17, $0x1400;
	v4 =	vld.idx.msk [tilespmem:v4+s1+$0x0], $0xffff  }
0x426: {  	v62 =	vadd.s32 $0x1400, v23;
	v21 =	vld.idx.msk [tilespmem:v21+s1+$0x0], $0xffff;
	v53 =	vnsel vm7, $0x0, v17;
	v17 =	vadd.s32 $0x2800, v28  }
0x427: {  	[tilespmem:v30+s22+$0x0] =	vst.idx.add.f32.msk vm6, v34;
	v13 =	vand.u32 $0x7, v13;
	v17 =	vand.u32 $0x7FF8, v17;
	v16 =	vadd.s32 $0x2800, v26  }
0x428: {  	v51 =	vadd.s32 $0x2800, v12;
	[tilespmem:v8+s22+$0x0] =	vst.idx.add.f32.msk vm4, v32;
	v17 =	vor.u32 v13, v17;
	v16 =	vand.u32 $0x7FF8, v16  }
0x429: {  	v36 =	vadd.s32 $0x2800, v15;
	v54 =	vand.u32 $0x7FF8, v51;
	v27 =	vld.idx.msk [tilespmem:v27+s1+$0x0], $0xffff;
	v16 =	vor.u32 v14, v16  }
0x42a: {  	v38 =	vadd.s32 $0x2800, v25;
	[tilespmem:v11+s22+$0x0] =	vst.idx.add.f32.msk vm5, v4;
	v4 =	vand.u32 $0x7FF8, v36;
	v11 =	vor.u32 v5, v54  }
0x42b: {  	v10 =	vand.u32 $0x7, v10;
	v57 =	vand.u32 $0x7FF8, v38;
	[tilespmem:v62+s22+$0x0] =	vst.idx.add.f32.msk vm2, v21;
	v4 =	vor.u32 v6, v4  }
0x42c: {  	[tilespmem:v53+s22+$0x0] =	vst.idx.add.f32.msk vm7, v18;
	v18 =	vor.u32 v10, v57  }
0x42d: {  	v61 =	vadd.s32 $0x1400, v8;
	v17 =	vld.idx.msk [tilespmem:v17+s1+$0x0], $0xffff  }
0x42e: {  	v58 =	vadd.s32 $0x1400, v29;
	v16 =	vld.idx.msk [tilespmem:v16+s1+$0x0], $0xffff  }
0x42f: {  	v59 =	vadd.s32 $0x1400, v35;
	v11 =	vld.idx.msk [tilespmem:v11+s1+$0x0], $0xffff  }
0x430: {  	v60 =	vadd.s32 $0x1400, v19;
	v26 =	vadd.s32 $0x5000, v26;
	v4 =	vld.idx.msk [tilespmem:v4+s1+$0x0], $0xffff  }
0x431: {  	v63 =	vadd.s32 $0x1400, v30;
	v12 =	vadd.s32 $0x5000, v12;
	v26 =	vand.u32 $0xFFF8, v26;
	v18 =	vld.idx.msk [tilespmem:v18+s1+$0x0], $0xffff  }
0x432: {  	v12 =	vand.u32 $0xFFF8, v12;
	v14 =	vor.u32 v14, v26;
	[tilespmem:v61+s22+$0x0] =	vst.idx.add.f32.msk vm4, v27  }
0x433: {  	v5 =	vor.u32 v5, v12;
	v12 =	vadd.s32 $0x5000, v22;
	[tilespmem:v58+s22+$0x0] =	vst.idx.add.f32.msk vm1, v16;
	v16 =	vadd.s32 $0x1400, v53  }
0x434: {  	v12 =	vand.u32 $0xFFF8, v12;
	[tilespmem:v59+s22+$0x0] =	vst.idx.add.f32.msk vm0, v11;
	v11 =	vadd.s32 $0x5000, v15  }
0x435: {  	[tilespmem:v60+s22+$0x0] =	vst.idx.add.f32.msk vm3, v4;
	v4 =	vadd.s32 $0x5000, v20;
	v11 =	vand.u32 $0xFFF8, v11;
	v20 =	vor.u32 v9, v12  }
0x436: {  	[tilespmem:v63+s22+$0x0] =	vst.idx.add.f32.msk vm6, v18;
	v4 =	vand.u32 $0xFFF8, v4;
	v6 =	vor.u32 v6, v11;
	v11 =	vadd.s32 $0x5000, v25  }
0x437: {  	v18 =	vld.idx.msk [tilespmem:v14+s1+$0x0], $0xffff;
	v4 =	vor.u32 v7, v4;
	v7 =	vadd.s32 $0x5000, v28;
	v11 =	vand.u32 $0xFFF8, v11  }
0x438: {  	[tilespmem:v16+s22+$0x0] =	vst.idx.add.f32.msk vm7, v17;
	v7 =	vand.u32 $0xFFF8, v7;
	v10 =	vor.u32 v10, v11  }
0x439: {  	v17 =	vld.idx.msk [tilespmem:v5+s1+$0x0], $0xffff;
	v11 =	vor.u32 v13, v7  }
0x43a: {  	v14 =	vld.idx.msk [tilespmem:v20+s1+$0x0], $0xffff  }
0x43b: {  	vm11 =	vmmov vm3;
	vm8 =	vmmov vm4;
	v8 =	vadd.s32 $0x2800, v8;
	v12 =	vld.idx.msk [tilespmem:v6+s1+$0x0], $0xffff  }
0x43c: {  	vm5 =	vmmov vm2;
	vm2 =	vmmov vm7;
	v15 =	vadd.s32 $0x2800, v29;
	v13 =	vld.idx.msk [tilespmem:v4+s1+$0x0], $0xffff  }
0x43d: {  	v16 =	vadd.s32 $0x2800, v35;
	v9 =	vadd.s32 $0x2800, v19;
	v5 =	vadd.s32 $0x2800, v30;
	v10 =	vld.idx.msk [tilespmem:v10+s1+$0x0], $0xffff  }
0x43e: {  	s2 =	simm.s32 $0xC0;
	s0 =	simm.s32 $0x0;
	vm3 =	vmmov vm6;
	v7 =	vadd.s32 $0x2800, v23;
	v4 =	vadd.s32 $0x2800, v53;
	v11 =	vld.idx.msk [tilespmem:v11+s1+$0x0], $0xffff  }
.LBB2_48:
0x43f: {  	v19 =	vld [tilespmem:s2+$0x30];
	s0 =	sadd.s32 $0x8, s0  }
0x440: {  	v6 =	vld [tilespmem:s2+$0xFFFFFFD0];
	p0 =	slt.u32 s0, $0xF0  }
0x441: {  	v20 =	vld [tilespmem:s2+$0xFFFFFFE0]  }
0x442: {  	v21 =	vld [tilespmem:s2+$0xFFFFFFF0]  }
0x443: {  	v22 =	vld [tilespmem:s2+$0x0]  }
0x444: {  	v23 =	vld [tilespmem:s2+$0x10];
	v24 =	vand.u32 $0x3FFF, v19  }
0x445: {  	v25 =	vand.u32 $0x3FFF, v6;
	v26 =	vshrl.u32 v6, $0xE;
	v6 =	vand.u32 $0x7, v6;
	v27 =	vld [tilespmem:s2+$0x20]  }
0x446: {  	v28 =	vld [tilespmem:s2+$0xFFFFFFC0];
	v26 =	vsub.s32 v26, v0;
	v29 =	vand.u32 $0x3FFF, v20;
	v30 =	vshrl.u32 v20, $0xE  }
0x447: {  	v33 =	vshrl.u32 v19, $0xE;
	v31 =	vand.u32 $0x3FFF, v21;
	v32 =	vshrl.u32 v21, $0xE;
	[tilespmem:v15+s22+$0x0] =	vst.idx.add.f32.msk vm1, v18  }
0x448: {  	v33 =	vsub.s32 v33, v0;
	v15 =	vand.u32 $0x3FFF, v22;
	v18 =	vshrl.u32 v22, $0xE;
	[tilespmem:v16+s22+$0x0] =	vst.idx.add.f32.msk vm0, v17  }
0x449: {  	v34 =	vadd.s32 $0x2800, v24;
	vm12 =	vlt.u32 v33, $0x1400;
	v16 =	vand.u32 $0x3FFF, v23;
	v17 =	vld.idx.msk [tilespmem:v24+s1+$0x0], $0xffff  }
0x44a: {  	v19 =	vand.u32 $0x7, v19;
	v34 =	vand.u32 $0x7FF8, v34;
	v33 =	vnsel vm12, $0x0, v33;
	v35 =	vld.idx.msk [tilespmem:v25+s1+$0x0], $0xffff  }
0x44b: {  	v34 =	vor.u32 v19, v34;
	v38 =	vand.u32 $0x3FFF, v27;
	v36 =	vand.u32 $0x3FFF, v28;
	v37 =	vld.idx.msk [tilespmem:v29+s1+$0x0], $0xffff  }
0x44c: {  	v41 =	vshrl.u32 v23, $0xE;
	v42 =	vshrl.u32 v27, $0xE;
	v39 =	vshrl.u32 v28, $0xE;
	v40 =	vld.idx.msk [tilespmem:v31+s1+$0x0], $0xffff  }
0x44d: {  	v30 =	vsub.s32 v30, v0;
	v32 =	vsub.s32 v32, v0;
	v39 =	vsub.s32 v39, v0;
	v43 =	vld.idx.msk [tilespmem:v15+s1+$0x0], $0xffff  }
0x44e: {  	v18 =	vsub.s32 v18, v0;
	v41 =	vsub.s32 v41, v0;
	v42 =	vsub.s32 v42, v0;
	v44 =	vld.idx.msk [tilespmem:v16+s1+$0x0], $0xffff  }
0x44f: {  	vm0 =	vlt.u32 v26, $0x1400;
	vm7 =	vlt.u32 v30, $0x1400;
	vm1 =	vlt.u32 v39, $0x1400;
	[tilespmem:v33+s22+$0x0] =	vst.idx.add.f32.msk vm12, v17  }
0x450: {  	vm6 =	vlt.u32 v32, $0x1400;
	v24 =	vadd.s32 $0x5000, v24;
	vm4 =	vlt.u32 v18, $0x1400;
	v17 =	vld.idx.msk [tilespmem:v34+s1+$0x0], $0xffff  }
0x451: {  	v45 =	vadd.s32 $0x1400, v33;
	v24 =	vand.u32 $0xFFF8, v24;
	vm9 =	vlt.u32 v41, $0x1400;
	v34 =	vld.idx.msk [tilespmem:v36+s1+$0x0], $0xffff  }
0x452: {  	v19 =	vor.u32 v19, v24;
	v46 =	vadd.s32 $0x2800, v36;
	vm10 =	vlt.u32 v42, $0x1400;
	v47 =	vld.idx.msk [tilespmem:v38+s1+$0x0], $0xffff  }
0x453: {  	v48 =	vadd.s32 $0x2800, v29;
	v49 =	vadd.s32 $0x2800, v31;
	v24 =	vadd.s32 $0x2800, v25;
	[tilespmem:v9+s22+$0x0] =	vst.idx.add.f32.msk vm11, v12  }
0x454: {  	v50 =	vadd.s32 $0x2800, v38;
	v9 =	vadd.s32 $0x2800, v15;
	v12 =	vadd.s32 $0x2800, v16;
	[tilespmem:v8+s22+$0x0] =	vst.idx.add.f32.msk vm8, v13  }
0x455: {  	v8 =	vnsel vm1, $0x0, v39;
	v13 =	vnsel vm0, $0x0, v26;
	v26 =	vnsel vm7, $0x0, v30;
	[tilespmem:v7+s22+$0x0] =	vst.idx.add.f32.msk vm5, v14  }
0x456: {  	v7 =	vnsel vm6, $0x0, v32;
	v14 =	vnsel vm4, $0x0, v18;
	v18 =	vnsel vm9, $0x0, v41;
	[tilespmem:v45+s22+$0x0] =	vst.idx.add.f32.msk vm12, v17  }
0x457: {  	v24 =	vand.u32 $0x7FF8, v24;
	v30 =	vnsel vm10, $0x0, v42;
	v17 =	vand.u32 $0x7FF8, v46;
	v19 =	vld.idx.msk [tilespmem:v19+s1+$0x0], $0xffff  }
0x458: {  	v33 =	vadd.s32 $0x2800, v33;
	v39 =	vand.u32 $0x7FF8, v49;
	v32 =	vand.u32 $0x7FF8, v48;
	[tilespmem:v5+s22+$0x0] =	vst.idx.add.f32.msk vm3, v10  }
0x459: {  	v5 =	vand.u32 $0x7FF8, v9;
	v9 =	vand.u32 $0x7FF8, v12;
	v10 =	vand.u32 $0x7FF8, v50;
	[tilespmem:v4+s22+$0x0] =	vst.idx.add.f32.msk vm2, v11  }
0x45a: {  	v12 =	vand.u32 $0x7, v21;
	v4 =	vand.u32 $0x7, v28;
	v11 =	vand.u32 $0x7, v20;
	[tilespmem:v8+s22+$0x0] =	vst.idx.add.f32.msk vm1, v34  }
0x45b: {  	v21 =	vand.u32 $0x7, v23;
	v20 =	vand.u32 $0x7, v22;
	v22 =	vand.u32 $0x7, v27;
	[tilespmem:v13+s22+$0x0] =	vst.idx.add.f32.msk vm0, v35  }
0x45c: {  	v24 =	vor.u32 v6, v24;
	v23 =	vadd.s32 $0x5000, v36;
	v17 =	vor.u32 v4, v17;
	[tilespmem:v26+s22+$0x0] =	vst.idx.add.f32.msk vm7, v37  }
0x45d: {  	s3 =	simm.s32 $0x0;
	v25 =	vadd.s32 $0x5000, v25;
	v28 =	vor.u32 v12, v39;
	v27 =	vor.u32 v11, v32;
	[tilespmem:v33+s22+$0x0] =	vst.idx.add.f32.msk vm12, v19  }
0x45e: {  	v9 =	vor.u32 v21, v9;
	v5 =	vor.u32 v20, v5;
	v19 =	vadd.s32 $0x5000, v29;
	[tilespmem:v7+s22+$0x0] =	vst.idx.add.f32.msk vm6, v40  }
0x45f: {  	v15 =	vadd.s32 $0x5000, v15;
	v10 =	vor.u32 v22, v10;
	v29 =	vadd.s32 $0x5000, v31;
	[tilespmem:v14+s22+$0x0] =	vst.idx.add.f32.msk vm4, v43  }
0x460: {  	v16 =	vadd.s32 $0x5000, v16;
	v32 =	vadd.s32 $0x5000, v38;
	v31 =	vadd.s32 $0x1400, v8;
	[tilespmem:v18+s22+$0x0] =	vst.idx.add.f32.msk vm9, v44  }
0x461: {  	v34 =	vadd.s32 $0x1400, v26;
	v35 =	vadd.s32 $0x1400, v7;
	v33 =	vadd.s32 $0x1400, v13;
	[tilespmem:v30+s22+$0x0] =	vst.idx.add.f32.msk vm10, v47  }
0x462: {  	v36 =	vadd.s32 $0x1400, v14;
	v38 =	vadd.s32 $0x1400, v30;
	v37 =	vadd.s32 $0x1400, v18;
	v17 =	vld.idx.msk [tilespmem:v17+s1+$0x0], $0xffff  }
0x463: {  	v25 =	vand.u32 $0xFFF8, v25;
	v23 =	vand.u32 $0xFFF8, v23;
	v19 =	vand.u32 $0xFFF8, v19;
	v24 =	vld.idx.msk [tilespmem:v24+s1+$0x0], $0xffff  }
0x464: {  	v15 =	vand.u32 $0xFFF8, v15;
	v16 =	vand.u32 $0xFFF8, v16;
	v29 =	vand.u32 $0xFFF8, v29;
	v27 =	vld.idx.msk [tilespmem:v27+s1+$0x0], $0xffff  }
0x465: {  	v6 =	vor.u32 v6, v25;
	v23 =	vor.u32 v4, v23;
	v4 =	vand.u32 $0xFFF8, v32;
	v25 =	vld.idx.msk [tilespmem:v28+s1+$0x0], $0xffff  }
0x466: {  	v20 =	vor.u32 v20, v15;
	v11 =	vor.u32 v11, v19;
	v19 =	vor.u32 v12, v29;
	v12 =	vld.idx.msk [tilespmem:v5+s1+$0x0], $0xffff  }
0x467: {  	v21 =	vor.u32 v21, v16;
	v15 =	vadd.s32 $0x2800, v8;
	v22 =	vor.u32 v22, v4;
	v28 =	vld.idx.msk [tilespmem:v9+s1+$0x0], $0xffff  }
0x468: {  	v16 =	vadd.s32 $0x2800, v13;
	v8 =	vadd.s32 $0x2800, v7;
	v9 =	vadd.s32 $0x2800, v26;
	v10 =	vld.idx.msk [tilespmem:v10+s1+$0x0], $0xffff  }
0x469: {  	v4 =	vadd.s32 $0x2800, v30;
	v7 =	vadd.s32 $0x2800, v14;
	v5 =	vadd.s32 $0x2800, v18;
	[tilespmem:v31+s22+$0x0] =	vst.idx.add.f32.msk vm1, v17  }
0x46a: {  	vm11 =	vmmov vm7;
	vm8 =	vmmov vm6;
	vm5 =	vmmov vm4;
	[tilespmem:v33+s22+$0x0] =	vst.idx.add.f32.msk vm0, v24  }
0x46b: {  	vm3 =	vmmov vm9;
	vm2 =	vmmov vm10;
	[tilespmem:v34+s22+$0x0] =	vst.idx.add.f32.msk vm7, v27  }
0x46c: {  	[tilespmem:v35+s22+$0x0] =	vst.idx.add.f32.msk vm6, v25  }
0x46d: {  	[tilespmem:v36+s22+$0x0] =	vst.idx.add.f32.msk vm4, v12  }
0x46e: {  	[tilespmem:v37+s22+$0x0] =	vst.idx.add.f32.msk vm9, v28  }
0x46f: {  	[tilespmem:v38+s22+$0x0] =	vst.idx.add.f32.msk vm10, v10  }
0x470: {  	v18 =	vld.idx.msk [tilespmem:v23+s1+$0x0], $0xffff  }
0x471: {  	v17 =	vld.idx.msk [tilespmem:v6+s1+$0x0], $0xffff  }
.Ltmp23:
0x472: {  	v12 =	vld.idx.msk [tilespmem:v11+s1+$0x0], $0xffff;
	(pc) =	sbr.rel @p0 .LBB2_48-.Ltmp23, $4  }
0x473: {  	v13 =	vld.idx.msk [tilespmem:v19+s1+$0x0], $0xffff  }
0x474: {  	v14 =	vld.idx.msk [tilespmem:v20+s1+$0x0], $0xffff  }
0x475: {  	v10 =	vld.idx.msk [tilespmem:v21+s1+$0x0], $0xffff  }
0x476: {  	s2 =	sadd.s32 $0x80, s2;
	v11 =	vld.idx.msk [tilespmem:v22+s1+$0x0], $0xffff  }
0x477: {  	_ =	sdelay $0x4  }
0x478: {  	[tilespmem:v15+s22+$0x0] =	vst.idx.add.f32.msk vm1, v18  }
0x479: {  	[tilespmem:v16+s22+$0x0] =	vst.idx.add.f32.msk vm0, v17  }
0x47a: {  	[tilespmem:v9+s22+$0x0] =	vst.idx.add.f32.msk vm11, v12  }
0x47b: {  	[tilespmem:v8+s22+$0x0] =	vst.idx.add.f32.msk vm8, v13  }
0x47c: {  	[tilespmem:v7+s22+$0x0] =	vst.idx.add.f32.msk vm5, v14  }
0x47d: {  	[tilespmem:v5+s22+$0x0] =	vst.idx.add.f32.msk vm3, v10  }
0x47e: {  	[tilespmem:v4+s22+$0x0] =	vst.idx.add.f32.msk vm2, v11  }
.LBB2_50:
0x47f: {  	s0 =	sshra.s32 s3, $0x2  }
0x480: {  	v4 =	vld [tilespmem:s0+$0xF80];
	_ =	sdelay $0x4  }
0x481: {  	v5 =	vand.u32 $0x3FFF, v4;
	_ =	sdelay $0x1  }
0x482: {  	v6 =	vshrl.u32 v4, $0xE  }
0x483: {  	v6 =	vsub.s32 v6, v0  }
0x484: {  	v7 =	vadd.s32 $0x2800, v5;
	vm0 =	vlt.u32 v6, $0x1400  }
0x485: {  	v4 =	vand.u32 $0x7, v4;
	v7 =	vand.u32 $0x7FF8, v7;
	v6 =	vnsel vm0, $0x0, v6;
	v8 =	vld.idx.msk [tilespmem:v5+s1+$0x0], $0xffff  }
0x486: {  	v7 =	vor.u32 v4, v7;
	_ =	sdelay $0x3  }
0x487: {  	v5 =	vadd.s32 $0x5000, v5;
	[tilespmem:v6+s22+$0x0] =	vst.idx.add.f32.msk vm0, v8  }
0x488: {  	v63 =	vadd.s32 $0x1400, v6;
	v5 =	vand.u32 $0xFFF8, v5;
	v7 =	vld.idx.msk [tilespmem:v7+s1+$0x0], $0xffff  }
0x489: {  	v4 =	vor.u32 v4, v5;
	_ =	sdelay $0x3  }
0x48a: {  	[tilespmem:v63+s22+$0x0] =	vst.idx.add.f32.msk vm0, v7  }
0x48b: {  	p0 =	sne.s32 s3, $0x40;
	v5 =	vadd.s32 $0x2800, v6;
	v4 =	vld.idx.msk [tilespmem:v4+s1+$0x0], $0xffff  }
.Ltmp24:
0x48c: {  	_ = 	snop;
	(pc) =	sbr.rel @p0 .LBB2_50-.Ltmp24, $2  }
0x48d: {  	_ =	sdelay $0x2  }
0x48e: {  	s3 =	sadd.s32 $0x40, s3;
	[tilespmem:v5+s22+$0x0] =	vst.idx.add.f32.msk vm0, v4  }
0x48f: {  	[spmem:s19] =	stream.linear.scatter [tilespmem:s24], [sflag:$0x3], $0x400, $0x38;
	[tilespmem:$0x12440] =	vst v63  }
0x490: {  	_ =	swait.ge [sflag:s23], $0x400  }
0x491: {  	[sflag:s23] =	ssyncset.done $0x0  }
0x492: {  	[sflag:s23] =	ssyncadd.s32 $0xFFFFFC00  }
0x493: {  	[bflag:$0x0] =	sbarrier.arrive $0xFFFF  }
0x494: {  	s2 =	simm.s32 $0x80;
	s3 =	simm.s32 $0x49C0;
	s0 =	rddreg [dreg:$0x5]  }
0x495: {  	[spmem:s0] =	stream.indirect.scatter.add.f32 [tilespmem:s22], [sflag:$0x3], $0x80, s3, s2, $0xb8;
	[tilespmem:$0x12440] =	vst v63  }
0x496: {  	_ =	swait.ge [sflag:s23], $0x4000  }
0x497: {  	[sflag:s23] =	ssyncset.done $0x0  }
0x498: {  	[sflag:s23] =	ssyncadd.s32 $0xFFFFC000  }
0x499: {  	[bflag:$0x0] =	sbarrier.arrive $0xFFFF  }
0x49a: {  	[tilespmem:s24], [sflag:$0x3] =	stream.linear.gather [spmem:s19], $0x400, $0x38;
	[tilespmem:$0x12440] =	vst v63  }
0x49b: {  	s25 =	sadd.s32 $0x1, s25;
	_ =	swait.ge [sflag:s23], $0x400  }
0x49c: {  	p0 =	sne.s32 s25, s21;
	[sflag:s23] =	ssyncset.done $0x0  }
.Ltmp25:
0x49d: {  	[sflag:s23] =	ssyncadd.s32 $0xFFFFFC00;
	(pc) =	sbr.rel @p0 .LBB2_1-.Ltmp25, $4  }
0x49e: {  	[hbm4b:s20+s5] =	stream.linear.scatter [tilespmem:s24], [sflag:$0x3], $0x400, $0x38;
	[tilespmem:$0x12440] =	vst v63  }
0x49f: {  	_ =	swait.ge [sflag:s23], $0x400  }
0x4a0: {  	[sflag:s23] =	ssyncset.done $0x0  }
0x4a1: {  	[sflag:s23] =	ssyncadd.s32 $0xFFFFFC00  }
0x4a2: {  	_ =	sfence.sel $0x180000  }
0x4a3: {  	[bflag:$0x0] =	sbarrier.arrive $0xFFFF  }
0x4a4: {  	_ =	strace $0x90000047  }
0x4a5: {  	s0 =	stileid.u32;
	[bflag:$0x2] =	sbarrier.arrive $0xFFFF  }
0x4a6: {  	p0 =	sne.s32 s0, $0x0;
	s0 =	rddreg [dreg:$0x6]  }
0x4a7: {  	s0 =	sadd.s32 @!p0 $0x100000, s0  }
0x4a8: {  	[sflag:s0] =	ssyncadd.tile.s32 @!p0 $0x1;
	_ =	shalt  }
.Lfunc_end2:
_tile_overlayer_lowered:
.L_overlay_start_2:
0x4a9: {  	(tag) =	ssettag $0x2  }
0x4aa: {  	s0 =	rddreg [dreg:$0x0];
	s2 =	stileid.u32  }
0x4ab: {  	s1 =	rddreg [dreg:$0x1];
	p0 =	sne.s32 s2, $0x0  }
0x4ac: {  	s3 =	rddreg [dreg:$0x2];
	[bflag:$0x3] =	sbarrier.arrive $0xFFFF;
	s2 =	simm.s32 @!p0 $0x1C03  }
0x4ad: {  	[timem:s3], [sflag:s2] =	dma.local @!p0 [hbm:s0], s1  }
0x4ae: {  	s0 =	simm.s32 @!p0 $0x3  }
0x4af: {  	_ =	swait.ge @!p0 [sflag:s0], s1  }
0x4b0: {  	s1 =	ssub.s32 @!p0 $0x0, s1;
	[sflag:s0] =	ssyncset.done @!p0 $0x0  }
0x4b1: {  	[sflag:s0] =	ssyncadd.s32 @!p0 s1  }
0x4b2: {  	[bflag:$0x3] =	sbarrier.arrive $0xFFFF  }
0x4b3: {  	_ =	shalt  }

</sc_bundles>
